<compile_context>
chip_gen: v7x
topology: tpu7x:2x2x1
jax: 0.10.2.dev20260603
libtpu: 0.0.44.dev20260713+nightly
codegen_flags: <defaults>
</compile_context>

<pallas_src>
import functools

import jax
import jax.numpy as jnp
from jax import lax
from jax.experimental import pallas as pl
from jax.experimental.pallas import tpu as pltpu
from jax.experimental.pallas import tpu_sc as plsc

_NCORES = 2
_NSUB = 16
_NW = _NCORES * _NSUB
_LANES = 16
_NBINS = 4096
_BIN_SHIFT = 20
_NV = 16


def _monotonic_u32(xv):
  bits = lax.bitcast_convert_type(xv, jnp.int32)
  flip = (bits >> 31) | jnp.int32(-2**31)
  u = lax.bitcast_convert_type(bits ^ flip, jnp.uint32)
  return jnp.where(xv == 0.0, jnp.uint32(0x80000000), u)


def _topk_body(n, k, rows_per_w, scores_hbm, out_idx_hbm, out_val_hbm,
               x_v, cidx_v, hist_v, oval_v, oidx_v, sem_v, osem_v):
  nchunks = n // _LANES
  nslot = n + 128
  wid = lax.axis_index("s") * _NCORES + lax.axis_index("c")
  lane = lax.iota(jnp.int32, _LANES)
  neg_inf = jnp.float32(-jnp.inf)
  big = jnp.int32(2**30)
  lane15 = jnp.full((_LANES,), 15, jnp.int32)
  lane0 = lane == 0
  zeros16 = jnp.zeros((_LANES,), jnp.int32)
  ninf16 = jnp.full((_LANES,), neg_inf, jnp.float32)

  def _perm(v, idx):
    return jnp.take_along_axis(v, idx, axis=0)

  def _combine(av, ai, bv, bi):
    better = (bv > av) | ((bv == av) & (bi < ai))
    return jnp.where(better, bv, av), jnp.where(better, bi, ai)

  def _argmax_splat(bv, bi):
    for sh in (8, 4, 2, 1):
      pidx = lane ^ sh
      bv, bi = _combine(bv, bi, _perm(bv, pidx), _perm(bi, pidx))
    return bv, bi

  x_v[pl.ds(n, _LANES)] = ninf16
  x_v[pl.ds(nslot + n, _LANES)] = ninf16

  def _copy_slot(r, slot_base):
    return pltpu.make_async_copy(
        scores_hbm.at[wid * rows_per_w + r],
        x_v.at[pl.ds(slot_base, n)],
        sem_v.at[(slot_base > 0) * 1])

  def _start(r):
    @pl.when((r & 1) == 0)
    def _():
      _copy_slot(r, 0).start()

    @pl.when((r & 1) == 1)
    def _():
      _copy_slot(r, nslot).start()

  def _wait(r):
    @pl.when((r & 1) == 0)
    def _():
      _copy_slot(r, 0).wait()

    @pl.when((r & 1) == 1)
    def _():
      _copy_slot(r, nslot).wait()

  @pl.when(rows_per_w > 0)
  def _():
    _start(jnp.int32(0))

  def do_row(r, _):
    base = (r & 1) * nslot
    _wait(r)

    @pl.when(r + 1 < rows_per_w)
    def _():
      _start(r + 1)

    base16 = zeros16 + base
    rsplat = zeros16 + r

    @plsc.parallel_loop(0, _NV, unroll=4)
    def _(j):
      cidx_v[pl.ds(j * _LANES, _LANES)] = lane + jnp.int32(n)

    def compact(thresh):
      @plsc.parallel_loop(0, nchunks, unroll=8, carry=zeros16)
      def cntv(i, cntv):
        xv = x_v[pl.ds(base + i * _LANES, _LANES)]
        u = _monotonic_u32(xv)
        m = u >= thresh
        iv = lane + i * _LANES
        cs = plsc.cumsum(m.astype(jnp.int32))
        plsc.store_scatter(cidx_v, [cntv + cs - 1], iv, mask=m)
        return cntv + _perm(cs, lane15)
      return cntv[0]

    @plsc.parallel_loop(0, nchunks, unroll=8, carry=zeros16 - 1)
    def cntm(i, cntm):
      xv = x_v[pl.ds(base + i * _LANES, _LANES)]
      m = xv >= 2.7
      iv = lane + i * _LANES
      cs = plsc.cumsum(m.astype(jnp.int32))
      plsc.store_scatter(cidx_v, [cntm + cs], iv, mask=m)
      return cntm + _perm(cs, lane15)
    cnt0 = cntm[0] + 1

    def fallback():
      @plsc.parallel_loop(0, _NBINS // _LANES, unroll=8)
      def _(i):
        hist_v[pl.ds(i * _LANES, _LANES)] = zeros16

      ones = jnp.ones((_LANES,), jnp.int32)

      @plsc.parallel_loop(0, nchunks, unroll=8)
      def _(i):
        xv = x_v[pl.ds(base + i * _LANES, _LANES)]
        u = _monotonic_u32(xv)
        d = (u >> _BIN_SHIFT).astype(jnp.int32)
        plsc.addupdate_scatter(hist_v, [d], ones, mask=lane >= 0)

      def scond(c):
        b, cum = c
        return (cum < k) & (b >= 0)

      def sbody(c):
        b, cum = c
        hv = hist_v[pl.ds(b * _LANES, _LANES)]
        return b - 1, cum + jnp.sum(hv)
      cfin, cum = lax.while_loop(
          scond, sbody, (jnp.int32(_NBINS // _LANES - 1), jnp.int32(0)))
      cc = jnp.maximum(cfin + 1, 0)
      hv = hist_v[pl.ds(cc * _LANES, _LANES)]
      cum_above = cum - jnp.sum(hv)
      cs = jnp.cumsum(lax.rev(hv, (0,)))
      p = jnp.sum((cum_above + cs < k).astype(jnp.int32))
      binsel = jnp.where(cum >= k, cc * _LANES + (_LANES - 1) - p, 0)
      thresh = binsel.astype(jnp.uint32) << _BIN_SHIFT

      @plsc.parallel_loop(0, _NV, unroll=4)
      def _(j):
        cidx_v[pl.ds(j * _LANES, _LANES)] = lane + jnp.int32(n)

      tiered_select(compact(thresh))
    def make_fast(nv):
      def fast_sel():
        ivs = [cidx_v[pl.ds(j * _LANES, _LANES)] for j in range(nv)]
        vvs0 = tuple(plsc.load_gather(x_v, [iv + base16]) for iv in ivs)

        def step(j, vvs):
          red = [(vvs[t], ivs[t]) for t in range(nv)]
          while len(red) > 1:
            half = len(red) // 2
            red = [_combine(*red[t], *red[t + half]) for t in range(half)]
          bv, bi = _argmax_splat(*red[0])
          jsplat = zeros16 + j
          plsc.store_scatter(oval_v, [rsplat, jsplat], bv, mask=lane0)
          plsc.store_scatter(oidx_v, [rsplat, jsplat], bi, mask=lane0)
          return tuple(jnp.where(ivs[t] == bi, neg_inf, vvs[t])
                       for t in range(nv))
        lax.fori_loop(0, k, step, vvs0)
      return fast_sel

    def make_slow(cnt):
     def slow_sel():
      cidx_v[pl.ds(cnt, _LANES)] = lane + jnp.int32(n)
      nvec = (cnt + _LANES - 1) // _LANES
      init_sel = (ninf16, jnp.full((_LANES,), big, jnp.int32))

      def sel(j, _):
        @plsc.parallel_loop(0, nvec, unroll=2, carry=init_sel)
        def sweep(v, carry):
          bv, bi = carry
          iv = cidx_v[pl.ds(v * _LANES, _LANES)]
          vv = plsc.load_gather(x_v, [iv + base16])
          return _combine(bv, bi, vv, iv)
        bv, bi = _argmax_splat(*sweep)
        jsplat = zeros16 + j
        plsc.store_scatter(oval_v, [rsplat, jsplat], bv, mask=lane0)
        plsc.store_scatter(oidx_v, [rsplat, jsplat], bi, mask=lane0)
        plsc.store_scatter(x_v, [bi + base16], ninf16, mask=lane0)
        return 0
      lax.fori_loop(0, k, sel, 0)
     return slow_sel

    def tiered_select(cnt):
      lax.cond(cnt <= 8 * _LANES, make_fast(8),
               lambda: lax.cond(cnt <= _NV * _LANES, make_fast(_NV),
                                make_slow(cnt)))

    lax.cond((cnt0 >= k) & (cnt0 <= _NV * _LANES),
             lambda: tiered_select(cnt0), fallback)
    return 0

  lax.fori_loop(0, rows_per_w, do_row, 0)

  c0 = pltpu.make_async_copy(
      oidx_v, out_idx_hbm.at[pl.ds(wid * rows_per_w, rows_per_w)],
      osem_v.at[0])
  c1 = pltpu.make_async_copy(
      oval_v, out_val_hbm.at[pl.ds(wid * rows_per_w, rows_per_w)],
      osem_v.at[1])
  c0.start()
  c1.start()
  c0.wait()
  c1.wait()


def kernel(scores):
  b, n = scores.shape
  k = min(64, n)
  assert b % _NW == 0 and n % _LANES == 0
  rows_per_w = b // _NW
  body = functools.partial(_topk_body, n, k, rows_per_w)
  f = pl.kernel(
      body,
      out_type=(jax.ShapeDtypeStruct((b, k), jnp.int32),
                jax.ShapeDtypeStruct((b, k), jnp.float32)),
      mesh=plsc.VectorSubcoreMesh(core_axis_name="c", subcore_axis_name="s",
                                  num_cores=_NCORES, num_subcores=_NSUB),
      compiler_params=pltpu.CompilerParams(needs_layout_passes=False),
      scratch_types=[
          pltpu.VMEM((2 * (n + 128),), jnp.float32),
          pltpu.VMEM((n + _LANES,), jnp.int32),
          pltpu.VMEM((_NBINS,), jnp.int32),
          pltpu.VMEM((b // _NW, 64), jnp.float32),
          pltpu.VMEM((b // _NW, 64), jnp.int32),
          pltpu.SemaphoreType.DMA((2,)),
          pltpu.SemaphoreType.DMA((2,)),
      ],
  )
  return f(scores)

# --- scband reference (transcript-rebuilt; emitter-appended) ---
"""Pipeline reference for scband-final-policy-selector-34239479284040 (READ-ONLY COPY).

The authoritative reference and input builder live on the scoring server;
editing this copy changes nothing except your own understanding.
"""

import jax, jax.numpy as jnp
import numpy as np

NUM_CORES = 64

def setup_inputs(seed: int = 0) -> dict:
    key = jax.random.key(seed)
    scores = jax.random.normal(key, (128, 32768), dtype=jnp.float32)
    return {"scores": scores}

def reference(scores):
    B, N = scores.shape
    K = min(NUM_CORES, N)
    topk_scores, topk_idx = jax.lax.top_k(scores, K)
    return (topk_idx, topk_scores)

if __name__ == "__main__":
    import jax
    _d = setup_inputs()
    print(jax.jit(kernel)(*tuple(_d.values())))

</pallas_src>

<mosaic_0001>
#map = affine_map<(d0, d1) -> (0, 0)>
module attributes {stable_mosaic.version = 14 : i64} {
  func.func @_topk_body(%arg0: i32, %arg1: i32, %arg2: memref<128x32768xf32, #tpu.memory_space<hbm>>, %arg3: memref<128x64xi32, #tpu.memory_space<hbm>>, %arg4: memref<128x64xf32, #tpu.memory_space<hbm>>, %arg5: memref<65792xf32, #tpu.memory_space<vmem>>, %arg6: memref<32784xi32, #tpu.memory_space<vmem>>, %arg7: memref<4096xi32, #tpu.memory_space<vmem>>, %arg8: memref<4x64xf32, #tpu.memory_space<vmem>>, %arg9: memref<4x64xi32, #tpu.memory_space<vmem>>, %arg10: memref<2x!tpu.dma_semaphore, #tpu.memory_space<semaphore_mem>>, %arg11: memref<2x!tpu.dma_semaphore, #tpu.memory_space<semaphore_mem>>) attributes {dimension_semantics = [#tpu.dimension_semantics<core_parallel>, #tpu.dimension_semantics<subcore_parallel>], iteration_bounds = array<i64: 2, 16>, scalar_prefetch = 0 : i64, scratch_operands = 7 : i64, tpu.core_type = #tpu.core_type<sc_vector_subcore>, window_params = [{transform_indices = #map}, {transform_indices = #map}, {transform_indices = #map}]} {
    %mul3A = arith.constant 2 : i32
    %mul3A_0 = arith.muli %arg1, %mul3A : i32
    %add3A = arith.addi %mul3A_0, %arg0 : i32
    %iota3A = tpu.iota {dimensions = array<i32: 0>} : vector<16xi32>
    %broadcast_in_dim3A = arith.constant 15 : i32
    %broadcast_in_dim3A_1 = vector.broadcast %broadcast_in_dim3A : i32 to vector<16xi32>
    %eq3A = arith.constant 0 : i32
    %eq3A_2 = vector.broadcast %eq3A : i32 to vector<16xi32>
    %eq3A_3 = arith.cmpi eq, %iota3A, %eq3A_2 : vector<16xi32>
    %broadcast_in_dim3A_4 = arith.constant 0 : i32
    %broadcast_in_dim3A_5 = vector.broadcast %broadcast_in_dim3A_4 : i32 to vector<16xi32>
    %broadcast_in_dim3A_6 = arith.constant 0xFF800000 : f32
    %broadcast_in_dim3A_7 = vector.broadcast %broadcast_in_dim3A_6 : f32 to vector<16xf32>
    %swap3A = arith.constant 32768 : index
    %swap3A_8 = tpu.vector_load %arg5[%swap3A] {strides = array<i32>} : memref<65792xf32, #tpu.memory_space<vmem>>, vector<16xf32>,
    tpu.vector_store %arg5[%swap3A], %broadcast_in_dim3A_7 {strides = array<i32>} : memref<65792xf32, #tpu.memory_space<vmem>>, vector<16xf32>,
    %swap3A_9 = arith.constant 65664 : index
    %swap3A_10 = tpu.vector_load %arg5[%swap3A_9] {strides = array<i32>} : memref<65792xf32, #tpu.memory_space<vmem>>, vector<16xf32>,
    tpu.vector_store %arg5[%swap3A_9], %broadcast_in_dim3A_7 {strides = array<i32>} : memref<65792xf32, #tpu.memory_space<vmem>>, vector<16xf32>,
    %and3A = arith.constant 0 : i32
    %and3A_11 = arith.constant 1 : i32
    %and3A_12 = arith.andi %and3A, %and3A_11 : i32
    %eq3A_13 = arith.constant 0 : i32
    %eq3A_14 = arith.cmpi eq, %and3A_12, %eq3A_13 : i32
    %convert_element_type3A = arith.extui %eq3A_14 : i1 to i32
    %cond3A = arith.constant 0 : i32
    %cond3A_15 = arith.constant 0 : i32
    %cond3A_16 = arith.cmpi ne, %convert_element_type3A, %cond3A_15 : i32
    scf.if %cond3A_16 {
      %mul3A_64 = arith.constant 4 : i32
      %mul3A_65 = arith.muli %add3A, %mul3A_64 : i32
      %add3A_66 = arith.addi %mul3A_65, %cond3A : i32
      %dma_start3A_67 = arith.constant 0 : i32
      %dma_start3A_68 = arith.constant 0 : i32
      %dma_start3A_69 = tpu.memref_slice %arg5[%dma_start3A_68] : memref<65792xf32, #tpu.memory_space<vmem>> -> memref<32768xf32, #tpu.memory_space<vmem>>
      %dma_start3A_70 = arith.constant 0 : i32
      %dma_start3A_71 = tpu.memref_slice %arg2[%add3A_66, %dma_start3A_70] : memref<128x32768xf32, #tpu.memory_space<hbm>> -> memref<1x32768xf32, #tpu.memory_space<hbm>>
      %dma_start3A_72 = tpu.memref_squeeze %dma_start3A_71 : memref<1x32768xf32, #tpu.memory_space<hbm>> -> memref<32768xf32, #tpu.memory_space<hbm>>
      %dma_start3A_73 = tpu.memref_slice %arg10[%dma_start3A_67] : memref<2x!tpu.dma_semaphore, #tpu.memory_space<semaphore_mem>> -> memref<1x!tpu.dma_semaphore, #tpu.memory_space<semaphore_mem>>
      %dma_start3A_74 = tpu.memref_squeeze %dma_start3A_73 : memref<1x!tpu.dma_semaphore, #tpu.memory_space<semaphore_mem>> -> memref<!tpu.dma_semaphore, #tpu.memory_space<semaphore_mem>>
      %dma_start3A_75 = arith.constant 0 : i32
      %dma_start3A_76 = tpu.memref_slice %arg5[%dma_start3A_75] : memref<65792xf32, #tpu.memory_space<vmem>> -> memref<32768xf32, #tpu.memory_space<vmem>>
      %dma_start3A_77 = arith.constant 0 : i32
      %dma_start3A_78 = tpu.memref_slice %arg2[%add3A_66, %dma_start3A_77] : memref<128x32768xf32, #tpu.memory_space<hbm>> -> memref<1x32768xf32, #tpu.memory_space<hbm>>
      %dma_start3A_79 = tpu.memref_squeeze %dma_start3A_78 : memref<1x32768xf32, #tpu.memory_space<hbm>> -> memref<32768xf32, #tpu.memory_space<hbm>>
      tpu.enqueue_dma source(%dma_start3A_79 : memref<32768xf32, #tpu.memory_space<hbm>>) target(%dma_start3A_76 : memref<32768xf32, #tpu.memory_space<vmem>>) target_semaphore(%dma_start3A_74 : memref<!tpu.dma_semaphore, #tpu.memory_space<semaphore_mem>>)
    } else {
    }
    %and3A_17 = arith.constant 0 : i32
    %and3A_18 = arith.constant 1 : i32
    %and3A_19 = arith.andi %and3A_17, %and3A_18 : i32
    %eq3A_20 = arith.constant 1 : i32
    %eq3A_21 = arith.cmpi eq, %and3A_19, %eq3A_20 : i32
    %convert_element_type3A_22 = arith.extui %eq3A_21 : i1 to i32
    %cond3A_23 = arith.constant 0 : i32
    %cond3A_24 = arith.constant 0 : i32
    %cond3A_25 = arith.cmpi ne, %convert_element_type3A_22, %cond3A_24 : i32
    scf.if %cond3A_25 {
      %mul3A_64 = arith.constant 4 : i32
      %mul3A_65 = arith.muli %add3A, %mul3A_64 : i32
      %add3A_66 = arith.addi %mul3A_65, %cond3A_23 : i32
      %dma_start3A_67 = arith.constant 1 : i32
      %dma_start3A_68 = arith.constant 32896 : i32
      %dma_start3A_69 = tpu.memref_slice %arg5[%dma_start3A_68] : memref<65792xf32, #tpu.memory_space<vmem>> -> memref<32768xf32, #tpu.memory_space<vmem>>
      %dma_start3A_70 = arith.constant 0 : i32
      %dma_start3A_71 = tpu.memref_slice %arg2[%add3A_66, %dma_start3A_70] : memref<128x32768xf32, #tpu.memory_space<hbm>> -> memref<1x32768xf32, #tpu.memory_space<hbm>>
      %dma_start3A_72 = tpu.memref_squeeze %dma_start3A_71 : memref<1x32768xf32, #tpu.memory_space<hbm>> -> memref<32768xf32, #tpu.memory_space<hbm>>
      %dma_start3A_73 = tpu.memref_slice %arg10[%dma_start3A_67] : memref<2x!tpu.dma_semaphore, #tpu.memory_space<semaphore_mem>> -> memref<1x!tpu.dma_semaphore, #tpu.memory_space<semaphore_mem>>
      %dma_start3A_74 = tpu.memref_squeeze %dma_start3A_73 : memref<1x!tpu.dma_semaphore, #tpu.memory_space<semaphore_mem>> -> memref<!tpu.dma_semaphore, #tpu.memory_space<semaphore_mem>>
      %dma_start3A_75 = arith.constant 32896 : i32
      %dma_start3A_76 = tpu.memref_slice %arg5[%dma_start3A_75] : memref<65792xf32, #tpu.memory_space<vmem>> -> memref<32768xf32, #tpu.memory_space<vmem>>
      %dma_start3A_77 = arith.constant 0 : i32
      %dma_start3A_78 = tpu.memref_slice %arg2[%add3A_66, %dma_start3A_77] : memref<128x32768xf32, #tpu.memory_space<hbm>> -> memref<1x32768xf32, #tpu.memory_space<hbm>>
      %dma_start3A_79 = tpu.memref_squeeze %dma_start3A_78 : memref<1x32768xf32, #tpu.memory_space<hbm>> -> memref<32768xf32, #tpu.memory_space<hbm>>
      tpu.enqueue_dma source(%dma_start3A_79 : memref<32768xf32, #tpu.memory_space<hbm>>) target(%dma_start3A_76 : memref<32768xf32, #tpu.memory_space<vmem>>) target_semaphore(%dma_start3A_74 : memref<!tpu.dma_semaphore, #tpu.memory_space<semaphore_mem>>)
    } else {
    }
    %scan3A = arith.constant 0xFF800000 : f32
    %scan3A_26 = arith.constant 1073741824 : i32
    %scan3A_27 = arith.constant 0 : i32
    %scan3A_28 = arith.constant 0 : i32
    %scan3A_29 = arith.constant 4 : i32
    %scan3A_30 = arith.addi %scan3A_28, %scan3A_29 : i32
    %scan3A_31 = arith.constant 1 : i32
    %scan3A_32 = scf.for %scan3A_64 = %scan3A_28 to %scan3A_30 step %scan3A_31 iter_args(%scan3A_65 = %scan3A_27) -> (i32)  : i32 {
      %and3A_66 = arith.constant 1 : i32
      %and3A_67 = arith.andi %scan3A_64, %and3A_66 : i32
      %mul3A_68 = arith.constant 32896 : i32
      %mul3A_69 = arith.muli %and3A_67, %mul3A_68 : i32
      %and3A_70 = arith.constant 1 : i32
      %and3A_71 = arith.andi %scan3A_64, %and3A_70 : i32
      %eq3A_72 = arith.constant 0 : i32
      %eq3A_73 = arith.cmpi eq, %and3A_71, %eq3A_72 : i32
      %convert_element_type3A_74 = arith.extui %eq3A_73 : i1 to i32
      %cond3A_75 = arith.constant 0 : i32
      %cond3A_76 = arith.cmpi ne, %convert_element_type3A_74, %cond3A_75 : i32
      scf.if %cond3A_76 {
        %mul3A_111 = arith.constant 4 : i32
        %mul3A_112 = arith.muli %add3A, %mul3A_111 : i32
        %add3A_113 = arith.addi %mul3A_112, %scan3A_64 : i32
        %dma_wait3A_114 = arith.constant 0 : i32
        %dma_wait3A_115 = arith.constant 0 : i32
        %dma_wait3A_116 = tpu.memref_slice %arg5[%dma_wait3A_115] : memref<65792xf32, #tpu.memory_space<vmem>> -> memref<32768xf32, #tpu.memory_space<vmem>>
        %dma_wait3A_117 = arith.constant 0 : i32
        %dma_wait3A_118 = tpu.memref_slice %arg2[%add3A_113, %dma_wait3A_117] : memref<128x32768xf32, #tpu.memory_space<hbm>> -> memref<1x32768xf32, #tpu.memory_space<hbm>>
        %dma_wait3A_119 = tpu.memref_squeeze %dma_wait3A_118 : memref<1x32768xf32, #tpu.memory_space<hbm>> -> memref<32768xf32, #tpu.memory_space<hbm>>
        %dma_wait3A_120 = tpu.memref_slice %arg10[%dma_wait3A_114] : memref<2x!tpu.dma_semaphore, #tpu.memory_space<semaphore_mem>> -> memref<1x!tpu.dma_semaphore, #tpu.memory_space<semaphore_mem>>
        %dma_wait3A_121 = tpu.memref_squeeze %dma_wait3A_120 : memref<1x!tpu.dma_semaphore, #tpu.memory_space<semaphore_mem>> -> memref<!tpu.dma_semaphore, #tpu.memory_space<semaphore_mem>>
        %dma_wait3A_122 = arith.constant 0 : i32
        %dma_wait3A_123 = tpu.memref_slice %arg5[%dma_wait3A_122] : memref<65792xf32, #tpu.memory_space<vmem>> -> memref<32768xf32, #tpu.memory_space<vmem>>
        %dma_wait3A_124 = arith.constant 0 : i32
        %dma_wait3A_125 = tpu.memref_slice %arg2[%add3A_113, %dma_wait3A_124] : memref<128x32768xf32, #tpu.memory_space<hbm>> -> memref<1x32768xf32, #tpu.memory_space<hbm>>
        %dma_wait3A_126 = tpu.memref_squeeze %dma_wait3A_125 : memref<1x32768xf32, #tpu.memory_space<hbm>> -> memref<32768xf32, #tpu.memory_space<hbm>>
        tpu.wait_dma2 semaphore(%dma_wait3A_121 : memref<!tpu.dma_semaphore, #tpu.memory_space<semaphore_mem>>) src(%dma_wait3A_126 : memref<32768xf32, #tpu.memory_space<hbm>>) dst(%dma_wait3A_123 : memref<32768xf32, #tpu.memory_space<vmem>>)
      } else {
      }
      %and3A_77 = arith.constant 1 : i32
      %and3A_78 = arith.andi %scan3A_64, %and3A_77 : i32
      %eq3A_79 = arith.constant 1 : i32
      %eq3A_80 = arith.cmpi eq, %and3A_78, %eq3A_79 : i32
      %convert_element_type3A_81 = arith.extui %eq3A_80 : i1 to i32
      %cond3A_82 = arith.constant 0 : i32
      %cond3A_83 = arith.cmpi ne, %convert_element_type3A_81, %cond3A_82 : i32
      scf.if %cond3A_83 {
        %mul3A_111 = arith.constant 4 : i32
        %mul3A_112 = arith.muli %add3A, %mul3A_111 : i32
        %add3A_113 = arith.addi %mul3A_112, %scan3A_64 : i32
        %dma_wait3A_114 = arith.constant 1 : i32
        %dma_wait3A_115 = arith.constant 32896 : i32
        %dma_wait3A_116 = tpu.memref_slice %arg5[%dma_wait3A_115] : memref<65792xf32, #tpu.memory_space<vmem>> -> memref<32768xf32, #tpu.memory_space<vmem>>
        %dma_wait3A_117 = arith.constant 0 : i32
        %dma_wait3A_118 = tpu.memref_slice %arg2[%add3A_113, %dma_wait3A_117] : memref<128x32768xf32, #tpu.memory_space<hbm>> -> memref<1x32768xf32, #tpu.memory_space<hbm>>
        %dma_wait3A_119 = tpu.memref_squeeze %dma_wait3A_118 : memref<1x32768xf32, #tpu.memory_space<hbm>> -> memref<32768xf32, #tpu.memory_space<hbm>>
        %dma_wait3A_120 = tpu.memref_slice %arg10[%dma_wait3A_114] : memref<2x!tpu.dma_semaphore, #tpu.memory_space<semaphore_mem>> -> memref<1x!tpu.dma_semaphore, #tpu.memory_space<semaphore_mem>>
        %dma_wait3A_121 = tpu.memref_squeeze %dma_wait3A_120 : memref<1x!tpu.dma_semaphore, #tpu.memory_space<semaphore_mem>> -> memref<!tpu.dma_semaphore, #tpu.memory_space<semaphore_mem>>
        %dma_wait3A_122 = arith.constant 32896 : i32
        %dma_wait3A_123 = tpu.memref_slice %arg5[%dma_wait3A_122] : memref<65792xf32, #tpu.memory_space<vmem>> -> memref<32768xf32, #tpu.memory_space<vmem>>
        %dma_wait3A_124 = arith.constant 0 : i32
        %dma_wait3A_125 = tpu.memref_slice %arg2[%add3A_113, %dma_wait3A_124] : memref<128x32768xf32, #tpu.memory_space<hbm>> -> memref<1x32768xf32, #tpu.memory_space<hbm>>
        %dma_wait3A_126 = tpu.memref_squeeze %dma_wait3A_125 : memref<1x32768xf32, #tpu.memory_space<hbm>> -> memref<32768xf32, #tpu.memory_space<hbm>>
        tpu.wait_dma2 semaphore(%dma_wait3A_121 : memref<!tpu.dma_semaphore, #tpu.memory_space<semaphore_mem>>) src(%dma_wait3A_126 : memref<32768xf32, #tpu.memory_space<hbm>>) dst(%dma_wait3A_123 : memref<32768xf32, #tpu.memory_space<vmem>>)
      } else {
      }
      %add3A_84 = arith.constant 1 : i32
      %add3A_85 = arith.addi %scan3A_64, %add3A_84 : i32
      %lt3A = arith.constant 4 : i32
      %lt3A_86 = arith.cmpi slt, %add3A_85, %lt3A : i32
      %convert_element_type3A_87 = arith.extui %lt3A_86 : i1 to i32
      %cond3A_88 = arith.constant 0 : i32
      %cond3A_89 = arith.cmpi ne, %convert_element_type3A_87, %cond3A_88 : i32
      scf.if %cond3A_89 {
        %add3A_111 = arith.constant 1 : i32
        %add3A_112 = arith.addi %scan3A_64, %add3A_111 : i32
        %and3A_113 = arith.constant 1 : i32
        %and3A_114 = arith.andi %add3A_112, %and3A_113 : i32
        %eq3A_115 = arith.constant 0 : i32
        %eq3A_116 = arith.cmpi eq, %and3A_114, %eq3A_115 : i32
        %convert_element_type3A_117 = arith.extui %eq3A_116 : i1 to i32
        %cond3A_118 = arith.constant 0 : i32
        %cond3A_119 = arith.cmpi ne, %convert_element_type3A_117, %cond3A_118 : i32
        scf.if %cond3A_119 {
          %mul3A_127 = arith.constant 4 : i32
          %mul3A_128 = arith.muli %add3A, %mul3A_127 : i32
          %add3A_129 = arith.addi %mul3A_128, %add3A_112 : i32
          %dma_start3A_130 = arith.constant 0 : i32
          %dma_start3A_131 = arith.constant 0 : i32
          %dma_start3A_132 = tpu.memref_slice %arg5[%dma_start3A_131] : memref<65792xf32, #tpu.memory_space<vmem>> -> memref<32768xf32, #tpu.memory_space<vmem>>
          %dma_start3A_133 = arith.constant 0 : i32
          %dma_start3A_134 = tpu.memref_slice %arg2[%add3A_129, %dma_start3A_133] : memref<128x32768xf32, #tpu.memory_space<hbm>> -> memref<1x32768xf32, #tpu.memory_space<hbm>>
          %dma_start3A_135 = tpu.memref_squeeze %dma_start3A_134 : memref<1x32768xf32, #tpu.memory_space<hbm>> -> memref<32768xf32, #tpu.memory_space<hbm>>
          %dma_start3A_136 = tpu.memref_slice %arg10[%dma_start3A_130] : memref<2x!tpu.dma_semaphore, #tpu.memory_space<semaphore_mem>> -> memref<1x!tpu.dma_semaphore, #tpu.memory_space<semaphore_mem>>
          %dma_start3A_137 = tpu.memref_squeeze %dma_start3A_136 : memref<1x!tpu.dma_semaphore, #tpu.memory_space<semaphore_mem>> -> memref<!tpu.dma_semaphore, #tpu.memory_space<semaphore_mem>>
          %dma_start3A_138 = arith.constant 0 : i32
          %dma_start3A_139 = tpu.memref_slice %arg5[%dma_start3A_138] : memref<65792xf32, #tpu.memory_space<vmem>> -> memref<32768xf32, #tpu.memory_space<vmem>>
          %dma_start3A_140 = arith.constant 0 : i32
          %dma_start3A_141 = tpu.memref_slice %arg2[%add3A_129, %dma_start3A_140] : memref<128x32768xf32, #tpu.memory_space<hbm>> -> memref<1x32768xf32, #tpu.memory_space<hbm>>
          %dma_start3A_142 = tpu.memref_squeeze %dma_start3A_141 : memref<1x32768xf32, #tpu.memory_space<hbm>> -> memref<32768xf32, #tpu.memory_space<hbm>>
          tpu.enqueue_dma source(%dma_start3A_142 : memref<32768xf32, #tpu.memory_space<hbm>>) target(%dma_start3A_139 : memref<32768xf32, #tpu.memory_space<vmem>>) target_semaphore(%dma_start3A_137 : memref<!tpu.dma_semaphore, #tpu.memory_space<semaphore_mem>>)
        } else {
        }
        %and3A_120 = arith.constant 1 : i32
        %and3A_121 = arith.andi %add3A_112, %and3A_120 : i32
        %eq3A_122 = arith.constant 1 : i32
        %eq3A_123 = arith.cmpi eq, %and3A_121, %eq3A_122 : i32
        %convert_element_type3A_124 = arith.extui %eq3A_123 : i1 to i32
        %cond3A_125 = arith.constant 0 : i32
        %cond3A_126 = arith.cmpi ne, %convert_element_type3A_124, %cond3A_125 : i32
        scf.if %cond3A_126 {
          %mul3A_127 = arith.constant 4 : i32
          %mul3A_128 = arith.muli %add3A, %mul3A_127 : i32
          %add3A_129 = arith.addi %mul3A_128, %add3A_112 : i32
          %dma_start3A_130 = arith.constant 1 : i32
          %dma_start3A_131 = arith.constant 32896 : i32
          %dma_start3A_132 = tpu.memref_slice %arg5[%dma_start3A_131] : memref<65792xf32, #tpu.memory_space<vmem>> -> memref<32768xf32, #tpu.memory_space<vmem>>
          %dma_start3A_133 = arith.constant 0 : i32
          %dma_start3A_134 = tpu.memref_slice %arg2[%add3A_129, %dma_start3A_133] : memref<128x32768xf32, #tpu.memory_space<hbm>> -> memref<1x32768xf32, #tpu.memory_space<hbm>>
          %dma_start3A_135 = tpu.memref_squeeze %dma_start3A_134 : memref<1x32768xf32, #tpu.memory_space<hbm>> -> memref<32768xf32, #tpu.memory_space<hbm>>
          %dma_start3A_136 = tpu.memref_slice %arg10[%dma_start3A_130] : memref<2x!tpu.dma_semaphore, #tpu.memory_space<semaphore_mem>> -> memref<1x!tpu.dma_semaphore, #tpu.memory_space<semaphore_mem>>
          %dma_start3A_137 = tpu.memref_squeeze %dma_start3A_136 : memref<1x!tpu.dma_semaphore, #tpu.memory_space<semaphore_mem>> -> memref<!tpu.dma_semaphore, #tpu.memory_space<semaphore_mem>>
          %dma_start3A_138 = arith.constant 32896 : i32
          %dma_start3A_139 = tpu.memref_slice %arg5[%dma_start3A_138] : memref<65792xf32, #tpu.memory_space<vmem>> -> memref<32768xf32, #tpu.memory_space<vmem>>
          %dma_start3A_140 = arith.constant 0 : i32
          %dma_start3A_141 = tpu.memref_slice %arg2[%add3A_129, %dma_start3A_140] : memref<128x32768xf32, #tpu.memory_space<hbm>> -> memref<1x32768xf32, #tpu.memory_space<hbm>>
          %dma_start3A_142 = tpu.memref_squeeze %dma_start3A_141 : memref<1x32768xf32, #tpu.memory_space<hbm>> -> memref<32768xf32, #tpu.memory_space<hbm>>
          tpu.enqueue_dma source(%dma_start3A_142 : memref<32768xf32, #tpu.memory_space<hbm>>) target(%dma_start3A_139 : memref<32768xf32, #tpu.memory_space<vmem>>) target_semaphore(%dma_start3A_137 : memref<!tpu.dma_semaphore, #tpu.memory_space<semaphore_mem>>)
        } else {
        }
      } else {
      }
      %add3A_90 = vector.broadcast %mul3A_69 : i32 to vector<16xi32>
      %add3A_91 = arith.addi %broadcast_in_dim3A_5, %add3A_90 : vector<16xi32>
      %add3A_92 = vector.broadcast %scan3A_64 : i32 to vector<16xi32>
      %add3A_93 = arith.addi %broadcast_in_dim3A_5, %add3A_92 : vector<16xi32>
      %parallel_loop3A = arith.constant 0 : i32
      %parallel_loop3A_94 = arith.constant 16 : i32
      %parallel_loop3A_95 = arith.constant 1 : i32
      scf.for %parallel_loop3A_111 = %parallel_loop3A to %parallel_loop3A_94 step %parallel_loop3A_95  : i32 {
        %parallel_loop3A_112 = arith.constant 32768 : i32
        %parallel_loop3A_113 = vector.broadcast %parallel_loop3A_112 : i32 to vector<16xi32>
        %parallel_loop3A_114 = arith.addi %iota3A, %parallel_loop3A_113 : vector<16xi32>
        %parallel_loop3A_115 = arith.constant 16 : i32
        %parallel_loop3A_116 = arith.muli %parallel_loop3A_111, %parallel_loop3A_115 : i32
        %parallel_loop3A_117 = arith.index_cast %parallel_loop3A_116 : i32 to index
        %parallel_loop3A_118 = tpu.vector_load %arg6[%parallel_loop3A_117] {strides = array<i32>} : memref<32784xi32, #tpu.memory_space<vmem>>, vector<16xi32>,
        tpu.vector_store %arg6[%parallel_loop3A_117], %parallel_loop3A_114 {strides = array<i32>} : memref<32784xi32, #tpu.memory_space<vmem>>, vector<16xi32>,
      } {sc.loop_unroll_factor = 4 : i64, sc.parallel_access}
      %sub3A = arith.constant 1 : i32
      %sub3A_96 = vector.broadcast %sub3A : i32 to vector<16xi32>
      %sub3A_97 = arith.subi %broadcast_in_dim3A_5, %sub3A_96 : vector<16xi32>
      %parallel_loop3A_98 = arith.constant 0 : i32
      %parallel_loop3A_99 = arith.constant 2048 : i32
      %parallel_loop3A_100 = arith.constant 1 : i32
      %parallel_loop3A_101 = scf.for %parallel_loop3A_111 = %parallel_loop3A_98 to %parallel_loop3A_99 step %parallel_loop3A_100 iter_args(%parallel_loop3A_112 = %sub3A_97) -> (vector<16xi32>)  : i32 {
        %parallel_loop3A_113 = arith.constant 16 : i32
        %parallel_loop3A_114 = arith.muli %parallel_loop3A_111, %parallel_loop3A_113 : i32
        %parallel_loop3A_115 = arith.addi %mul3A_69, %parallel_loop3A_114 : i32
        %parallel_loop3A_116 = arith.index_cast %parallel_loop3A_115 : i32 to index
        %parallel_loop3A_117 = tpu.vector_load %arg5[%parallel_loop3A_116] {strides = array<i32>} : memref<65792xf32, #tpu.memory_space<vmem>>, vector<16xf32>,
        %parallel_loop3A_118 = arith.constant 2.700000e+00 : f32
        %parallel_loop3A_119 = vector.broadcast %parallel_loop3A_118 : f32 to vector<16xf32>
        %parallel_loop3A_120 = arith.cmpf oge, %parallel_loop3A_117, %parallel_loop3A_119 : vector<16xf32>
        %parallel_loop3A_121 = arith.constant 16 : i32
        %parallel_loop3A_122 = arith.muli %parallel_loop3A_111, %parallel_loop3A_121 : i32
        %parallel_loop3A_123 = vector.broadcast %parallel_loop3A_122 : i32 to vector<16xi32>
        %parallel_loop3A_124 = arith.addi %iota3A, %parallel_loop3A_123 : vector<16xi32>
        %parallel_loop3A_125 = arith.extui %parallel_loop3A_120 : vector<16xi1> to vector<16xi32>
        %parallel_loop3A_126 = arith.constant true
        %parallel_loop3A_127 = vector.broadcast %parallel_loop3A_126 : i1 to vector<16xi1>
        %parallel_loop3A_128 = tpu.scan <sum>, %parallel_loop3A_125 masked %parallel_loop3A_127 : vector<16xi32>, vector<16xi1> -> vector<16xi32>
        %parallel_loop3A_129 = arith.addi %parallel_loop3A_112, %parallel_loop3A_128 : vector<16xi32>
        tpu.vector_store_idx %arg6[%parallel_loop3A_129], %parallel_loop3A_124 masked %parallel_loop3A_120 : memref<32784xi32, #tpu.memory_space<vmem>>[vector<16xi32>], vector<16xi32>, vector<16xi1>
        %parallel_loop3A_130 = arith.constant 0 : i32
        %parallel_loop3A_131 = vector.broadcast %parallel_loop3A_130 : i32 to vector<16xi32>
        %parallel_loop3A_132 = arith.cmpi slt, %broadcast_in_dim3A_1, %parallel_loop3A_131 : vector<16xi32>
        %parallel_loop3A_133 = arith.constant 16 : i32
        %parallel_loop3A_134 = vector.broadcast %parallel_loop3A_133 : i32 to vector<16xi32>
        %parallel_loop3A_135 = arith.addi %broadcast_in_dim3A_1, %parallel_loop3A_134 : vector<16xi32>
        %parallel_loop3A_136 = arith.select %parallel_loop3A_132, %parallel_loop3A_135, %broadcast_in_dim3A_1 : vector<16xi1>, vector<16xi32>
        %parallel_loop3A_137 = vector.shape_cast %parallel_loop3A_136 : vector<16xi32> to vector<16x1xi32>
        %parallel_loop3A_138 = vector.shape_cast %parallel_loop3A_137 : vector<16x1xi32> to vector<16xi32>
        %parallel_loop3A_139 = tpu.dynamic_gather %parallel_loop3A_128[%parallel_loop3A_138] in [0] : vector<16xi32>, vector<16xi32> -> vector<16xi32>
        %parallel_loop3A_140 = arith.addi %parallel_loop3A_112, %parallel_loop3A_139 : vector<16xi32>
        scf.yield %parallel_loop3A_140 : vector<16xi32>
      } {sc.loop_unroll_factor = 8 : i64, sc.parallel_access}
      %slice3A = vector.extract_strided_slice %parallel_loop3A_101 {offsets = [0], sizes = [1], strides = [1]} : vector<16xi32> to vector<1xi32>
      %squeeze3A = vector.extract %slice3A[0] : i32 from vector<1xi32>
      %add3A_102 = arith.constant 1 : i32
      %add3A_103 = arith.addi %squeeze3A, %add3A_102 : i32
      %ge3A = arith.constant 64 : i32
      %ge3A_104 = arith.cmpi sge, %add3A_103, %ge3A : i32
      %le3A = arith.constant 256 : i32
      %le3A_105 = arith.cmpi sle, %add3A_103, %le3A : i32
      %and3A_106 = arith.andi %ge3A_104, %le3A_105 : i1
      %convert_element_type3A_107 = arith.extui %and3A_106 : i1 to i32
      %cond3A_108 = arith.constant 0 : i32
      %cond3A_109 = arith.cmpi ne, %convert_element_type3A_107, %cond3A_108 : i32
      scf.if %cond3A_109 {
        %le3A_111 = arith.constant 128 : i32
        %le3A_112 = arith.cmpi sle, %add3A_103, %le3A_111 : i32
        %convert_element_type3A_113 = arith.extui %le3A_112 : i1 to i32
        %cond3A_114 = arith.constant 0 : i32
        %cond3A_115 = arith.cmpi ne, %convert_element_type3A_113, %cond3A_114 : i32
        scf.if %cond3A_115 {
          %get3A = arith.constant 0 : index
          %get3A_116 = tpu.vector_load %arg6[%get3A] {strides = array<i32>} : memref<32784xi32, #tpu.memory_space<vmem>>, vector<16xi32>,
          %get3A_117 = arith.constant 16 : index
          %get3A_118 = tpu.vector_load %arg6[%get3A_117] {strides = array<i32>} : memref<32784xi32, #tpu.memory_space<vmem>>, vector<16xi32>,
          %get3A_119 = arith.constant 32 : index
          %get3A_120 = tpu.vector_load %arg6[%get3A_119] {strides = array<i32>} : memref<32784xi32, #tpu.memory_space<vmem>>, vector<16xi32>,
          %get3A_121 = arith.constant 48 : index
          %get3A_122 = tpu.vector_load %arg6[%get3A_121] {strides = array<i32>} : memref<32784xi32, #tpu.memory_space<vmem>>, vector<16xi32>,
          %get3A_123 = arith.constant 64 : index
          %get3A_124 = tpu.vector_load %arg6[%get3A_123] {strides = array<i32>} : memref<32784xi32, #tpu.memory_space<vmem>>, vector<16xi32>,
          %get3A_125 = arith.constant 80 : index
          %get3A_126 = tpu.vector_load %arg6[%get3A_125] {strides = array<i32>} : memref<32784xi32, #tpu.memory_space<vmem>>, vector<16xi32>,
          %get3A_127 = arith.constant 96 : index
          %get3A_128 = tpu.vector_load %arg6[%get3A_127] {strides = array<i32>} : memref<32784xi32, #tpu.memory_space<vmem>>, vector<16xi32>,
          %get3A_129 = arith.constant 112 : index
          %get3A_130 = tpu.vector_load %arg6[%get3A_129] {strides = array<i32>} : memref<32784xi32, #tpu.memory_space<vmem>>, vector<16xi32>,
          %add3A_131 = arith.addi %get3A_116, %add3A_91 : vector<16xi32>
          %gather3A = tpu.vector_load_idx %arg5[%add3A_131] : memref<65792xf32, #tpu.memory_space<vmem>>[vector<16xi32>], vector<16xf32>,
          %add3A_132 = arith.addi %get3A_118, %add3A_91 : vector<16xi32>
          %gather3A_133 = tpu.vector_load_idx %arg5[%add3A_132] : memref<65792xf32, #tpu.memory_space<vmem>>[vector<16xi32>], vector<16xf32>,
          %add3A_134 = arith.addi %get3A_120, %add3A_91 : vector<16xi32>
          %gather3A_135 = tpu.vector_load_idx %arg5[%add3A_134] : memref<65792xf32, #tpu.memory_space<vmem>>[vector<16xi32>], vector<16xf32>,
          %add3A_136 = arith.addi %get3A_122, %add3A_91 : vector<16xi32>
          %gather3A_137 = tpu.vector_load_idx %arg5[%add3A_136] : memref<65792xf32, #tpu.memory_space<vmem>>[vector<16xi32>], vector<16xf32>,
          %add3A_138 = arith.addi %get3A_124, %add3A_91 : vector<16xi32>
          %gather3A_139 = tpu.vector_load_idx %arg5[%add3A_138] : memref<65792xf32, #tpu.memory_space<vmem>>[vector<16xi32>], vector<16xf32>,
          %add3A_140 = arith.addi %get3A_126, %add3A_91 : vector<16xi32>
          %gather3A_141 = tpu.vector_load_idx %arg5[%add3A_140] : memref<65792xf32, #tpu.memory_space<vmem>>[vector<16xi32>], vector<16xf32>,
          %add3A_142 = arith.addi %get3A_128, %add3A_91 : vector<16xi32>
          %gather3A_143 = tpu.vector_load_idx %arg5[%add3A_142] : memref<65792xf32, #tpu.memory_space<vmem>>[vector<16xi32>], vector<16xf32>,
          %add3A_144 = arith.addi %get3A_130, %add3A_91 : vector<16xi32>
          %gather3A_145 = tpu.vector_load_idx %arg5[%add3A_144] : memref<65792xf32, #tpu.memory_space<vmem>>[vector<16xi32>], vector<16xf32>,
          %scan3A_146 = arith.constant 0 : i32
          %scan3A_147 = arith.constant 64 : i32
          %scan3A_148 = arith.addi %scan3A_146, %scan3A_147 : i32
          %scan3A_149 = arith.constant 1 : i32
          %scan3A_150:8 = scf.for %scan3A_152 = %scan3A_146 to %scan3A_148 step %scan3A_149 iter_args(%scan3A_153 = %gather3A, %scan3A_154 = %gather3A_133, %scan3A_155 = %gather3A_135, %scan3A_156 = %gather3A_137, %scan3A_157 = %gather3A_139, %scan3A_158 = %gather3A_141, %scan3A_159 = %gather3A_143, %scan3A_160 = %gather3A_145) -> (vector<16xf32>, vector<16xf32>, vector<16xf32>, vector<16xf32>, vector<16xf32>, vector<16xf32>, vector<16xf32>, vector<16xf32>)  : i32 {
            %gt3A = arith.cmpf ogt, %scan3A_157, %scan3A_153 : vector<16xf32>
            %eq3A_161 = arith.cmpf oeq, %scan3A_157, %scan3A_153 : vector<16xf32>
            %lt3A_162 = arith.cmpi slt, %get3A_124, %get3A_116 : vector<16xi32>
            %and3A_163 = arith.andi %eq3A_161, %lt3A_162 : vector<16xi1>
            %or3A = arith.ori %gt3A, %and3A_163 : vector<16xi1>
            %select_n3A = arith.select %or3A, %scan3A_157, %scan3A_153 : vector<16xi1>, vector<16xf32>
            %select_n3A_164 = arith.select %or3A, %get3A_124, %get3A_116 : vector<16xi1>, vector<16xi32>
            %gt3A_165 = arith.cmpf ogt, %scan3A_158, %scan3A_154 : vector<16xf32>
            %eq3A_166 = arith.cmpf oeq, %scan3A_158, %scan3A_154 : vector<16xf32>
            %lt3A_167 = arith.cmpi slt, %get3A_126, %get3A_118 : vector<16xi32>
            %and3A_168 = arith.andi %eq3A_166, %lt3A_167 : vector<16xi1>
            %or3A_169 = arith.ori %gt3A_165, %and3A_168 : vector<16xi1>
            %select_n3A_170 = arith.select %or3A_169, %scan3A_158, %scan3A_154 : vector<16xi1>, vector<16xf32>
            %select_n3A_171 = arith.select %or3A_169, %get3A_126, %get3A_118 : vector<16xi1>, vector<16xi32>
            %gt3A_172 = arith.cmpf ogt, %scan3A_159, %scan3A_155 : vector<16xf32>
            %eq3A_173 = arith.cmpf oeq, %scan3A_159, %scan3A_155 : vector<16xf32>
            %lt3A_174 = arith.cmpi slt, %get3A_128, %get3A_120 : vector<16xi32>
            %and3A_175 = arith.andi %eq3A_173, %lt3A_174 : vector<16xi1>
            %or3A_176 = arith.ori %gt3A_172, %and3A_175 : vector<16xi1>
            %select_n3A_177 = arith.select %or3A_176, %scan3A_159, %scan3A_155 : vector<16xi1>, vector<16xf32>
            %select_n3A_178 = arith.select %or3A_176, %get3A_128, %get3A_120 : vector<16xi1>, vector<16xi32>
            %gt3A_179 = arith.cmpf ogt, %scan3A_160, %scan3A_156 : vector<16xf32>
            %eq3A_180 = arith.cmpf oeq, %scan3A_160, %scan3A_156 : vector<16xf32>
            %lt3A_181 = arith.cmpi slt, %get3A_130, %get3A_122 : vector<16xi32>
            %and3A_182 = arith.andi %eq3A_180, %lt3A_181 : vector<16xi1>
            %or3A_183 = arith.ori %gt3A_179, %and3A_182 : vector<16xi1>
            %select_n3A_184 = arith.select %or3A_183, %scan3A_160, %scan3A_156 : vector<16xi1>, vector<16xf32>
            %select_n3A_185 = arith.select %or3A_183, %get3A_130, %get3A_122 : vector<16xi1>, vector<16xi32>
            %gt3A_186 = arith.cmpf ogt, %select_n3A_177, %select_n3A : vector<16xf32>
            %eq3A_187 = arith.cmpf oeq, %select_n3A_177, %select_n3A : vector<16xf32>
            %lt3A_188 = arith.cmpi slt, %select_n3A_178, %select_n3A_164 : vector<16xi32>
            %and3A_189 = arith.andi %eq3A_187, %lt3A_188 : vector<16xi1>
            %or3A_190 = arith.ori %gt3A_186, %and3A_189 : vector<16xi1>
            %select_n3A_191 = arith.select %or3A_190, %select_n3A_177, %select_n3A : vector<16xi1>, vector<16xf32>
            %select_n3A_192 = arith.select %or3A_190, %select_n3A_178, %select_n3A_164 : vector<16xi1>, vector<16xi32>
            %gt3A_193 = arith.cmpf ogt, %select_n3A_184, %select_n3A_170 : vector<16xf32>
            %eq3A_194 = arith.cmpf oeq, %select_n3A_184, %select_n3A_170 : vector<16xf32>
            %lt3A_195 = arith.cmpi slt, %select_n3A_185, %select_n3A_171 : vector<16xi32>
            %and3A_196 = arith.andi %eq3A_194, %lt3A_195 : vector<16xi1>
            %or3A_197 = arith.ori %gt3A_193, %and3A_196 : vector<16xi1>
            %select_n3A_198 = arith.select %or3A_197, %select_n3A_184, %select_n3A_170 : vector<16xi1>, vector<16xf32>
            %select_n3A_199 = arith.select %or3A_197, %select_n3A_185, %select_n3A_171 : vector<16xi1>, vector<16xi32>
            %gt3A_200 = arith.cmpf ogt, %select_n3A_198, %select_n3A_191 : vector<16xf32>
            %eq3A_201 = arith.cmpf oeq, %select_n3A_198, %select_n3A_191 : vector<16xf32>
            %lt3A_202 = arith.cmpi slt, %select_n3A_199, %select_n3A_192 : vector<16xi32>
            %and3A_203 = arith.andi %eq3A_201, %lt3A_202 : vector<16xi1>
            %or3A_204 = arith.ori %gt3A_200, %and3A_203 : vector<16xi1>
            %select_n3A_205 = arith.select %or3A_204, %select_n3A_198, %select_n3A_191 : vector<16xi1>, vector<16xf32>
            %select_n3A_206 = arith.select %or3A_204, %select_n3A_199, %select_n3A_192 : vector<16xi1>, vector<16xi32>
            %xor3A = arith.constant 8 : i32
            %xor3A_207 = vector.broadcast %xor3A : i32 to vector<16xi32>
            %xor3A_208 = arith.xori %iota3A, %xor3A_207 : vector<16xi32>
            %lt3A_209 = arith.constant 0 : i32
            %lt3A_210 = vector.broadcast %lt3A_209 : i32 to vector<16xi32>
            %lt3A_211 = arith.cmpi slt, %xor3A_208, %lt3A_210 : vector<16xi32>
            %add3A_212 = arith.constant 16 : i32
            %add3A_213 = vector.broadcast %add3A_212 : i32 to vector<16xi32>
            %add3A_214 = arith.addi %xor3A_208, %add3A_213 : vector<16xi32>
            %select_n3A_215 = arith.select %lt3A_211, %add3A_214, %xor3A_208 : vector<16xi1>, vector<16xi32>
            %reshape3A = vector.shape_cast %select_n3A_215 : vector<16xi32> to vector<16x1xi32>
            %gather3A_216 = vector.shape_cast %reshape3A : vector<16x1xi32> to vector<16xi32>
            %gather3A_217 = tpu.dynamic_gather %select_n3A_205[%gather3A_216] in [0] : vector<16xf32>, vector<16xi32> -> vector<16xf32>
            %lt3A_218 = arith.constant 0 : i32
            %lt3A_219 = vector.broadcast %lt3A_218 : i32 to vector<16xi32>
            %lt3A_220 = arith.cmpi slt, %xor3A_208, %lt3A_219 : vector<16xi32>
            %add3A_221 = arith.constant 16 : i32
            %add3A_222 = vector.broadcast %add3A_221 : i32 to vector<16xi32>
            %add3A_223 = arith.addi %xor3A_208, %add3A_222 : vector<16xi32>
            %select_n3A_224 = arith.select %lt3A_220, %add3A_223, %xor3A_208 : vector<16xi1>, vector<16xi32>
            %reshape3A_225 = vector.shape_cast %select_n3A_224 : vector<16xi32> to vector<16x1xi32>
            %gather3A_226 = vector.shape_cast %reshape3A_225 : vector<16x1xi32> to vector<16xi32>
            %gather3A_227 = tpu.dynamic_gather %select_n3A_206[%gather3A_226] in [0] : vector<16xi32>, vector<16xi32> -> vector<16xi32>
            %gt3A_228 = arith.cmpf ogt, %gather3A_217, %select_n3A_205 : vector<16xf32>
            %eq3A_229 = arith.cmpf oeq, %gather3A_217, %select_n3A_205 : vector<16xf32>
            %lt3A_230 = arith.cmpi slt, %gather3A_227, %select_n3A_206 : vector<16xi32>
            %and3A_231 = arith.andi %eq3A_229, %lt3A_230 : vector<16xi1>
            %or3A_232 = arith.ori %gt3A_228, %and3A_231 : vector<16xi1>
            %select_n3A_233 = arith.select %or3A_232, %gather3A_217, %select_n3A_205 : vector<16xi1>, vector<16xf32>
            %select_n3A_234 = arith.select %or3A_232, %gather3A_227, %select_n3A_206 : vector<16xi1>, vector<16xi32>
            %xor3A_235 = arith.constant 4 : i32
            %xor3A_236 = vector.broadcast %xor3A_235 : i32 to vector<16xi32>
            %xor3A_237 = arith.xori %iota3A, %xor3A_236 : vector<16xi32>
            %lt3A_238 = arith.constant 0 : i32
            %lt3A_239 = vector.broadcast %lt3A_238 : i32 to vector<16xi32>
            %lt3A_240 = arith.cmpi slt, %xor3A_237, %lt3A_239 : vector<16xi32>
            %add3A_241 = arith.constant 16 : i32
            %add3A_242 = vector.broadcast %add3A_241 : i32 to vector<16xi32>
            %add3A_243 = arith.addi %xor3A_237, %add3A_242 : vector<16xi32>
            %select_n3A_244 = arith.select %lt3A_240, %add3A_243, %xor3A_237 : vector<16xi1>, vector<16xi32>
            %reshape3A_245 = vector.shape_cast %select_n3A_244 : vector<16xi32> to vector<16x1xi32>
            %gather3A_246 = vector.shape_cast %reshape3A_245 : vector<16x1xi32> to vector<16xi32>
            %gather3A_247 = tpu.dynamic_gather %select_n3A_233[%gather3A_246] in [0] : vector<16xf32>, vector<16xi32> -> vector<16xf32>
            %lt3A_248 = arith.constant 0 : i32
            %lt3A_249 = vector.broadcast %lt3A_248 : i32 to vector<16xi32>
            %lt3A_250 = arith.cmpi slt, %xor3A_237, %lt3A_249 : vector<16xi32>
            %add3A_251 = arith.constant 16 : i32
            %add3A_252 = vector.broadcast %add3A_251 : i32 to vector<16xi32>
            %add3A_253 = arith.addi %xor3A_237, %add3A_252 : vector<16xi32>
            %select_n3A_254 = arith.select %lt3A_250, %add3A_253, %xor3A_237 : vector<16xi1>, vector<16xi32>
            %reshape3A_255 = vector.shape_cast %select_n3A_254 : vector<16xi32> to vector<16x1xi32>
            %gather3A_256 = vector.shape_cast %reshape3A_255 : vector<16x1xi32> to vector<16xi32>
            %gather3A_257 = tpu.dynamic_gather %select_n3A_234[%gather3A_256] in [0] : vector<16xi32>, vector<16xi32> -> vector<16xi32>
            %gt3A_258 = arith.cmpf ogt, %gather3A_247, %select_n3A_233 : vector<16xf32>
            %eq3A_259 = arith.cmpf oeq, %gather3A_247, %select_n3A_233 : vector<16xf32>
            %lt3A_260 = arith.cmpi slt, %gather3A_257, %select_n3A_234 : vector<16xi32>
            %and3A_261 = arith.andi %eq3A_259, %lt3A_260 : vector<16xi1>
            %or3A_262 = arith.ori %gt3A_258, %and3A_261 : vector<16xi1>
            %select_n3A_263 = arith.select %or3A_262, %gather3A_247, %select_n3A_233 : vector<16xi1>, vector<16xf32>
            %select_n3A_264 = arith.select %or3A_262, %gather3A_257, %select_n3A_234 : vector<16xi1>, vector<16xi32>
            %xor3A_265 = arith.constant 2 : i32
            %xor3A_266 = vector.broadcast %xor3A_265 : i32 to vector<16xi32>
            %xor3A_267 = arith.xori %iota3A, %xor3A_266 : vector<16xi32>
            %lt3A_268 = arith.constant 0 : i32
            %lt3A_269 = vector.broadcast %lt3A_268 : i32 to vector<16xi32>
            %lt3A_270 = arith.cmpi slt, %xor3A_267, %lt3A_269 : vector<16xi32>
            %add3A_271 = arith.constant 16 : i32
            %add3A_272 = vector.broadcast %add3A_271 : i32 to vector<16xi32>
            %add3A_273 = arith.addi %xor3A_267, %add3A_272 : vector<16xi32>
            %select_n3A_274 = arith.select %lt3A_270, %add3A_273, %xor3A_267 : vector<16xi1>, vector<16xi32>
            %reshape3A_275 = vector.shape_cast %select_n3A_274 : vector<16xi32> to vector<16x1xi32>
            %gather3A_276 = vector.shape_cast %reshape3A_275 : vector<16x1xi32> to vector<16xi32>
            %gather3A_277 = tpu.dynamic_gather %select_n3A_263[%gather3A_276] in [0] : vector<16xf32>, vector<16xi32> -> vector<16xf32>
            %lt3A_278 = arith.constant 0 : i32
            %lt3A_279 = vector.broadcast %lt3A_278 : i32 to vector<16xi32>
            %lt3A_280 = arith.cmpi slt, %xor3A_267, %lt3A_279 : vector<16xi32>
            %add3A_281 = arith.constant 16 : i32
            %add3A_282 = vector.broadcast %add3A_281 : i32 to vector<16xi32>
            %add3A_283 = arith.addi %xor3A_267, %add3A_282 : vector<16xi32>
            %select_n3A_284 = arith.select %lt3A_280, %add3A_283, %xor3A_267 : vector<16xi1>, vector<16xi32>
            %reshape3A_285 = vector.shape_cast %select_n3A_284 : vector<16xi32> to vector<16x1xi32>
            %gather3A_286 = vector.shape_cast %reshape3A_285 : vector<16x1xi32> to vector<16xi32>
            %gather3A_287 = tpu.dynamic_gather %select_n3A_264[%gather3A_286] in [0] : vector<16xi32>, vector<16xi32> -> vector<16xi32>
            %gt3A_288 = arith.cmpf ogt, %gather3A_277, %select_n3A_263 : vector<16xf32>
            %eq3A_289 = arith.cmpf oeq, %gather3A_277, %select_n3A_263 : vector<16xf32>
            %lt3A_290 = arith.cmpi slt, %gather3A_287, %select_n3A_264 : vector<16xi32>
            %and3A_291 = arith.andi %eq3A_289, %lt3A_290 : vector<16xi1>
            %or3A_292 = arith.ori %gt3A_288, %and3A_291 : vector<16xi1>
            %select_n3A_293 = arith.select %or3A_292, %gather3A_277, %select_n3A_263 : vector<16xi1>, vector<16xf32>
            %select_n3A_294 = arith.select %or3A_292, %gather3A_287, %select_n3A_264 : vector<16xi1>, vector<16xi32>
            %xor3A_295 = arith.constant 1 : i32
            %xor3A_296 = vector.broadcast %xor3A_295 : i32 to vector<16xi32>
            %xor3A_297 = arith.xori %iota3A, %xor3A_296 : vector<16xi32>
            %lt3A_298 = arith.constant 0 : i32
            %lt3A_299 = vector.broadcast %lt3A_298 : i32 to vector<16xi32>
            %lt3A_300 = arith.cmpi slt, %xor3A_297, %lt3A_299 : vector<16xi32>
            %add3A_301 = arith.constant 16 : i32
            %add3A_302 = vector.broadcast %add3A_301 : i32 to vector<16xi32>
            %add3A_303 = arith.addi %xor3A_297, %add3A_302 : vector<16xi32>
            %select_n3A_304 = arith.select %lt3A_300, %add3A_303, %xor3A_297 : vector<16xi1>, vector<16xi32>
            %reshape3A_305 = vector.shape_cast %select_n3A_304 : vector<16xi32> to vector<16x1xi32>
            %gather3A_306 = vector.shape_cast %reshape3A_305 : vector<16x1xi32> to vector<16xi32>
            %gather3A_307 = tpu.dynamic_gather %select_n3A_293[%gather3A_306] in [0] : vector<16xf32>, vector<16xi32> -> vector<16xf32>
            %lt3A_308 = arith.constant 0 : i32
            %lt3A_309 = vector.broadcast %lt3A_308 : i32 to vector<16xi32>
            %lt3A_310 = arith.cmpi slt, %xor3A_297, %lt3A_309 : vector<16xi32>
            %add3A_311 = arith.constant 16 : i32
            %add3A_312 = vector.broadcast %add3A_311 : i32 to vector<16xi32>
            %add3A_313 = arith.addi %xor3A_297, %add3A_312 : vector<16xi32>
            %select_n3A_314 = arith.select %lt3A_310, %add3A_313, %xor3A_297 : vector<16xi1>, vector<16xi32>
            %reshape3A_315 = vector.shape_cast %select_n3A_314 : vector<16xi32> to vector<16x1xi32>
            %gather3A_316 = vector.shape_cast %reshape3A_315 : vector<16x1xi32> to vector<16xi32>
            %gather3A_317 = tpu.dynamic_gather %select_n3A_294[%gather3A_316] in [0] : vector<16xi32>, vector<16xi32> -> vector<16xi32>
            %gt3A_318 = arith.cmpf ogt, %gather3A_307, %select_n3A_293 : vector<16xf32>
            %eq3A_319 = arith.cmpf oeq, %gather3A_307, %select_n3A_293 : vector<16xf32>
            %lt3A_320 = arith.cmpi slt, %gather3A_317, %select_n3A_294 : vector<16xi32>
            %and3A_321 = arith.andi %eq3A_319, %lt3A_320 : vector<16xi1>
            %or3A_322 = arith.ori %gt3A_318, %and3A_321 : vector<16xi1>
            %select_n3A_323 = arith.select %or3A_322, %gather3A_307, %select_n3A_293 : vector<16xi1>, vector<16xf32>
            %select_n3A_324 = arith.select %or3A_322, %gather3A_317, %select_n3A_294 : vector<16xi1>, vector<16xi32>
            %add3A_325 = vector.broadcast %scan3A_152 : i32 to vector<16xi32>
            %add3A_326 = arith.addi %broadcast_in_dim3A_5, %add3A_325 : vector<16xi32>
            tpu.vector_store_idx %arg8[%add3A_93, %add3A_326], %select_n3A_323 masked %eq3A_3 : memref<4x64xf32, #tpu.memory_space<vmem>>[vector<16xi32>, vector<16xi32>], vector<16xf32>, vector<16xi1>
            tpu.vector_store_idx %arg9[%add3A_93, %add3A_326], %select_n3A_324 masked %eq3A_3 : memref<4x64xi32, #tpu.memory_space<vmem>>[vector<16xi32>, vector<16xi32>], vector<16xi32>, vector<16xi1>
            %eq3A_327 = arith.cmpi eq, %get3A_116, %select_n3A_324 : vector<16xi32>
            %broadcast_in_dim3A_328 = vector.broadcast %scan3A : f32 to vector<16xf32>
            %select_n3A_329 = arith.select %eq3A_327, %broadcast_in_dim3A_328, %scan3A_153 : vector<16xi1>, vector<16xf32>
            %eq3A_330 = arith.cmpi eq, %get3A_118, %select_n3A_324 : vector<16xi32>
            %broadcast_in_dim3A_331 = vector.broadcast %scan3A : f32 to vector<16xf32>
            %select_n3A_332 = arith.select %eq3A_330, %broadcast_in_dim3A_331, %scan3A_154 : vector<16xi1>, vector<16xf32>
            %eq3A_333 = arith.cmpi eq, %get3A_120, %select_n3A_324 : vector<16xi32>
            %broadcast_in_dim3A_334 = vector.broadcast %scan3A : f32 to vector<16xf32>
            %select_n3A_335 = arith.select %eq3A_333, %broadcast_in_dim3A_334, %scan3A_155 : vector<16xi1>, vector<16xf32>
            %eq3A_336 = arith.cmpi eq, %get3A_122, %select_n3A_324 : vector<16xi32>
            %broadcast_in_dim3A_337 = vector.broadcast %scan3A : f32 to vector<16xf32>
            %select_n3A_338 = arith.select %eq3A_336, %broadcast_in_dim3A_337, %scan3A_156 : vector<16xi1>, vector<16xf32>
            %eq3A_339 = arith.cmpi eq, %get3A_124, %select_n3A_324 : vector<16xi32>
            %broadcast_in_dim3A_340 = vector.broadcast %scan3A : f32 to vector<16xf32>
            %select_n3A_341 = arith.select %eq3A_339, %broadcast_in_dim3A_340, %scan3A_157 : vector<16xi1>, vector<16xf32>
            %eq3A_342 = arith.cmpi eq, %get3A_126, %select_n3A_324 : vector<16xi32>
            %broadcast_in_dim3A_343 = vector.broadcast %scan3A : f32 to vector<16xf32>
            %select_n3A_344 = arith.select %eq3A_342, %broadcast_in_dim3A_343, %scan3A_158 : vector<16xi1>, vector<16xf32>
            %eq3A_345 = arith.cmpi eq, %get3A_128, %select_n3A_324 : vector<16xi32>
            %broadcast_in_dim3A_346 = vector.broadcast %scan3A : f32 to vector<16xf32>
            %select_n3A_347 = arith.select %eq3A_345, %broadcast_in_dim3A_346, %scan3A_159 : vector<16xi1>, vector<16xf32>
            %eq3A_348 = arith.cmpi eq, %get3A_130, %select_n3A_324 : vector<16xi32>
            %broadcast_in_dim3A_349 = vector.broadcast %scan3A : f32 to vector<16xf32>
            %select_n3A_350 = arith.select %eq3A_348, %broadcast_in_dim3A_349, %scan3A_160 : vector<16xi1>, vector<16xf32>
            scf.yield %select_n3A_329, %select_n3A_332, %select_n3A_335, %select_n3A_338, %select_n3A_341, %select_n3A_344, %select_n3A_347, %select_n3A_350 : vector<16xf32>, vector<16xf32>, vector<16xf32>, vector<16xf32>, vector<16xf32>, vector<16xf32>, vector<16xf32>, vector<16xf32>
          }
          %scan3A_151 = arith.constant 64 : i32
        } else {
          %le3A_116 = arith.constant 256 : i32
          %le3A_117 = arith.cmpi sle, %add3A_103, %le3A_116 : i32
          %convert_element_type3A_118 = arith.extui %le3A_117 : i1 to i32
          %cond3A_119 = arith.constant 0 : i32
          %cond3A_120 = arith.cmpi ne, %convert_element_type3A_118, %cond3A_119 : i32
          scf.if %cond3A_120 {
            %get3A = arith.constant 0 : index
            %get3A_121 = tpu.vector_load %arg6[%get3A] {strides = array<i32>} : memref<32784xi32, #tpu.memory_space<vmem>>, vector<16xi32>,
            %get3A_122 = arith.constant 16 : index
            %get3A_123 = tpu.vector_load %arg6[%get3A_122] {strides = array<i32>} : memref<32784xi32, #tpu.memory_space<vmem>>, vector<16xi32>,
            %get3A_124 = arith.constant 32 : index
            %get3A_125 = tpu.vector_load %arg6[%get3A_124] {strides = array<i32>} : memref<32784xi32, #tpu.memory_space<vmem>>, vector<16xi32>,
            %get3A_126 = arith.constant 48 : index
            %get3A_127 = tpu.vector_load %arg6[%get3A_126] {strides = array<i32>} : memref<32784xi32, #tpu.memory_space<vmem>>, vector<16xi32>,
            %get3A_128 = arith.constant 64 : index
            %get3A_129 = tpu.vector_load %arg6[%get3A_128] {strides = array<i32>} : memref<32784xi32, #tpu.memory_space<vmem>>, vector<16xi32>,
            %get3A_130 = arith.constant 80 : index
            %get3A_131 = tpu.vector_load %arg6[%get3A_130] {strides = array<i32>} : memref<32784xi32, #tpu.memory_space<vmem>>, vector<16xi32>,
            %get3A_132 = arith.constant 96 : index
            %get3A_133 = tpu.vector_load %arg6[%get3A_132] {strides = array<i32>} : memref<32784xi32, #tpu.memory_space<vmem>>, vector<16xi32>,
            %get3A_134 = arith.constant 112 : index
            %get3A_135 = tpu.vector_load %arg6[%get3A_134] {strides = array<i32>} : memref<32784xi32, #tpu.memory_space<vmem>>, vector<16xi32>,
            %get3A_136 = arith.constant 128 : index
            %get3A_137 = tpu.vector_load %arg6[%get3A_136] {strides = array<i32>} : memref<32784xi32, #tpu.memory_space<vmem>>, vector<16xi32>,
            %get3A_138 = arith.constant 144 : index
            %get3A_139 = tpu.vector_load %arg6[%get3A_138] {strides = array<i32>} : memref<32784xi32, #tpu.memory_space<vmem>>, vector<16xi32>,
            %get3A_140 = arith.constant 160 : index
            %get3A_141 = tpu.vector_load %arg6[%get3A_140] {strides = array<i32>} : memref<32784xi32, #tpu.memory_space<vmem>>, vector<16xi32>,
            %get3A_142 = arith.constant 176 : index
            %get3A_143 = tpu.vector_load %arg6[%get3A_142] {strides = array<i32>} : memref<32784xi32, #tpu.memory_space<vmem>>, vector<16xi32>,
            %get3A_144 = arith.constant 192 : index
            %get3A_145 = tpu.vector_load %arg6[%get3A_144] {strides = array<i32>} : memref<32784xi32, #tpu.memory_space<vmem>>, vector<16xi32>,
            %get3A_146 = arith.constant 208 : index
            %get3A_147 = tpu.vector_load %arg6[%get3A_146] {strides = array<i32>} : memref<32784xi32, #tpu.memory_space<vmem>>, vector<16xi32>,
            %get3A_148 = arith.constant 224 : index
            %get3A_149 = tpu.vector_load %arg6[%get3A_148] {strides = array<i32>} : memref<32784xi32, #tpu.memory_space<vmem>>, vector<16xi32>,
            %get3A_150 = arith.constant 240 : index
            %get3A_151 = tpu.vector_load %arg6[%get3A_150] {strides = array<i32>} : memref<32784xi32, #tpu.memory_space<vmem>>, vector<16xi32>,
            %add3A_152 = arith.addi %get3A_121, %add3A_91 : vector<16xi32>
            %gather3A = tpu.vector_load_idx %arg5[%add3A_152] : memref<65792xf32, #tpu.memory_space<vmem>>[vector<16xi32>], vector<16xf32>,
            %add3A_153 = arith.addi %get3A_123, %add3A_91 : vector<16xi32>
            %gather3A_154 = tpu.vector_load_idx %arg5[%add3A_153] : memref<65792xf32, #tpu.memory_space<vmem>>[vector<16xi32>], vector<16xf32>,
            %add3A_155 = arith.addi %get3A_125, %add3A_91 : vector<16xi32>
            %gather3A_156 = tpu.vector_load_idx %arg5[%add3A_155] : memref<65792xf32, #tpu.memory_space<vmem>>[vector<16xi32>], vector<16xf32>,
            %add3A_157 = arith.addi %get3A_127, %add3A_91 : vector<16xi32>
            %gather3A_158 = tpu.vector_load_idx %arg5[%add3A_157] : memref<65792xf32, #tpu.memory_space<vmem>>[vector<16xi32>], vector<16xf32>,
            %add3A_159 = arith.addi %get3A_129, %add3A_91 : vector<16xi32>
            %gather3A_160 = tpu.vector_load_idx %arg5[%add3A_159] : memref<65792xf32, #tpu.memory_space<vmem>>[vector<16xi32>], vector<16xf32>,
            %add3A_161 = arith.addi %get3A_131, %add3A_91 : vector<16xi32>
            %gather3A_162 = tpu.vector_load_idx %arg5[%add3A_161] : memref<65792xf32, #tpu.memory_space<vmem>>[vector<16xi32>], vector<16xf32>,
            %add3A_163 = arith.addi %get3A_133, %add3A_91 : vector<16xi32>
            %gather3A_164 = tpu.vector_load_idx %arg5[%add3A_163] : memref<65792xf32, #tpu.memory_space<vmem>>[vector<16xi32>], vector<16xf32>,
            %add3A_165 = arith.addi %get3A_135, %add3A_91 : vector<16xi32>
            %gather3A_166 = tpu.vector_load_idx %arg5[%add3A_165] : memref<65792xf32, #tpu.memory_space<vmem>>[vector<16xi32>], vector<16xf32>,
            %add3A_167 = arith.addi %get3A_137, %add3A_91 : vector<16xi32>
            %gather3A_168 = tpu.vector_load_idx %arg5[%add3A_167] : memref<65792xf32, #tpu.memory_space<vmem>>[vector<16xi32>], vector<16xf32>,
            %add3A_169 = arith.addi %get3A_139, %add3A_91 : vector<16xi32>
            %gather3A_170 = tpu.vector_load_idx %arg5[%add3A_169] : memref<65792xf32, #tpu.memory_space<vmem>>[vector<16xi32>], vector<16xf32>,
            %add3A_171 = arith.addi %get3A_141, %add3A_91 : vector<16xi32>
            %gather3A_172 = tpu.vector_load_idx %arg5[%add3A_171] : memref<65792xf32, #tpu.memory_space<vmem>>[vector<16xi32>], vector<16xf32>,
            %add3A_173 = arith.addi %get3A_143, %add3A_91 : vector<16xi32>
            %gather3A_174 = tpu.vector_load_idx %arg5[%add3A_173] : memref<65792xf32, #tpu.memory_space<vmem>>[vector<16xi32>], vector<16xf32>,
            %add3A_175 = arith.addi %get3A_145, %add3A_91 : vector<16xi32>
            %gather3A_176 = tpu.vector_load_idx %arg5[%add3A_175] : memref<65792xf32, #tpu.memory_space<vmem>>[vector<16xi32>], vector<16xf32>,
            %add3A_177 = arith.addi %get3A_147, %add3A_91 : vector<16xi32>
            %gather3A_178 = tpu.vector_load_idx %arg5[%add3A_177] : memref<65792xf32, #tpu.memory_space<vmem>>[vector<16xi32>], vector<16xf32>,
            %add3A_179 = arith.addi %get3A_149, %add3A_91 : vector<16xi32>
            %gather3A_180 = tpu.vector_load_idx %arg5[%add3A_179] : memref<65792xf32, #tpu.memory_space<vmem>>[vector<16xi32>], vector<16xf32>,
            %add3A_181 = arith.addi %get3A_151, %add3A_91 : vector<16xi32>
            %gather3A_182 = tpu.vector_load_idx %arg5[%add3A_181] : memref<65792xf32, #tpu.memory_space<vmem>>[vector<16xi32>], vector<16xf32>,
            %scan3A_183 = arith.constant 0 : i32
            %scan3A_184 = arith.constant 64 : i32
            %scan3A_185 = arith.addi %scan3A_183, %scan3A_184 : i32
            %scan3A_186 = arith.constant 1 : i32
            %scan3A_187:16 = scf.for %scan3A_189 = %scan3A_183 to %scan3A_185 step %scan3A_186 iter_args(%scan3A_190 = %gather3A, %scan3A_191 = %gather3A_154, %scan3A_192 = %gather3A_156, %scan3A_193 = %gather3A_158, %scan3A_194 = %gather3A_160, %scan3A_195 = %gather3A_162, %scan3A_196 = %gather3A_164, %scan3A_197 = %gather3A_166, %scan3A_198 = %gather3A_168, %scan3A_199 = %gather3A_170, %scan3A_200 = %gather3A_172, %scan3A_201 = %gather3A_174, %scan3A_202 = %gather3A_176, %scan3A_203 = %gather3A_178, %scan3A_204 = %gather3A_180, %scan3A_205 = %gather3A_182) -> (vector<16xf32>, vector<16xf32>, vector<16xf32>, vector<16xf32>, vector<16xf32>, vector<16xf32>, vector<16xf32>, vector<16xf32>, vector<16xf32>, vector<16xf32>, vector<16xf32>, vector<16xf32>, vector<16xf32>, vector<16xf32>, vector<16xf32>, vector<16xf32>)  : i32 {
              %gt3A = arith.cmpf ogt, %scan3A_198, %scan3A_190 : vector<16xf32>
              %eq3A_206 = arith.cmpf oeq, %scan3A_198, %scan3A_190 : vector<16xf32>
              %lt3A_207 = arith.cmpi slt, %get3A_137, %get3A_121 : vector<16xi32>
              %and3A_208 = arith.andi %eq3A_206, %lt3A_207 : vector<16xi1>
              %or3A = arith.ori %gt3A, %and3A_208 : vector<16xi1>
              %select_n3A = arith.select %or3A, %scan3A_198, %scan3A_190 : vector<16xi1>, vector<16xf32>
              %select_n3A_209 = arith.select %or3A, %get3A_137, %get3A_121 : vector<16xi1>, vector<16xi32>
              %gt3A_210 = arith.cmpf ogt, %scan3A_199, %scan3A_191 : vector<16xf32>
              %eq3A_211 = arith.cmpf oeq, %scan3A_199, %scan3A_191 : vector<16xf32>
              %lt3A_212 = arith.cmpi slt, %get3A_139, %get3A_123 : vector<16xi32>
              %and3A_213 = arith.andi %eq3A_211, %lt3A_212 : vector<16xi1>
              %or3A_214 = arith.ori %gt3A_210, %and3A_213 : vector<16xi1>
              %select_n3A_215 = arith.select %or3A_214, %scan3A_199, %scan3A_191 : vector<16xi1>, vector<16xf32>
              %select_n3A_216 = arith.select %or3A_214, %get3A_139, %get3A_123 : vector<16xi1>, vector<16xi32>
              %gt3A_217 = arith.cmpf ogt, %scan3A_200, %scan3A_192 : vector<16xf32>
              %eq3A_218 = arith.cmpf oeq, %scan3A_200, %scan3A_192 : vector<16xf32>
              %lt3A_219 = arith.cmpi slt, %get3A_141, %get3A_125 : vector<16xi32>
              %and3A_220 = arith.andi %eq3A_218, %lt3A_219 : vector<16xi1>
              %or3A_221 = arith.ori %gt3A_217, %and3A_220 : vector<16xi1>
              %select_n3A_222 = arith.select %or3A_221, %scan3A_200, %scan3A_192 : vector<16xi1>, vector<16xf32>
              %select_n3A_223 = arith.select %or3A_221, %get3A_141, %get3A_125 : vector<16xi1>, vector<16xi32>
              %gt3A_224 = arith.cmpf ogt, %scan3A_201, %scan3A_193 : vector<16xf32>
              %eq3A_225 = arith.cmpf oeq, %scan3A_201, %scan3A_193 : vector<16xf32>
              %lt3A_226 = arith.cmpi slt, %get3A_143, %get3A_127 : vector<16xi32>
              %and3A_227 = arith.andi %eq3A_225, %lt3A_226 : vector<16xi1>
              %or3A_228 = arith.ori %gt3A_224, %and3A_227 : vector<16xi1>
              %select_n3A_229 = arith.select %or3A_228, %scan3A_201, %scan3A_193 : vector<16xi1>, vector<16xf32>
              %select_n3A_230 = arith.select %or3A_228, %get3A_143, %get3A_127 : vector<16xi1>, vector<16xi32>
              %gt3A_231 = arith.cmpf ogt, %scan3A_202, %scan3A_194 : vector<16xf32>
              %eq3A_232 = arith.cmpf oeq, %scan3A_202, %scan3A_194 : vector<16xf32>
              %lt3A_233 = arith.cmpi slt, %get3A_145, %get3A_129 : vector<16xi32>
              %and3A_234 = arith.andi %eq3A_232, %lt3A_233 : vector<16xi1>
              %or3A_235 = arith.ori %gt3A_231, %and3A_234 : vector<16xi1>
              %select_n3A_236 = arith.select %or3A_235, %scan3A_202, %scan3A_194 : vector<16xi1>, vector<16xf32>
              %select_n3A_237 = arith.select %or3A_235, %get3A_145, %get3A_129 : vector<16xi1>, vector<16xi32>
              %gt3A_238 = arith.cmpf ogt, %scan3A_203, %scan3A_195 : vector<16xf32>
              %eq3A_239 = arith.cmpf oeq, %scan3A_203, %scan3A_195 : vector<16xf32>
              %lt3A_240 = arith.cmpi slt, %get3A_147, %get3A_131 : vector<16xi32>
              %and3A_241 = arith.andi %eq3A_239, %lt3A_240 : vector<16xi1>
              %or3A_242 = arith.ori %gt3A_238, %and3A_241 : vector<16xi1>
              %select_n3A_243 = arith.select %or3A_242, %scan3A_203, %scan3A_195 : vector<16xi1>, vector<16xf32>
              %select_n3A_244 = arith.select %or3A_242, %get3A_147, %get3A_131 : vector<16xi1>, vector<16xi32>
              %gt3A_245 = arith.cmpf ogt, %scan3A_204, %scan3A_196 : vector<16xf32>
              %eq3A_246 = arith.cmpf oeq, %scan3A_204, %scan3A_196 : vector<16xf32>
              %lt3A_247 = arith.cmpi slt, %get3A_149, %get3A_133 : vector<16xi32>
              %and3A_248 = arith.andi %eq3A_246, %lt3A_247 : vector<16xi1>
              %or3A_249 = arith.ori %gt3A_245, %and3A_248 : vector<16xi1>
              %select_n3A_250 = arith.select %or3A_249, %scan3A_204, %scan3A_196 : vector<16xi1>, vector<16xf32>
              %select_n3A_251 = arith.select %or3A_249, %get3A_149, %get3A_133 : vector<16xi1>, vector<16xi32>
              %gt3A_252 = arith.cmpf ogt, %scan3A_205, %scan3A_197 : vector<16xf32>
              %eq3A_253 = arith.cmpf oeq, %scan3A_205, %scan3A_197 : vector<16xf32>
              %lt3A_254 = arith.cmpi slt, %get3A_151, %get3A_135 : vector<16xi32>
              %and3A_255 = arith.andi %eq3A_253, %lt3A_254 : vector<16xi1>
              %or3A_256 = arith.ori %gt3A_252, %and3A_255 : vector<16xi1>
              %select_n3A_257 = arith.select %or3A_256, %scan3A_205, %scan3A_197 : vector<16xi1>, vector<16xf32>
              %select_n3A_258 = arith.select %or3A_256, %get3A_151, %get3A_135 : vector<16xi1>, vector<16xi32>
              %gt3A_259 = arith.cmpf ogt, %select_n3A_236, %select_n3A : vector<16xf32>
              %eq3A_260 = arith.cmpf oeq, %select_n3A_236, %select_n3A : vector<16xf32>
              %lt3A_261 = arith.cmpi slt, %select_n3A_237, %select_n3A_209 : vector<16xi32>
              %and3A_262 = arith.andi %eq3A_260, %lt3A_261 : vector<16xi1>
              %or3A_263 = arith.ori %gt3A_259, %and3A_262 : vector<16xi1>
              %select_n3A_264 = arith.select %or3A_263, %select_n3A_236, %select_n3A : vector<16xi1>, vector<16xf32>
              %select_n3A_265 = arith.select %or3A_263, %select_n3A_237, %select_n3A_209 : vector<16xi1>, vector<16xi32>
              %gt3A_266 = arith.cmpf ogt, %select_n3A_243, %select_n3A_215 : vector<16xf32>
              %eq3A_267 = arith.cmpf oeq, %select_n3A_243, %select_n3A_215 : vector<16xf32>
              %lt3A_268 = arith.cmpi slt, %select_n3A_244, %select_n3A_216 : vector<16xi32>
              %and3A_269 = arith.andi %eq3A_267, %lt3A_268 : vector<16xi1>
              %or3A_270 = arith.ori %gt3A_266, %and3A_269 : vector<16xi1>
              %select_n3A_271 = arith.select %or3A_270, %select_n3A_243, %select_n3A_215 : vector<16xi1>, vector<16xf32>
              %select_n3A_272 = arith.select %or3A_270, %select_n3A_244, %select_n3A_216 : vector<16xi1>, vector<16xi32>
              %gt3A_273 = arith.cmpf ogt, %select_n3A_250, %select_n3A_222 : vector<16xf32>
              %eq3A_274 = arith.cmpf oeq, %select_n3A_250, %select_n3A_222 : vector<16xf32>
              %lt3A_275 = arith.cmpi slt, %select_n3A_251, %select_n3A_223 : vector<16xi32>
              %and3A_276 = arith.andi %eq3A_274, %lt3A_275 : vector<16xi1>
              %or3A_277 = arith.ori %gt3A_273, %and3A_276 : vector<16xi1>
              %select_n3A_278 = arith.select %or3A_277, %select_n3A_250, %select_n3A_222 : vector<16xi1>, vector<16xf32>
              %select_n3A_279 = arith.select %or3A_277, %select_n3A_251, %select_n3A_223 : vector<16xi1>, vector<16xi32>
              %gt3A_280 = arith.cmpf ogt, %select_n3A_257, %select_n3A_229 : vector<16xf32>
              %eq3A_281 = arith.cmpf oeq, %select_n3A_257, %select_n3A_229 : vector<16xf32>
              %lt3A_282 = arith.cmpi slt, %select_n3A_258, %select_n3A_230 : vector<16xi32>
              %and3A_283 = arith.andi %eq3A_281, %lt3A_282 : vector<16xi1>
              %or3A_284 = arith.ori %gt3A_280, %and3A_283 : vector<16xi1>
              %select_n3A_285 = arith.select %or3A_284, %select_n3A_257, %select_n3A_229 : vector<16xi1>, vector<16xf32>
              %select_n3A_286 = arith.select %or3A_284, %select_n3A_258, %select_n3A_230 : vector<16xi1>, vector<16xi32>
              %gt3A_287 = arith.cmpf ogt, %select_n3A_278, %select_n3A_264 : vector<16xf32>
              %eq3A_288 = arith.cmpf oeq, %select_n3A_278, %select_n3A_264 : vector<16xf32>
              %lt3A_289 = arith.cmpi slt, %select_n3A_279, %select_n3A_265 : vector<16xi32>
              %and3A_290 = arith.andi %eq3A_288, %lt3A_289 : vector<16xi1>
              %or3A_291 = arith.ori %gt3A_287, %and3A_290 : vector<16xi1>
              %select_n3A_292 = arith.select %or3A_291, %select_n3A_278, %select_n3A_264 : vector<16xi1>, vector<16xf32>
              %select_n3A_293 = arith.select %or3A_291, %select_n3A_279, %select_n3A_265 : vector<16xi1>, vector<16xi32>
              %gt3A_294 = arith.cmpf ogt, %select_n3A_285, %select_n3A_271 : vector<16xf32>
              %eq3A_295 = arith.cmpf oeq, %select_n3A_285, %select_n3A_271 : vector<16xf32>
              %lt3A_296 = arith.cmpi slt, %select_n3A_286, %select_n3A_272 : vector<16xi32>
              %and3A_297 = arith.andi %eq3A_295, %lt3A_296 : vector<16xi1>
              %or3A_298 = arith.ori %gt3A_294, %and3A_297 : vector<16xi1>
              %select_n3A_299 = arith.select %or3A_298, %select_n3A_285, %select_n3A_271 : vector<16xi1>, vector<16xf32>
              %select_n3A_300 = arith.select %or3A_298, %select_n3A_286, %select_n3A_272 : vector<16xi1>, vector<16xi32>
              %gt3A_301 = arith.cmpf ogt, %select_n3A_299, %select_n3A_292 : vector<16xf32>
              %eq3A_302 = arith.cmpf oeq, %select_n3A_299, %select_n3A_292 : vector<16xf32>
              %lt3A_303 = arith.cmpi slt, %select_n3A_300, %select_n3A_293 : vector<16xi32>
              %and3A_304 = arith.andi %eq3A_302, %lt3A_303 : vector<16xi1>
              %or3A_305 = arith.ori %gt3A_301, %and3A_304 : vector<16xi1>
              %select_n3A_306 = arith.select %or3A_305, %select_n3A_299, %select_n3A_292 : vector<16xi1>, vector<16xf32>
              %select_n3A_307 = arith.select %or3A_305, %select_n3A_300, %select_n3A_293 : vector<16xi1>, vector<16xi32>
              %xor3A = arith.constant 8 : i32
              %xor3A_308 = vector.broadcast %xor3A : i32 to vector<16xi32>
              %xor3A_309 = arith.xori %iota3A, %xor3A_308 : vector<16xi32>
              %lt3A_310 = arith.constant 0 : i32
              %lt3A_311 = vector.broadcast %lt3A_310 : i32 to vector<16xi32>
              %lt3A_312 = arith.cmpi slt, %xor3A_309, %lt3A_311 : vector<16xi32>
              %add3A_313 = arith.constant 16 : i32
              %add3A_314 = vector.broadcast %add3A_313 : i32 to vector<16xi32>
              %add3A_315 = arith.addi %xor3A_309, %add3A_314 : vector<16xi32>
              %select_n3A_316 = arith.select %lt3A_312, %add3A_315, %xor3A_309 : vector<16xi1>, vector<16xi32>
              %reshape3A = vector.shape_cast %select_n3A_316 : vector<16xi32> to vector<16x1xi32>
              %gather3A_317 = vector.shape_cast %reshape3A : vector<16x1xi32> to vector<16xi32>
              %gather3A_318 = tpu.dynamic_gather %select_n3A_306[%gather3A_317] in [0] : vector<16xf32>, vector<16xi32> -> vector<16xf32>
              %lt3A_319 = arith.constant 0 : i32
              %lt3A_320 = vector.broadcast %lt3A_319 : i32 to vector<16xi32>
              %lt3A_321 = arith.cmpi slt, %xor3A_309, %lt3A_320 : vector<16xi32>
              %add3A_322 = arith.constant 16 : i32
              %add3A_323 = vector.broadcast %add3A_322 : i32 to vector<16xi32>
              %add3A_324 = arith.addi %xor3A_309, %add3A_323 : vector<16xi32>
              %select_n3A_325 = arith.select %lt3A_321, %add3A_324, %xor3A_309 : vector<16xi1>, vector<16xi32>
              %reshape3A_326 = vector.shape_cast %select_n3A_325 : vector<16xi32> to vector<16x1xi32>
              %gather3A_327 = vector.shape_cast %reshape3A_326 : vector<16x1xi32> to vector<16xi32>
              %gather3A_328 = tpu.dynamic_gather %select_n3A_307[%gather3A_327] in [0] : vector<16xi32>, vector<16xi32> -> vector<16xi32>
              %gt3A_329 = arith.cmpf ogt, %gather3A_318, %select_n3A_306 : vector<16xf32>
              %eq3A_330 = arith.cmpf oeq, %gather3A_318, %select_n3A_306 : vector<16xf32>
              %lt3A_331 = arith.cmpi slt, %gather3A_328, %select_n3A_307 : vector<16xi32>
              %and3A_332 = arith.andi %eq3A_330, %lt3A_331 : vector<16xi1>
              %or3A_333 = arith.ori %gt3A_329, %and3A_332 : vector<16xi1>
              %select_n3A_334 = arith.select %or3A_333, %gather3A_318, %select_n3A_306 : vector<16xi1>, vector<16xf32>
              %select_n3A_335 = arith.select %or3A_333, %gather3A_328, %select_n3A_307 : vector<16xi1>, vector<16xi32>
              %xor3A_336 = arith.constant 4 : i32
              %xor3A_337 = vector.broadcast %xor3A_336 : i32 to vector<16xi32>
              %xor3A_338 = arith.xori %iota3A, %xor3A_337 : vector<16xi32>
              %lt3A_339 = arith.constant 0 : i32
              %lt3A_340 = vector.broadcast %lt3A_339 : i32 to vector<16xi32>
              %lt3A_341 = arith.cmpi slt, %xor3A_338, %lt3A_340 : vector<16xi32>
              %add3A_342 = arith.constant 16 : i32
              %add3A_343 = vector.broadcast %add3A_342 : i32 to vector<16xi32>
              %add3A_344 = arith.addi %xor3A_338, %add3A_343 : vector<16xi32>
              %select_n3A_345 = arith.select %lt3A_341, %add3A_344, %xor3A_338 : vector<16xi1>, vector<16xi32>
              %reshape3A_346 = vector.shape_cast %select_n3A_345 : vector<16xi32> to vector<16x1xi32>
              %gather3A_347 = vector.shape_cast %reshape3A_346 : vector<16x1xi32> to vector<16xi32>
              %gather3A_348 = tpu.dynamic_gather %select_n3A_334[%gather3A_347] in [0] : vector<16xf32>, vector<16xi32> -> vector<16xf32>
              %lt3A_349 = arith.constant 0 : i32
              %lt3A_350 = vector.broadcast %lt3A_349 : i32 to vector<16xi32>
              %lt3A_351 = arith.cmpi slt, %xor3A_338, %lt3A_350 : vector<16xi32>
              %add3A_352 = arith.constant 16 : i32
              %add3A_353 = vector.broadcast %add3A_352 : i32 to vector<16xi32>
              %add3A_354 = arith.addi %xor3A_338, %add3A_353 : vector<16xi32>
              %select_n3A_355 = arith.select %lt3A_351, %add3A_354, %xor3A_338 : vector<16xi1>, vector<16xi32>
              %reshape3A_356 = vector.shape_cast %select_n3A_355 : vector<16xi32> to vector<16x1xi32>
              %gather3A_357 = vector.shape_cast %reshape3A_356 : vector<16x1xi32> to vector<16xi32>
              %gather3A_358 = tpu.dynamic_gather %select_n3A_335[%gather3A_357] in [0] : vector<16xi32>, vector<16xi32> -> vector<16xi32>
              %gt3A_359 = arith.cmpf ogt, %gather3A_348, %select_n3A_334 : vector<16xf32>
              %eq3A_360 = arith.cmpf oeq, %gather3A_348, %select_n3A_334 : vector<16xf32>
              %lt3A_361 = arith.cmpi slt, %gather3A_358, %select_n3A_335 : vector<16xi32>
              %and3A_362 = arith.andi %eq3A_360, %lt3A_361 : vector<16xi1>
              %or3A_363 = arith.ori %gt3A_359, %and3A_362 : vector<16xi1>
              %select_n3A_364 = arith.select %or3A_363, %gather3A_348, %select_n3A_334 : vector<16xi1>, vector<16xf32>
              %select_n3A_365 = arith.select %or3A_363, %gather3A_358, %select_n3A_335 : vector<16xi1>, vector<16xi32>
              %xor3A_366 = arith.constant 2 : i32
              %xor3A_367 = vector.broadcast %xor3A_366 : i32 to vector<16xi32>
              %xor3A_368 = arith.xori %iota3A, %xor3A_367 : vector<16xi32>
              %lt3A_369 = arith.constant 0 : i32
              %lt3A_370 = vector.broadcast %lt3A_369 : i32 to vector<16xi32>
              %lt3A_371 = arith.cmpi slt, %xor3A_368, %lt3A_370 : vector<16xi32>
              %add3A_372 = arith.constant 16 : i32
              %add3A_373 = vector.broadcast %add3A_372 : i32 to vector<16xi32>
              %add3A_374 = arith.addi %xor3A_368, %add3A_373 : vector<16xi32>
              %select_n3A_375 = arith.select %lt3A_371, %add3A_374, %xor3A_368 : vector<16xi1>, vector<16xi32>
              %reshape3A_376 = vector.shape_cast %select_n3A_375 : vector<16xi32> to vector<16x1xi32>
              %gather3A_377 = vector.shape_cast %reshape3A_376 : vector<16x1xi32> to vector<16xi32>
              %gather3A_378 = tpu.dynamic_gather %select_n3A_364[%gather3A_377] in [0] : vector<16xf32>, vector<16xi32> -> vector<16xf32>
              %lt3A_379 = arith.constant 0 : i32
              %lt3A_380 = vector.broadcast %lt3A_379 : i32 to vector<16xi32>
              %lt3A_381 = arith.cmpi slt, %xor3A_368, %lt3A_380 : vector<16xi32>
              %add3A_382 = arith.constant 16 : i32
              %add3A_383 = vector.broadcast %add3A_382 : i32 to vector<16xi32>
              %add3A_384 = arith.addi %xor3A_368, %add3A_383 : vector<16xi32>
              %select_n3A_385 = arith.select %lt3A_381, %add3A_384, %xor3A_368 : vector<16xi1>, vector<16xi32>
              %reshape3A_386 = vector.shape_cast %select_n3A_385 : vector<16xi32> to vector<16x1xi32>
              %gather3A_387 = vector.shape_cast %reshape3A_386 : vector<16x1xi32> to vector<16xi32>
              %gather3A_388 = tpu.dynamic_gather %select_n3A_365[%gather3A_387] in [0] : vector<16xi32>, vector<16xi32> -> vector<16xi32>
              %gt3A_389 = arith.cmpf ogt, %gather3A_378, %select_n3A_364 : vector<16xf32>
              %eq3A_390 = arith.cmpf oeq, %gather3A_378, %select_n3A_364 : vector<16xf32>
              %lt3A_391 = arith.cmpi slt, %gather3A_388, %select_n3A_365 : vector<16xi32>
              %and3A_392 = arith.andi %eq3A_390, %lt3A_391 : vector<16xi1>
              %or3A_393 = arith.ori %gt3A_389, %and3A_392 : vector<16xi1>
              %select_n3A_394 = arith.select %or3A_393, %gather3A_378, %select_n3A_364 : vector<16xi1>, vector<16xf32>
              %select_n3A_395 = arith.select %or3A_393, %gather3A_388, %select_n3A_365 : vector<16xi1>, vector<16xi32>
              %xor3A_396 = arith.constant 1 : i32
              %xor3A_397 = vector.broadcast %xor3A_396 : i32 to vector<16xi32>
              %xor3A_398 = arith.xori %iota3A, %xor3A_397 : vector<16xi32>
              %lt3A_399 = arith.constant 0 : i32
              %lt3A_400 = vector.broadcast %lt3A_399 : i32 to vector<16xi32>
              %lt3A_401 = arith.cmpi slt, %xor3A_398, %lt3A_400 : vector<16xi32>
              %add3A_402 = arith.constant 16 : i32
              %add3A_403 = vector.broadcast %add3A_402 : i32 to vector<16xi32>
              %add3A_404 = arith.addi %xor3A_398, %add3A_403 : vector<16xi32>
              %select_n3A_405 = arith.select %lt3A_401, %add3A_404, %xor3A_398 : vector<16xi1>, vector<16xi32>
              %reshape3A_406 = vector.shape_cast %select_n3A_405 : vector<16xi32> to vector<16x1xi32>
              %gather3A_407 = vector.shape_cast %reshape3A_406 : vector<16x1xi32> to vector<16xi32>
              %gather3A_408 = tpu.dynamic_gather %select_n3A_394[%gather3A_407] in [0] : vector<16xf32>, vector<16xi32> -> vector<16xf32>
              %lt3A_409 = arith.constant 0 : i32
              %lt3A_410 = vector.broadcast %lt3A_409 : i32 to vector<16xi32>
              %lt3A_411 = arith.cmpi slt, %xor3A_398, %lt3A_410 : vector<16xi32>
              %add3A_412 = arith.constant 16 : i32
              %add3A_413 = vector.broadcast %add3A_412 : i32 to vector<16xi32>
              %add3A_414 = arith.addi %xor3A_398, %add3A_413 : vector<16xi32>
              %select_n3A_415 = arith.select %lt3A_411, %add3A_414, %xor3A_398 : vector<16xi1>, vector<16xi32>
              %reshape3A_416 = vector.shape_cast %select_n3A_415 : vector<16xi32> to vector<16x1xi32>
              %gather3A_417 = vector.shape_cast %reshape3A_416 : vector<16x1xi32> to vector<16xi32>
              %gather3A_418 = tpu.dynamic_gather %select_n3A_395[%gather3A_417] in [0] : vector<16xi32>, vector<16xi32> -> vector<16xi32>
              %gt3A_419 = arith.cmpf ogt, %gather3A_408, %select_n3A_394 : vector<16xf32>
              %eq3A_420 = arith.cmpf oeq, %gather3A_408, %select_n3A_394 : vector<16xf32>
              %lt3A_421 = arith.cmpi slt, %gather3A_418, %select_n3A_395 : vector<16xi32>
              %and3A_422 = arith.andi %eq3A_420, %lt3A_421 : vector<16xi1>
              %or3A_423 = arith.ori %gt3A_419, %and3A_422 : vector<16xi1>
              %select_n3A_424 = arith.select %or3A_423, %gather3A_408, %select_n3A_394 : vector<16xi1>, vector<16xf32>
              %select_n3A_425 = arith.select %or3A_423, %gather3A_418, %select_n3A_395 : vector<16xi1>, vector<16xi32>
              %add3A_426 = vector.broadcast %scan3A_189 : i32 to vector<16xi32>
              %add3A_427 = arith.addi %broadcast_in_dim3A_5, %add3A_426 : vector<16xi32>
              tpu.vector_store_idx %arg8[%add3A_93, %add3A_427], %select_n3A_424 masked %eq3A_3 : memref<4x64xf32, #tpu.memory_space<vmem>>[vector<16xi32>, vector<16xi32>], vector<16xf32>, vector<16xi1>
              tpu.vector_store_idx %arg9[%add3A_93, %add3A_427], %select_n3A_425 masked %eq3A_3 : memref<4x64xi32, #tpu.memory_space<vmem>>[vector<16xi32>, vector<16xi32>], vector<16xi32>, vector<16xi1>
              %eq3A_428 = arith.cmpi eq, %get3A_121, %select_n3A_425 : vector<16xi32>
              %broadcast_in_dim3A_429 = vector.broadcast %scan3A : f32 to vector<16xf32>
              %select_n3A_430 = arith.select %eq3A_428, %broadcast_in_dim3A_429, %scan3A_190 : vector<16xi1>, vector<16xf32>
              %eq3A_431 = arith.cmpi eq, %get3A_123, %select_n3A_425 : vector<16xi32>
              %broadcast_in_dim3A_432 = vector.broadcast %scan3A : f32 to vector<16xf32>
              %select_n3A_433 = arith.select %eq3A_431, %broadcast_in_dim3A_432, %scan3A_191 : vector<16xi1>, vector<16xf32>
              %eq3A_434 = arith.cmpi eq, %get3A_125, %select_n3A_425 : vector<16xi32>
              %broadcast_in_dim3A_435 = vector.broadcast %scan3A : f32 to vector<16xf32>
              %select_n3A_436 = arith.select %eq3A_434, %broadcast_in_dim3A_435, %scan3A_192 : vector<16xi1>, vector<16xf32>
              %eq3A_437 = arith.cmpi eq, %get3A_127, %select_n3A_425 : vector<16xi32>
              %broadcast_in_dim3A_438 = vector.broadcast %scan3A : f32 to vector<16xf32>
              %select_n3A_439 = arith.select %eq3A_437, %broadcast_in_dim3A_438, %scan3A_193 : vector<16xi1>, vector<16xf32>
              %eq3A_440 = arith.cmpi eq, %get3A_129, %select_n3A_425 : vector<16xi32>
              %broadcast_in_dim3A_441 = vector.broadcast %scan3A : f32 to vector<16xf32>
              %select_n3A_442 = arith.select %eq3A_440, %broadcast_in_dim3A_441, %scan3A_194 : vector<16xi1>, vector<16xf32>
              %eq3A_443 = arith.cmpi eq, %get3A_131, %select_n3A_425 : vector<16xi32>
              %broadcast_in_dim3A_444 = vector.broadcast %scan3A : f32 to vector<16xf32>
              %select_n3A_445 = arith.select %eq3A_443, %broadcast_in_dim3A_444, %scan3A_195 : vector<16xi1>, vector<16xf32>
              %eq3A_446 = arith.cmpi eq, %get3A_133, %select_n3A_425 : vector<16xi32>
              %broadcast_in_dim3A_447 = vector.broadcast %scan3A : f32 to vector<16xf32>
              %select_n3A_448 = arith.select %eq3A_446, %broadcast_in_dim3A_447, %scan3A_196 : vector<16xi1>, vector<16xf32>
              %eq3A_449 = arith.cmpi eq, %get3A_135, %select_n3A_425 : vector<16xi32>
              %broadcast_in_dim3A_450 = vector.broadcast %scan3A : f32 to vector<16xf32>
              %select_n3A_451 = arith.select %eq3A_449, %broadcast_in_dim3A_450, %scan3A_197 : vector<16xi1>, vector<16xf32>
              %eq3A_452 = arith.cmpi eq, %get3A_137, %select_n3A_425 : vector<16xi32>
              %broadcast_in_dim3A_453 = vector.broadcast %scan3A : f32 to vector<16xf32>
              %select_n3A_454 = arith.select %eq3A_452, %broadcast_in_dim3A_453, %scan3A_198 : vector<16xi1>, vector<16xf32>
              %eq3A_455 = arith.cmpi eq, %get3A_139, %select_n3A_425 : vector<16xi32>
              %broadcast_in_dim3A_456 = vector.broadcast %scan3A : f32 to vector<16xf32>
              %select_n3A_457 = arith.select %eq3A_455, %broadcast_in_dim3A_456, %scan3A_199 : vector<16xi1>, vector<16xf32>
              %eq3A_458 = arith.cmpi eq, %get3A_141, %select_n3A_425 : vector<16xi32>
              %broadcast_in_dim3A_459 = vector.broadcast %scan3A : f32 to vector<16xf32>
              %select_n3A_460 = arith.select %eq3A_458, %broadcast_in_dim3A_459, %scan3A_200 : vector<16xi1>, vector<16xf32>
              %eq3A_461 = arith.cmpi eq, %get3A_143, %select_n3A_425 : vector<16xi32>
              %broadcast_in_dim3A_462 = vector.broadcast %scan3A : f32 to vector<16xf32>
              %select_n3A_463 = arith.select %eq3A_461, %broadcast_in_dim3A_462, %scan3A_201 : vector<16xi1>, vector<16xf32>
              %eq3A_464 = arith.cmpi eq, %get3A_145, %select_n3A_425 : vector<16xi32>
              %broadcast_in_dim3A_465 = vector.broadcast %scan3A : f32 to vector<16xf32>
              %select_n3A_466 = arith.select %eq3A_464, %broadcast_in_dim3A_465, %scan3A_202 : vector<16xi1>, vector<16xf32>
              %eq3A_467 = arith.cmpi eq, %get3A_147, %select_n3A_425 : vector<16xi32>
              %broadcast_in_dim3A_468 = vector.broadcast %scan3A : f32 to vector<16xf32>
              %select_n3A_469 = arith.select %eq3A_467, %broadcast_in_dim3A_468, %scan3A_203 : vector<16xi1>, vector<16xf32>
              %eq3A_470 = arith.cmpi eq, %get3A_149, %select_n3A_425 : vector<16xi32>
              %broadcast_in_dim3A_471 = vector.broadcast %scan3A : f32 to vector<16xf32>
              %select_n3A_472 = arith.select %eq3A_470, %broadcast_in_dim3A_471, %scan3A_204 : vector<16xi1>, vector<16xf32>
              %eq3A_473 = arith.cmpi eq, %get3A_151, %select_n3A_425 : vector<16xi32>
              %broadcast_in_dim3A_474 = vector.broadcast %scan3A : f32 to vector<16xf32>
              %select_n3A_475 = arith.select %eq3A_473, %broadcast_in_dim3A_474, %scan3A_205 : vector<16xi1>, vector<16xf32>
              scf.yield %select_n3A_430, %select_n3A_433, %select_n3A_436, %select_n3A_439, %select_n3A_442, %select_n3A_445, %select_n3A_448, %select_n3A_451, %select_n3A_454, %select_n3A_457, %select_n3A_460, %select_n3A_463, %select_n3A_466, %select_n3A_469, %select_n3A_472, %select_n3A_475 : vector<16xf32>, vector<16xf32>, vector<16xf32>, vector<16xf32>, vector<16xf32>, vector<16xf32>, vector<16xf32>, vector<16xf32>, vector<16xf32>, vector<16xf32>, vector<16xf32>, vector<16xf32>, vector<16xf32>, vector<16xf32>, vector<16xf32>, vector<16xf32>
            }
            %scan3A_188 = arith.constant 64 : i32
          } else {
            %add3A_121 = arith.constant 32768 : i32
            %add3A_122 = vector.broadcast %add3A_121 : i32 to vector<16xi32>
            %add3A_123 = arith.addi %iota3A, %add3A_122 : vector<16xi32>
            %swap3A_124 = arith.index_cast %add3A_103 : i32 to index
            %swap3A_125 = tpu.vector_load %arg6[%swap3A_124] {strides = array<i32>} : memref<32784xi32, #tpu.memory_space<vmem>>, vector<16xi32>,
            tpu.vector_store %arg6[%swap3A_124], %add3A_123 {strides = array<i32>} : memref<32784xi32, #tpu.memory_space<vmem>>, vector<16xi32>,
            %add3A_126 = arith.constant 16 : i32
            %add3A_127 = arith.addi %add3A_103, %add3A_126 : i32
            %sub3A_128 = arith.constant 1 : i32
            %sub3A_129 = arith.subi %add3A_127, %sub3A_128 : i32
            %jit3A = arith.constant 16 : i32
            %div3A = arith.divsi %sub3A_129, %jit3A : i32
            %sign3A = arith.constant 0 : i32
            %sign3A_130 = arith.cmpi sgt, %sub3A_129, %sign3A : i32
            %sign3A_131 = arith.extui %sign3A_130 : i1 to i32
            %sign3A_132 = arith.constant 0 : i32
            %sign3A_133 = arith.cmpi slt, %sub3A_129, %sign3A_132 : i32
            %sign3A_134 = arith.extui %sign3A_133 : i1 to i32
            %sign3A_135 = arith.subi %sign3A_131, %sign3A_134 : i32
            %sign3A_136 = arith.constant 0 : i32
            %sign3A_137 = arith.cmpi sgt, %jit3A, %sign3A_136 : i32
            %sign3A_138 = arith.extui %sign3A_137 : i1 to i32
            %sign3A_139 = arith.constant 0 : i32
            %sign3A_140 = arith.cmpi slt, %jit3A, %sign3A_139 : i32
            %sign3A_141 = arith.extui %sign3A_140 : i1 to i32
            %sign3A_142 = arith.subi %sign3A_138, %sign3A_141 : i32
            %ne3A = arith.cmpi ne, %sign3A_135, %sign3A_142 : i32
            %rem3A = arith.remsi %sub3A_129, %jit3A : i32
            %ne3A_143 = arith.constant 0 : i32
            %ne3A_144 = arith.cmpi ne, %rem3A, %ne3A_143 : i32
            %and3A_145 = arith.andi %ne3A, %ne3A_144 : i1
            %sub3A_146 = arith.constant 1 : i32
            %sub3A_147 = arith.subi %div3A, %sub3A_146 : i32
            %select_n3A = arith.select %and3A_145, %sub3A_147, %div3A : i32
            %broadcast_in_dim3A_148 = vector.broadcast %scan3A_26 : i32 to vector<16xi32>
            %scan3A_149 = arith.constant 0 : i32
            %scan3A_150 = arith.constant 0 : i32
            %scan3A_151 = arith.constant 64 : i32
            %scan3A_152 = arith.addi %scan3A_150, %scan3A_151 : i32
            %scan3A_153 = arith.constant 1 : i32
            %scan3A_154 = scf.for %scan3A_156 = %scan3A_150 to %scan3A_152 step %scan3A_153 iter_args(%scan3A_157 = %scan3A_149) -> (i32)  : i32 {
              %parallel_loop3A_158 = arith.constant 0 : i32
              %parallel_loop3A_159 = arith.constant 1 : i32
              %parallel_loop3A_160:2 = scf.for %parallel_loop3A_280 = %parallel_loop3A_158 to %select_n3A step %parallel_loop3A_159 iter_args(%parallel_loop3A_281 = %broadcast_in_dim3A_7, %parallel_loop3A_282 = %broadcast_in_dim3A_148) -> (vector<16xf32>, vector<16xi32>)  : i32 {
                %parallel_loop3A_283 = arith.constant 16 : i32
                %parallel_loop3A_284 = arith.muli %parallel_loop3A_280, %parallel_loop3A_283 : i32
                %parallel_loop3A_285 = arith.index_cast %parallel_loop3A_284 : i32 to index
                %parallel_loop3A_286 = tpu.vector_load %arg6[%parallel_loop3A_285] {strides = array<i32>} : memref<32784xi32, #tpu.memory_space<vmem>>, vector<16xi32>,
                %parallel_loop3A_287 = arith.addi %parallel_loop3A_286, %add3A_91 : vector<16xi32>
                %parallel_loop3A_288 = tpu.vector_load_idx %arg5[%parallel_loop3A_287] : memref<65792xf32, #tpu.memory_space<vmem>>[vector<16xi32>], vector<16xf32>,
                %parallel_loop3A_289 = arith.cmpf ogt, %parallel_loop3A_288, %parallel_loop3A_281 : vector<16xf32>
                %parallel_loop3A_290 = arith.cmpf oeq, %parallel_loop3A_288, %parallel_loop3A_281 : vector<16xf32>
                %parallel_loop3A_291 = arith.cmpi slt, %parallel_loop3A_286, %parallel_loop3A_282 : vector<16xi32>
                %parallel_loop3A_292 = arith.andi %parallel_loop3A_290, %parallel_loop3A_291 : vector<16xi1>
                %parallel_loop3A_293 = arith.ori %parallel_loop3A_289, %parallel_loop3A_292 : vector<16xi1>
                %parallel_loop3A_294 = arith.select %parallel_loop3A_293, %parallel_loop3A_288, %parallel_loop3A_281 : vector<16xi1>, vector<16xf32>
                %parallel_loop3A_295 = arith.select %parallel_loop3A_293, %parallel_loop3A_286, %parallel_loop3A_282 : vector<16xi1>, vector<16xi32>
                scf.yield %parallel_loop3A_294, %parallel_loop3A_295 : vector<16xf32>, vector<16xi32>
              } {sc.loop_unroll_factor = 2 : i64, sc.parallel_access}
              %xor3A = arith.constant 8 : i32
              %xor3A_161 = vector.broadcast %xor3A : i32 to vector<16xi32>
              %xor3A_162 = arith.xori %iota3A, %xor3A_161 : vector<16xi32>
              %lt3A_163 = arith.constant 0 : i32
              %lt3A_164 = vector.broadcast %lt3A_163 : i32 to vector<16xi32>
              %lt3A_165 = arith.cmpi slt, %xor3A_162, %lt3A_164 : vector<16xi32>
              %add3A_166 = arith.constant 16 : i32
              %add3A_167 = vector.broadcast %add3A_166 : i32 to vector<16xi32>
              %add3A_168 = arith.addi %xor3A_162, %add3A_167 : vector<16xi32>
              %select_n3A_169 = arith.select %lt3A_165, %add3A_168, %xor3A_162 : vector<16xi1>, vector<16xi32>
              %reshape3A = vector.shape_cast %select_n3A_169 : vector<16xi32> to vector<16x1xi32>
              %gather3A = vector.shape_cast %reshape3A : vector<16x1xi32> to vector<16xi32>
              %gather3A_170 = tpu.dynamic_gather %parallel_loop3A_160#0[%gather3A] in [0] : vector<16xf32>, vector<16xi32> -> vector<16xf32>
              %lt3A_171 = arith.constant 0 : i32
              %lt3A_172 = vector.broadcast %lt3A_171 : i32 to vector<16xi32>
              %lt3A_173 = arith.cmpi slt, %xor3A_162, %lt3A_172 : vector<16xi32>
              %add3A_174 = arith.constant 16 : i32
              %add3A_175 = vector.broadcast %add3A_174 : i32 to vector<16xi32>
              %add3A_176 = arith.addi %xor3A_162, %add3A_175 : vector<16xi32>
              %select_n3A_177 = arith.select %lt3A_173, %add3A_176, %xor3A_162 : vector<16xi1>, vector<16xi32>
              %reshape3A_178 = vector.shape_cast %select_n3A_177 : vector<16xi32> to vector<16x1xi32>
              %gather3A_179 = vector.shape_cast %reshape3A_178 : vector<16x1xi32> to vector<16xi32>
              %gather3A_180 = tpu.dynamic_gather %parallel_loop3A_160#1[%gather3A_179] in [0] : vector<16xi32>, vector<16xi32> -> vector<16xi32>
              %gt3A = arith.cmpf ogt, %gather3A_170, %parallel_loop3A_160#0 : vector<16xf32>
              %eq3A_181 = arith.cmpf oeq, %gather3A_170, %parallel_loop3A_160#0 : vector<16xf32>
              %lt3A_182 = arith.cmpi slt, %gather3A_180, %parallel_loop3A_160#1 : vector<16xi32>
              %and3A_183 = arith.andi %eq3A_181, %lt3A_182 : vector<16xi1>
              %or3A = arith.ori %gt3A, %and3A_183 : vector<16xi1>
              %select_n3A_184 = arith.select %or3A, %gather3A_170, %parallel_loop3A_160#0 : vector<16xi1>, vector<16xf32>
              %select_n3A_185 = arith.select %or3A, %gather3A_180, %parallel_loop3A_160#1 : vector<16xi1>, vector<16xi32>
              %xor3A_186 = arith.constant 4 : i32
              %xor3A_187 = vector.broadcast %xor3A_186 : i32 to vector<16xi32>
              %xor3A_188 = arith.xori %iota3A, %xor3A_187 : vector<16xi32>
              %lt3A_189 = arith.constant 0 : i32
              %lt3A_190 = vector.broadcast %lt3A_189 : i32 to vector<16xi32>
              %lt3A_191 = arith.cmpi slt, %xor3A_188, %lt3A_190 : vector<16xi32>
              %add3A_192 = arith.constant 16 : i32
              %add3A_193 = vector.broadcast %add3A_192 : i32 to vector<16xi32>
              %add3A_194 = arith.addi %xor3A_188, %add3A_193 : vector<16xi32>
              %select_n3A_195 = arith.select %lt3A_191, %add3A_194, %xor3A_188 : vector<16xi1>, vector<16xi32>
              %reshape3A_196 = vector.shape_cast %select_n3A_195 : vector<16xi32> to vector<16x1xi32>
              %gather3A_197 = vector.shape_cast %reshape3A_196 : vector<16x1xi32> to vector<16xi32>
              %gather3A_198 = tpu.dynamic_gather %select_n3A_184[%gather3A_197] in [0] : vector<16xf32>, vector<16xi32> -> vector<16xf32>
              %lt3A_199 = arith.constant 0 : i32
              %lt3A_200 = vector.broadcast %lt3A_199 : i32 to vector<16xi32>
              %lt3A_201 = arith.cmpi slt, %xor3A_188, %lt3A_200 : vector<16xi32>
              %add3A_202 = arith.constant 16 : i32
              %add3A_203 = vector.broadcast %add3A_202 : i32 to vector<16xi32>
              %add3A_204 = arith.addi %xor3A_188, %add3A_203 : vector<16xi32>
              %select_n3A_205 = arith.select %lt3A_201, %add3A_204, %xor3A_188 : vector<16xi1>, vector<16xi32>
              %reshape3A_206 = vector.shape_cast %select_n3A_205 : vector<16xi32> to vector<16x1xi32>
              %gather3A_207 = vector.shape_cast %reshape3A_206 : vector<16x1xi32> to vector<16xi32>
              %gather3A_208 = tpu.dynamic_gather %select_n3A_185[%gather3A_207] in [0] : vector<16xi32>, vector<16xi32> -> vector<16xi32>
              %gt3A_209 = arith.cmpf ogt, %gather3A_198, %select_n3A_184 : vector<16xf32>
              %eq3A_210 = arith.cmpf oeq, %gather3A_198, %select_n3A_184 : vector<16xf32>
              %lt3A_211 = arith.cmpi slt, %gather3A_208, %select_n3A_185 : vector<16xi32>
              %and3A_212 = arith.andi %eq3A_210, %lt3A_211 : vector<16xi1>
              %or3A_213 = arith.ori %gt3A_209, %and3A_212 : vector<16xi1>
              %select_n3A_214 = arith.select %or3A_213, %gather3A_198, %select_n3A_184 : vector<16xi1>, vector<16xf32>
              %select_n3A_215 = arith.select %or3A_213, %gather3A_208, %select_n3A_185 : vector<16xi1>, vector<16xi32>
              %xor3A_216 = arith.constant 2 : i32
              %xor3A_217 = vector.broadcast %xor3A_216 : i32 to vector<16xi32>
              %xor3A_218 = arith.xori %iota3A, %xor3A_217 : vector<16xi32>
              %lt3A_219 = arith.constant 0 : i32
              %lt3A_220 = vector.broadcast %lt3A_219 : i32 to vector<16xi32>
              %lt3A_221 = arith.cmpi slt, %xor3A_218, %lt3A_220 : vector<16xi32>
              %add3A_222 = arith.constant 16 : i32
              %add3A_223 = vector.broadcast %add3A_222 : i32 to vector<16xi32>
              %add3A_224 = arith.addi %xor3A_218, %add3A_223 : vector<16xi32>
              %select_n3A_225 = arith.select %lt3A_221, %add3A_224, %xor3A_218 : vector<16xi1>, vector<16xi32>
              %reshape3A_226 = vector.shape_cast %select_n3A_225 : vector<16xi32> to vector<16x1xi32>
              %gather3A_227 = vector.shape_cast %reshape3A_226 : vector<16x1xi32> to vector<16xi32>
              %gather3A_228 = tpu.dynamic_gather %select_n3A_214[%gather3A_227] in [0] : vector<16xf32>, vector<16xi32> -> vector<16xf32>
              %lt3A_229 = arith.constant 0 : i32
              %lt3A_230 = vector.broadcast %lt3A_229 : i32 to vector<16xi32>
              %lt3A_231 = arith.cmpi slt, %xor3A_218, %lt3A_230 : vector<16xi32>
              %add3A_232 = arith.constant 16 : i32
              %add3A_233 = vector.broadcast %add3A_232 : i32 to vector<16xi32>
              %add3A_234 = arith.addi %xor3A_218, %add3A_233 : vector<16xi32>
              %select_n3A_235 = arith.select %lt3A_231, %add3A_234, %xor3A_218 : vector<16xi1>, vector<16xi32>
              %reshape3A_236 = vector.shape_cast %select_n3A_235 : vector<16xi32> to vector<16x1xi32>
              %gather3A_237 = vector.shape_cast %reshape3A_236 : vector<16x1xi32> to vector<16xi32>
              %gather3A_238 = tpu.dynamic_gather %select_n3A_215[%gather3A_237] in [0] : vector<16xi32>, vector<16xi32> -> vector<16xi32>
              %gt3A_239 = arith.cmpf ogt, %gather3A_228, %select_n3A_214 : vector<16xf32>
              %eq3A_240 = arith.cmpf oeq, %gather3A_228, %select_n3A_214 : vector<16xf32>
              %lt3A_241 = arith.cmpi slt, %gather3A_238, %select_n3A_215 : vector<16xi32>
              %and3A_242 = arith.andi %eq3A_240, %lt3A_241 : vector<16xi1>
              %or3A_243 = arith.ori %gt3A_239, %and3A_242 : vector<16xi1>
              %select_n3A_244 = arith.select %or3A_243, %gather3A_228, %select_n3A_214 : vector<16xi1>, vector<16xf32>
              %select_n3A_245 = arith.select %or3A_243, %gather3A_238, %select_n3A_215 : vector<16xi1>, vector<16xi32>
              %xor3A_246 = arith.constant 1 : i32
              %xor3A_247 = vector.broadcast %xor3A_246 : i32 to vector<16xi32>
              %xor3A_248 = arith.xori %iota3A, %xor3A_247 : vector<16xi32>
              %lt3A_249 = arith.constant 0 : i32
              %lt3A_250 = vector.broadcast %lt3A_249 : i32 to vector<16xi32>
              %lt3A_251 = arith.cmpi slt, %xor3A_248, %lt3A_250 : vector<16xi32>
              %add3A_252 = arith.constant 16 : i32
              %add3A_253 = vector.broadcast %add3A_252 : i32 to vector<16xi32>
              %add3A_254 = arith.addi %xor3A_248, %add3A_253 : vector<16xi32>
              %select_n3A_255 = arith.select %lt3A_251, %add3A_254, %xor3A_248 : vector<16xi1>, vector<16xi32>
              %reshape3A_256 = vector.shape_cast %select_n3A_255 : vector<16xi32> to vector<16x1xi32>
              %gather3A_257 = vector.shape_cast %reshape3A_256 : vector<16x1xi32> to vector<16xi32>
              %gather3A_258 = tpu.dynamic_gather %select_n3A_244[%gather3A_257] in [0] : vector<16xf32>, vector<16xi32> -> vector<16xf32>
              %lt3A_259 = arith.constant 0 : i32
              %lt3A_260 = vector.broadcast %lt3A_259 : i32 to vector<16xi32>
              %lt3A_261 = arith.cmpi slt, %xor3A_248, %lt3A_260 : vector<16xi32>
              %add3A_262 = arith.constant 16 : i32
              %add3A_263 = vector.broadcast %add3A_262 : i32 to vector<16xi32>
              %add3A_264 = arith.addi %xor3A_248, %add3A_263 : vector<16xi32>
              %select_n3A_265 = arith.select %lt3A_261, %add3A_264, %xor3A_248 : vector<16xi1>, vector<16xi32>
              %reshape3A_266 = vector.shape_cast %select_n3A_265 : vector<16xi32> to vector<16x1xi32>
              %gather3A_267 = vector.shape_cast %reshape3A_266 : vector<16x1xi32> to vector<16xi32>
              %gather3A_268 = tpu.dynamic_gather %select_n3A_245[%gather3A_267] in [0] : vector<16xi32>, vector<16xi32> -> vector<16xi32>
              %gt3A_269 = arith.cmpf ogt, %gather3A_258, %select_n3A_244 : vector<16xf32>
              %eq3A_270 = arith.cmpf oeq, %gather3A_258, %select_n3A_244 : vector<16xf32>
              %lt3A_271 = arith.cmpi slt, %gather3A_268, %select_n3A_245 : vector<16xi32>
              %and3A_272 = arith.andi %eq3A_270, %lt3A_271 : vector<16xi1>
              %or3A_273 = arith.ori %gt3A_269, %and3A_272 : vector<16xi1>
              %select_n3A_274 = arith.select %or3A_273, %gather3A_258, %select_n3A_244 : vector<16xi1>, vector<16xf32>
              %select_n3A_275 = arith.select %or3A_273, %gather3A_268, %select_n3A_245 : vector<16xi1>, vector<16xi32>
              %add3A_276 = vector.broadcast %scan3A_156 : i32 to vector<16xi32>
              %add3A_277 = arith.addi %broadcast_in_dim3A_5, %add3A_276 : vector<16xi32>
              tpu.vector_store_idx %arg8[%add3A_93, %add3A_277], %select_n3A_274 masked %eq3A_3 : memref<4x64xf32, #tpu.memory_space<vmem>>[vector<16xi32>, vector<16xi32>], vector<16xf32>, vector<16xi1>
              tpu.vector_store_idx %arg9[%add3A_93, %add3A_277], %select_n3A_275 masked %eq3A_3 : memref<4x64xi32, #tpu.memory_space<vmem>>[vector<16xi32>, vector<16xi32>], vector<16xi32>, vector<16xi1>
              %add3A_278 = arith.addi %select_n3A_275, %add3A_91 : vector<16xi32>
              tpu.vector_store_idx %arg5[%add3A_278], %broadcast_in_dim3A_7 masked %eq3A_3 : memref<65792xf32, #tpu.memory_space<vmem>>[vector<16xi32>], vector<16xf32>, vector<16xi1>
              %scan3A_279 = arith.constant 0 : i32
              scf.yield %scan3A_279 : i32
            }
            %scan3A_155 = arith.constant 64 : i32
          }
        }
      } else {
        %parallel_loop3A_111 = arith.constant 0 : i32
        %parallel_loop3A_112 = arith.constant 256 : i32
        %parallel_loop3A_113 = arith.constant 1 : i32
        scf.for %parallel_loop3A_169 = %parallel_loop3A_111 to %parallel_loop3A_112 step %parallel_loop3A_113  : i32 {
          %parallel_loop3A_170 = arith.constant 16 : i32
          %parallel_loop3A_171 = arith.muli %parallel_loop3A_169, %parallel_loop3A_170 : i32
          %parallel_loop3A_172 = arith.index_cast %parallel_loop3A_171 : i32 to index
          %parallel_loop3A_173 = tpu.vector_load %arg7[%parallel_loop3A_172] {strides = array<i32>} : memref<4096xi32, #tpu.memory_space<vmem>>, vector<16xi32>,
          tpu.vector_store %arg7[%parallel_loop3A_172], %broadcast_in_dim3A_5 {strides = array<i32>} : memref<4096xi32, #tpu.memory_space<vmem>>, vector<16xi32>,
        } {sc.loop_unroll_factor = 8 : i64, sc.parallel_access}
        %broadcast_in_dim3A_114 = arith.constant 1 : i32
        %broadcast_in_dim3A_115 = vector.broadcast %broadcast_in_dim3A_114 : i32 to vector<16xi32>
        %parallel_loop3A_116 = arith.constant 0 : i32
        %parallel_loop3A_117 = arith.constant 2048 : i32
        %parallel_loop3A_118 = arith.constant 1 : i32
        scf.for %parallel_loop3A_169 = %parallel_loop3A_116 to %parallel_loop3A_117 step %parallel_loop3A_118  : i32 {
          %parallel_loop3A_170 = arith.constant 16 : i32
          %parallel_loop3A_171 = arith.muli %parallel_loop3A_169, %parallel_loop3A_170 : i32
          %parallel_loop3A_172 = arith.addi %mul3A_69, %parallel_loop3A_171 : i32
          %parallel_loop3A_173 = arith.index_cast %parallel_loop3A_172 : i32 to index
          %parallel_loop3A_174 = tpu.vector_load %arg5[%parallel_loop3A_173] {strides = array<i32>} : memref<65792xf32, #tpu.memory_space<vmem>>, vector<16xf32>,
          %parallel_loop3A_175 = tpu.bitcast %parallel_loop3A_174 : vector<16xf32> -> vector<16xi32>
          %parallel_loop3A_176 = arith.constant 31 : i32
          %parallel_loop3A_177 = vector.broadcast %parallel_loop3A_176 : i32 to vector<16xi32>
          %parallel_loop3A_178 = arith.shrsi %parallel_loop3A_175, %parallel_loop3A_177 : vector<16xi32>
          %parallel_loop3A_179 = arith.constant -2147483648 : i32
          %parallel_loop3A_180 = vector.broadcast %parallel_loop3A_179 : i32 to vector<16xi32>
          %parallel_loop3A_181 = arith.ori %parallel_loop3A_178, %parallel_loop3A_180 : vector<16xi32>
          %parallel_loop3A_182 = arith.xori %parallel_loop3A_175, %parallel_loop3A_181 : vector<16xi32>
          %parallel_loop3A_183 = tpu.bitcast %parallel_loop3A_182 : vector<16xi32> -> vector<16xi32>
          %parallel_loop3A_184 = arith.constant 0.000000e+00 : f32
          %parallel_loop3A_185 = vector.broadcast %parallel_loop3A_184 : f32 to vector<16xf32>
          %parallel_loop3A_186 = arith.cmpf oeq, %parallel_loop3A_174, %parallel_loop3A_185 : vector<16xf32>
          %parallel_loop3A_187 = arith.constant -2147483648 : i32
          %parallel_loop3A_188 = vector.broadcast %parallel_loop3A_187 : i32 to vector<16xi32>
          %parallel_loop3A_189 = arith.select %parallel_loop3A_186, %parallel_loop3A_188, %parallel_loop3A_183 : vector<16xi1>, vector<16xi32>
          %parallel_loop3A_190 = arith.constant 20 : i32
          %parallel_loop3A_191 = vector.broadcast %parallel_loop3A_190 : i32 to vector<16xi32>
          %parallel_loop3A_192 = arith.shrui %parallel_loop3A_189, %parallel_loop3A_191 : vector<16xi32>
          %parallel_loop3A_193 = arith.constant 0 : i32
          %parallel_loop3A_194 = vector.broadcast %parallel_loop3A_193 : i32 to vector<16xi32>
          %parallel_loop3A_195 = arith.cmpi sge, %iota3A, %parallel_loop3A_194 : vector<16xi32>
          tpu.vector_store_idx %arg7[%parallel_loop3A_192], %broadcast_in_dim3A_115 masked %parallel_loop3A_195 {add = true} : memref<4096xi32, #tpu.memory_space<vmem>>[vector<16xi32>], vector<16xi32>, vector<16xi1>
        } {sc.loop_unroll_factor = 8 : i64, sc.parallel_access}
        %while3A = arith.constant 255 : i32
        %while3A_119 = arith.constant 0 : i32
        %while3A_120:2 = scf.while (%while3A_169 = %while3A, %while3A_170 = %while3A_119) : (i32, i32) -> (i32, i32) {
          %lt3A_171 = arith.constant 64 : i32
          %lt3A_172 = arith.cmpi slt, %while3A_170, %lt3A_171 : i32
          %ge3A_173 = arith.constant 0 : i32
          %ge3A_174 = arith.cmpi sge, %while3A_169, %ge3A_173 : i32
          %and3A_175 = arith.andi %lt3A_172, %ge3A_174 : i1
          scf.condition(%and3A_175) %while3A_169, %while3A_170 : i32, i32
        } do {
        ^bb0(%while3A_169: i32, %while3A_170: i32):
          %mul3A_171 = arith.constant 16 : i32
          %mul3A_172 = arith.muli %while3A_169, %mul3A_171 : i32
          %get3A_173 = arith.index_cast %mul3A_172 : i32 to index
          %get3A_174 = tpu.vector_load %arg7[%get3A_173] {strides = array<i32>} : memref<4096xi32, #tpu.memory_space<vmem>>, vector<16xi32>,
          %sub3A_175 = arith.constant 1 : i32
          %sub3A_176 = arith.subi %while3A_169, %sub3A_175 : i32
          %reduce_sum3A_177 = arith.constant true
          %reduce_sum3A_178 = vector.broadcast %reduce_sum3A_177 : i1 to vector<16xi1>
          %reduce_sum3A_179 = tpu.scan <sum>, %get3A_174 masked %reduce_sum3A_178 : vector<16xi32>, vector<16xi1> -> vector<16xi32>
          %reduce_sum3A_180 = vector.extract %reduce_sum3A_179[15] : i32 from vector<16xi32>
          %add3A_181 = arith.addi %while3A_170, %reduce_sum3A_180 : i32
          scf.yield %sub3A_176, %add3A_181 : i32, i32
        }
        %add3A_121 = arith.constant 1 : i32
        %add3A_122 = arith.addi %while3A_120#0, %add3A_121 : i32
        %max3A = arith.constant 0 : i32
        %max3A_123 = arith.maxsi %add3A_122, %max3A : i32
        %mul3A_124 = arith.constant 16 : i32
        %mul3A_125 = arith.muli %max3A_123, %mul3A_124 : i32
        %get3A = arith.index_cast %mul3A_125 : i32 to index
        %get3A_126 = tpu.vector_load %arg7[%get3A] {strides = array<i32>} : memref<4096xi32, #tpu.memory_space<vmem>>, vector<16xi32>,
        %reduce_sum3A = arith.constant true
        %reduce_sum3A_127 = vector.broadcast %reduce_sum3A : i1 to vector<16xi1>
        %reduce_sum3A_128 = tpu.scan <sum>, %get3A_126 masked %reduce_sum3A_127 : vector<16xi32>, vector<16xi1> -> vector<16xi32>
        %reduce_sum3A_129 = vector.extract %reduce_sum3A_128[15] : i32 from vector<16xi32>
        %sub3A_130 = arith.subi %while3A_120#1, %reduce_sum3A_129 : i32
        %rev3A = arith.constant 15 : i32
        %rev3A_131 = vector.broadcast %rev3A : i32 to vector<16xi32>
        %rev3A_132 = tpu.iota {dimensions = array<i32: 0>} : vector<16xi32>
        %rev3A_133 = arith.subi %rev3A_131, %rev3A_132 : vector<16xi32>
        %rev3A_134 = tpu.dynamic_gather %get3A_126[%rev3A_133] in [0] : vector<16xi32>, vector<16xi32> -> vector<16xi32>
        %cumsum3A = arith.constant true
        %cumsum3A_135 = vector.broadcast %cumsum3A : i1 to vector<16xi1>
        %cumsum3A_136 = tpu.scan <sum>, %rev3A_134 masked %cumsum3A_135 : vector<16xi32>, vector<16xi1> -> vector<16xi32>
        %add3A_137 = vector.broadcast %sub3A_130 : i32 to vector<16xi32>
        %add3A_138 = arith.addi %add3A_137, %cumsum3A_136 : vector<16xi32>
        %lt3A_139 = arith.constant 64 : i32
        %lt3A_140 = vector.broadcast %lt3A_139 : i32 to vector<16xi32>
        %lt3A_141 = arith.cmpi slt, %add3A_138, %lt3A_140 : vector<16xi32>
        %convert_element_type3A_142 = arith.extui %lt3A_141 : vector<16xi1> to vector<16xi32>
        %reduce_sum3A_143 = arith.constant true
        %reduce_sum3A_144 = vector.broadcast %reduce_sum3A_143 : i1 to vector<16xi1>
        %reduce_sum3A_145 = tpu.scan <sum>, %convert_element_type3A_142 masked %reduce_sum3A_144 : vector<16xi32>, vector<16xi1> -> vector<16xi32>
        %reduce_sum3A_146 = vector.extract %reduce_sum3A_145[15] : i32 from vector<16xi32>
        %ge3A_147 = arith.constant 64 : i32
        %ge3A_148 = arith.cmpi sge, %while3A_120#1, %ge3A_147 : i32
        %mul3A_149 = arith.constant 16 : i32
        %mul3A_150 = arith.muli %max3A_123, %mul3A_149 : i32
        %add3A_151 = arith.constant 15 : i32
        %add3A_152 = arith.addi %mul3A_150, %add3A_151 : i32
        %sub3A_153 = arith.subi %add3A_152, %reduce_sum3A_146 : i32
        %jit3A = arith.constant 0 : i32
        %select_n3A = arith.select %ge3A_148, %sub3A_153, %jit3A : i32
        %shift_left3A = arith.constant 20 : i32
        %shift_left3A_154 = arith.shli %select_n3A, %shift_left3A : i32
        %parallel_loop3A_155 = arith.constant 0 : i32
        %parallel_loop3A_156 = arith.constant 16 : i32
        %parallel_loop3A_157 = arith.constant 1 : i32
        scf.for %parallel_loop3A_169 = %parallel_loop3A_155 to %parallel_loop3A_156 step %parallel_loop3A_157  : i32 {
          %parallel_loop3A_170 = arith.constant 32768 : i32
          %parallel_loop3A_171 = vector.broadcast %parallel_loop3A_170 : i32 to vector<16xi32>
          %parallel_loop3A_172 = arith.addi %iota3A, %parallel_loop3A_171 : vector<16xi32>
          %parallel_loop3A_173 = arith.constant 16 : i32
          %parallel_loop3A_174 = arith.muli %parallel_loop3A_169, %parallel_loop3A_173 : i32
          %parallel_loop3A_175 = arith.index_cast %parallel_loop3A_174 : i32 to index
          %parallel_loop3A_176 = tpu.vector_load %arg6[%parallel_loop3A_175] {strides = array<i32>} : memref<32784xi32, #tpu.memory_space<vmem>>, vector<16xi32>,
          tpu.vector_store %arg6[%parallel_loop3A_175], %parallel_loop3A_172 {strides = array<i32>} : memref<32784xi32, #tpu.memory_space<vmem>>, vector<16xi32>,
        } {sc.loop_unroll_factor = 4 : i64, sc.parallel_access}
        %parallel_loop3A_158 = arith.constant 0 : i32
        %parallel_loop3A_159 = arith.constant 2048 : i32
        %parallel_loop3A_160 = arith.constant 1 : i32
        %parallel_loop3A_161 = scf.for %parallel_loop3A_169 = %parallel_loop3A_158 to %parallel_loop3A_159 step %parallel_loop3A_160 iter_args(%parallel_loop3A_170 = %broadcast_in_dim3A_5) -> (vector<16xi32>)  : i32 {
          %parallel_loop3A_171 = arith.constant 16 : i32
          %parallel_loop3A_172 = arith.muli %parallel_loop3A_169, %parallel_loop3A_171 : i32
          %parallel_loop3A_173 = arith.addi %mul3A_69, %parallel_loop3A_172 : i32
          %parallel_loop3A_174 = arith.index_cast %parallel_loop3A_173 : i32 to index
          %parallel_loop3A_175 = tpu.vector_load %arg5[%parallel_loop3A_174] {strides = array<i32>} : memref<65792xf32, #tpu.memory_space<vmem>>, vector<16xf32>,
          %parallel_loop3A_176 = tpu.bitcast %parallel_loop3A_175 : vector<16xf32> -> vector<16xi32>
          %parallel_loop3A_177 = arith.constant 31 : i32
          %parallel_loop3A_178 = vector.broadcast %parallel_loop3A_177 : i32 to vector<16xi32>
          %parallel_loop3A_179 = arith.shrsi %parallel_loop3A_176, %parallel_loop3A_178 : vector<16xi32>
          %parallel_loop3A_180 = arith.constant -2147483648 : i32
          %parallel_loop3A_181 = vector.broadcast %parallel_loop3A_180 : i32 to vector<16xi32>
          %parallel_loop3A_182 = arith.ori %parallel_loop3A_179, %parallel_loop3A_181 : vector<16xi32>
          %parallel_loop3A_183 = arith.xori %parallel_loop3A_176, %parallel_loop3A_182 : vector<16xi32>
          %parallel_loop3A_184 = tpu.bitcast %parallel_loop3A_183 : vector<16xi32> -> vector<16xi32>
          %parallel_loop3A_185 = arith.constant 0.000000e+00 : f32
          %parallel_loop3A_186 = vector.broadcast %parallel_loop3A_185 : f32 to vector<16xf32>
          %parallel_loop3A_187 = arith.cmpf oeq, %parallel_loop3A_175, %parallel_loop3A_186 : vector<16xf32>
          %parallel_loop3A_188 = arith.constant -2147483648 : i32
          %parallel_loop3A_189 = vector.broadcast %parallel_loop3A_188 : i32 to vector<16xi32>
          %parallel_loop3A_190 = arith.select %parallel_loop3A_187, %parallel_loop3A_189, %parallel_loop3A_184 : vector<16xi1>, vector<16xi32>
          %parallel_loop3A_191 = vector.broadcast %shift_left3A_154 : i32 to vector<16xi32>
          %parallel_loop3A_192 = arith.cmpi uge, %parallel_loop3A_190, %parallel_loop3A_191 : vector<16xi32>
          %parallel_loop3A_193 = arith.constant 16 : i32
          %parallel_loop3A_194 = arith.muli %parallel_loop3A_169, %parallel_loop3A_193 : i32
          %parallel_loop3A_195 = vector.broadcast %parallel_loop3A_194 : i32 to vector<16xi32>
          %parallel_loop3A_196 = arith.addi %iota3A, %parallel_loop3A_195 : vector<16xi32>
          %parallel_loop3A_197 = arith.extui %parallel_loop3A_192 : vector<16xi1> to vector<16xi32>
          %parallel_loop3A_198 = arith.constant true
          %parallel_loop3A_199 = vector.broadcast %parallel_loop3A_198 : i1 to vector<16xi1>
          %parallel_loop3A_200 = tpu.scan <sum>, %parallel_loop3A_197 masked %parallel_loop3A_199 : vector<16xi32>, vector<16xi1> -> vector<16xi32>
          %parallel_loop3A_201 = arith.addi %parallel_loop3A_170, %parallel_loop3A_200 : vector<16xi32>
          %parallel_loop3A_202 = arith.constant 1 : i32
          %parallel_loop3A_203 = vector.broadcast %parallel_loop3A_202 : i32 to vector<16xi32>
          %parallel_loop3A_204 = arith.subi %parallel_loop3A_201, %parallel_loop3A_203 : vector<16xi32>
          tpu.vector_store_idx %arg6[%parallel_loop3A_204], %parallel_loop3A_196 masked %parallel_loop3A_192 : memref<32784xi32, #tpu.memory_space<vmem>>[vector<16xi32>], vector<16xi32>, vector<16xi1>
          %parallel_loop3A_205 = arith.constant 0 : i32
          %parallel_loop3A_206 = vector.broadcast %parallel_loop3A_205 : i32 to vector<16xi32>
          %parallel_loop3A_207 = arith.cmpi slt, %broadcast_in_dim3A_1, %parallel_loop3A_206 : vector<16xi32>
          %parallel_loop3A_208 = arith.constant 16 : i32
          %parallel_loop3A_209 = vector.broadcast %parallel_loop3A_208 : i32 to vector<16xi32>
          %parallel_loop3A_210 = arith.addi %broadcast_in_dim3A_1, %parallel_loop3A_209 : vector<16xi32>
          %parallel_loop3A_211 = arith.select %parallel_loop3A_207, %parallel_loop3A_210, %broadcast_in_dim3A_1 : vector<16xi1>, vector<16xi32>
          %parallel_loop3A_212 = vector.shape_cast %parallel_loop3A_211 : vector<16xi32> to vector<16x1xi32>
          %parallel_loop3A_213 = vector.shape_cast %parallel_loop3A_212 : vector<16x1xi32> to vector<16xi32>
          %parallel_loop3A_214 = tpu.dynamic_gather %parallel_loop3A_200[%parallel_loop3A_213] in [0] : vector<16xi32>, vector<16xi32> -> vector<16xi32>
          %parallel_loop3A_215 = arith.addi %parallel_loop3A_170, %parallel_loop3A_214 : vector<16xi32>
          scf.yield %parallel_loop3A_215 : vector<16xi32>
        } {sc.loop_unroll_factor = 8 : i64, sc.parallel_access}
        %slice3A_162 = vector.extract_strided_slice %parallel_loop3A_161 {offsets = [0], sizes = [1], strides = [1]} : vector<16xi32> to vector<1xi32>
        %squeeze3A_163 = vector.extract %slice3A_162[0] : i32 from vector<1xi32>
        %le3A_164 = arith.constant 128 : i32
        %le3A_165 = arith.cmpi sle, %squeeze3A_163, %le3A_164 : i32
        %convert_element_type3A_166 = arith.extui %le3A_165 : i1 to i32
        %cond3A_167 = arith.constant 0 : i32
        %cond3A_168 = arith.cmpi ne, %convert_element_type3A_166, %cond3A_167 : i32
        scf.if %cond3A_168 {
          %get3A_169 = arith.constant 0 : index
          %get3A_170 = tpu.vector_load %arg6[%get3A_169] {strides = array<i32>} : memref<32784xi32, #tpu.memory_space<vmem>>, vector<16xi32>,
          %get3A_171 = arith.constant 16 : index
          %get3A_172 = tpu.vector_load %arg6[%get3A_171] {strides = array<i32>} : memref<32784xi32, #tpu.memory_space<vmem>>, vector<16xi32>,
          %get3A_173 = arith.constant 32 : index
          %get3A_174 = tpu.vector_load %arg6[%get3A_173] {strides = array<i32>} : memref<32784xi32, #tpu.memory_space<vmem>>, vector<16xi32>,
          %get3A_175 = arith.constant 48 : index
          %get3A_176 = tpu.vector_load %arg6[%get3A_175] {strides = array<i32>} : memref<32784xi32, #tpu.memory_space<vmem>>, vector<16xi32>,
          %get3A_177 = arith.constant 64 : index
          %get3A_178 = tpu.vector_load %arg6[%get3A_177] {strides = array<i32>} : memref<32784xi32, #tpu.memory_space<vmem>>, vector<16xi32>,
          %get3A_179 = arith.constant 80 : index
          %get3A_180 = tpu.vector_load %arg6[%get3A_179] {strides = array<i32>} : memref<32784xi32, #tpu.memory_space<vmem>>, vector<16xi32>,
          %get3A_181 = arith.constant 96 : index
          %get3A_182 = tpu.vector_load %arg6[%get3A_181] {strides = array<i32>} : memref<32784xi32, #tpu.memory_space<vmem>>, vector<16xi32>,
          %get3A_183 = arith.constant 112 : index
          %get3A_184 = tpu.vector_load %arg6[%get3A_183] {strides = array<i32>} : memref<32784xi32, #tpu.memory_space<vmem>>, vector<16xi32>,
          %add3A_185 = arith.addi %get3A_170, %add3A_91 : vector<16xi32>
          %gather3A = tpu.vector_load_idx %arg5[%add3A_185] : memref<65792xf32, #tpu.memory_space<vmem>>[vector<16xi32>], vector<16xf32>,
          %add3A_186 = arith.addi %get3A_172, %add3A_91 : vector<16xi32>
          %gather3A_187 = tpu.vector_load_idx %arg5[%add3A_186] : memref<65792xf32, #tpu.memory_space<vmem>>[vector<16xi32>], vector<16xf32>,
          %add3A_188 = arith.addi %get3A_174, %add3A_91 : vector<16xi32>
          %gather3A_189 = tpu.vector_load_idx %arg5[%add3A_188] : memref<65792xf32, #tpu.memory_space<vmem>>[vector<16xi32>], vector<16xf32>,
          %add3A_190 = arith.addi %get3A_176, %add3A_91 : vector<16xi32>
          %gather3A_191 = tpu.vector_load_idx %arg5[%add3A_190] : memref<65792xf32, #tpu.memory_space<vmem>>[vector<16xi32>], vector<16xf32>,
          %add3A_192 = arith.addi %get3A_178, %add3A_91 : vector<16xi32>
          %gather3A_193 = tpu.vector_load_idx %arg5[%add3A_192] : memref<65792xf32, #tpu.memory_space<vmem>>[vector<16xi32>], vector<16xf32>,
          %add3A_194 = arith.addi %get3A_180, %add3A_91 : vector<16xi32>
          %gather3A_195 = tpu.vector_load_idx %arg5[%add3A_194] : memref<65792xf32, #tpu.memory_space<vmem>>[vector<16xi32>], vector<16xf32>,
          %add3A_196 = arith.addi %get3A_182, %add3A_91 : vector<16xi32>
          %gather3A_197 = tpu.vector_load_idx %arg5[%add3A_196] : memref<65792xf32, #tpu.memory_space<vmem>>[vector<16xi32>], vector<16xf32>,
          %add3A_198 = arith.addi %get3A_184, %add3A_91 : vector<16xi32>
          %gather3A_199 = tpu.vector_load_idx %arg5[%add3A_198] : memref<65792xf32, #tpu.memory_space<vmem>>[vector<16xi32>], vector<16xf32>,
          %scan3A_200 = arith.constant 0 : i32
          %scan3A_201 = arith.constant 64 : i32
          %scan3A_202 = arith.addi %scan3A_200, %scan3A_201 : i32
          %scan3A_203 = arith.constant 1 : i32
          %scan3A_204:8 = scf.for %scan3A_206 = %scan3A_200 to %scan3A_202 step %scan3A_203 iter_args(%scan3A_207 = %gather3A, %scan3A_208 = %gather3A_187, %scan3A_209 = %gather3A_189, %scan3A_210 = %gather3A_191, %scan3A_211 = %gather3A_193, %scan3A_212 = %gather3A_195, %scan3A_213 = %gather3A_197, %scan3A_214 = %gather3A_199) -> (vector<16xf32>, vector<16xf32>, vector<16xf32>, vector<16xf32>, vector<16xf32>, vector<16xf32>, vector<16xf32>, vector<16xf32>)  : i32 {
            %gt3A = arith.cmpf ogt, %scan3A_211, %scan3A_207 : vector<16xf32>
            %eq3A_215 = arith.cmpf oeq, %scan3A_211, %scan3A_207 : vector<16xf32>
            %lt3A_216 = arith.cmpi slt, %get3A_178, %get3A_170 : vector<16xi32>
            %and3A_217 = arith.andi %eq3A_215, %lt3A_216 : vector<16xi1>
            %or3A = arith.ori %gt3A, %and3A_217 : vector<16xi1>
            %select_n3A_218 = arith.select %or3A, %scan3A_211, %scan3A_207 : vector<16xi1>, vector<16xf32>
            %select_n3A_219 = arith.select %or3A, %get3A_178, %get3A_170 : vector<16xi1>, vector<16xi32>
            %gt3A_220 = arith.cmpf ogt, %scan3A_212, %scan3A_208 : vector<16xf32>
            %eq3A_221 = arith.cmpf oeq, %scan3A_212, %scan3A_208 : vector<16xf32>
            %lt3A_222 = arith.cmpi slt, %get3A_180, %get3A_172 : vector<16xi32>
            %and3A_223 = arith.andi %eq3A_221, %lt3A_222 : vector<16xi1>
            %or3A_224 = arith.ori %gt3A_220, %and3A_223 : vector<16xi1>
            %select_n3A_225 = arith.select %or3A_224, %scan3A_212, %scan3A_208 : vector<16xi1>, vector<16xf32>
            %select_n3A_226 = arith.select %or3A_224, %get3A_180, %get3A_172 : vector<16xi1>, vector<16xi32>
            %gt3A_227 = arith.cmpf ogt, %scan3A_213, %scan3A_209 : vector<16xf32>
            %eq3A_228 = arith.cmpf oeq, %scan3A_213, %scan3A_209 : vector<16xf32>
            %lt3A_229 = arith.cmpi slt, %get3A_182, %get3A_174 : vector<16xi32>
            %and3A_230 = arith.andi %eq3A_228, %lt3A_229 : vector<16xi1>
            %or3A_231 = arith.ori %gt3A_227, %and3A_230 : vector<16xi1>
            %select_n3A_232 = arith.select %or3A_231, %scan3A_213, %scan3A_209 : vector<16xi1>, vector<16xf32>
            %select_n3A_233 = arith.select %or3A_231, %get3A_182, %get3A_174 : vector<16xi1>, vector<16xi32>
            %gt3A_234 = arith.cmpf ogt, %scan3A_214, %scan3A_210 : vector<16xf32>
            %eq3A_235 = arith.cmpf oeq, %scan3A_214, %scan3A_210 : vector<16xf32>
            %lt3A_236 = arith.cmpi slt, %get3A_184, %get3A_176 : vector<16xi32>
            %and3A_237 = arith.andi %eq3A_235, %lt3A_236 : vector<16xi1>
            %or3A_238 = arith.ori %gt3A_234, %and3A_237 : vector<16xi1>
            %select_n3A_239 = arith.select %or3A_238, %scan3A_214, %scan3A_210 : vector<16xi1>, vector<16xf32>
            %select_n3A_240 = arith.select %or3A_238, %get3A_184, %get3A_176 : vector<16xi1>, vector<16xi32>
            %gt3A_241 = arith.cmpf ogt, %select_n3A_232, %select_n3A_218 : vector<16xf32>
            %eq3A_242 = arith.cmpf oeq, %select_n3A_232, %select_n3A_218 : vector<16xf32>
            %lt3A_243 = arith.cmpi slt, %select_n3A_233, %select_n3A_219 : vector<16xi32>
            %and3A_244 = arith.andi %eq3A_242, %lt3A_243 : vector<16xi1>
            %or3A_245 = arith.ori %gt3A_241, %and3A_244 : vector<16xi1>
            %select_n3A_246 = arith.select %or3A_245, %select_n3A_232, %select_n3A_218 : vector<16xi1>, vector<16xf32>
            %select_n3A_247 = arith.select %or3A_245, %select_n3A_233, %select_n3A_219 : vector<16xi1>, vector<16xi32>
            %gt3A_248 = arith.cmpf ogt, %select_n3A_239, %select_n3A_225 : vector<16xf32>
            %eq3A_249 = arith.cmpf oeq, %select_n3A_239, %select_n3A_225 : vector<16xf32>
            %lt3A_250 = arith.cmpi slt, %select_n3A_240, %select_n3A_226 : vector<16xi32>
            %and3A_251 = arith.andi %eq3A_249, %lt3A_250 : vector<16xi1>
            %or3A_252 = arith.ori %gt3A_248, %and3A_251 : vector<16xi1>
            %select_n3A_253 = arith.select %or3A_252, %select_n3A_239, %select_n3A_225 : vector<16xi1>, vector<16xf32>
            %select_n3A_254 = arith.select %or3A_252, %select_n3A_240, %select_n3A_226 : vector<16xi1>, vector<16xi32>
            %gt3A_255 = arith.cmpf ogt, %select_n3A_253, %select_n3A_246 : vector<16xf32>
            %eq3A_256 = arith.cmpf oeq, %select_n3A_253, %select_n3A_246 : vector<16xf32>
            %lt3A_257 = arith.cmpi slt, %select_n3A_254, %select_n3A_247 : vector<16xi32>
            %and3A_258 = arith.andi %eq3A_256, %lt3A_257 : vector<16xi1>
            %or3A_259 = arith.ori %gt3A_255, %and3A_258 : vector<16xi1>
            %select_n3A_260 = arith.select %or3A_259, %select_n3A_253, %select_n3A_246 : vector<16xi1>, vector<16xf32>
            %select_n3A_261 = arith.select %or3A_259, %select_n3A_254, %select_n3A_247 : vector<16xi1>, vector<16xi32>
            %xor3A = arith.constant 8 : i32
            %xor3A_262 = vector.broadcast %xor3A : i32 to vector<16xi32>
            %xor3A_263 = arith.xori %iota3A, %xor3A_262 : vector<16xi32>
            %lt3A_264 = arith.constant 0 : i32
            %lt3A_265 = vector.broadcast %lt3A_264 : i32 to vector<16xi32>
            %lt3A_266 = arith.cmpi slt, %xor3A_263, %lt3A_265 : vector<16xi32>
            %add3A_267 = arith.constant 16 : i32
            %add3A_268 = vector.broadcast %add3A_267 : i32 to vector<16xi32>
            %add3A_269 = arith.addi %xor3A_263, %add3A_268 : vector<16xi32>
            %select_n3A_270 = arith.select %lt3A_266, %add3A_269, %xor3A_263 : vector<16xi1>, vector<16xi32>
            %reshape3A = vector.shape_cast %select_n3A_270 : vector<16xi32> to vector<16x1xi32>
            %gather3A_271 = vector.shape_cast %reshape3A : vector<16x1xi32> to vector<16xi32>
            %gather3A_272 = tpu.dynamic_gather %select_n3A_260[%gather3A_271] in [0] : vector<16xf32>, vector<16xi32> -> vector<16xf32>
            %lt3A_273 = arith.constant 0 : i32
            %lt3A_274 = vector.broadcast %lt3A_273 : i32 to vector<16xi32>
            %lt3A_275 = arith.cmpi slt, %xor3A_263, %lt3A_274 : vector<16xi32>
            %add3A_276 = arith.constant 16 : i32
            %add3A_277 = vector.broadcast %add3A_276 : i32 to vector<16xi32>
            %add3A_278 = arith.addi %xor3A_263, %add3A_277 : vector<16xi32>
            %select_n3A_279 = arith.select %lt3A_275, %add3A_278, %xor3A_263 : vector<16xi1>, vector<16xi32>
            %reshape3A_280 = vector.shape_cast %select_n3A_279 : vector<16xi32> to vector<16x1xi32>
            %gather3A_281 = vector.shape_cast %reshape3A_280 : vector<16x1xi32> to vector<16xi32>
            %gather3A_282 = tpu.dynamic_gather %select_n3A_261[%gather3A_281] in [0] : vector<16xi32>, vector<16xi32> -> vector<16xi32>
            %gt3A_283 = arith.cmpf ogt, %gather3A_272, %select_n3A_260 : vector<16xf32>
            %eq3A_284 = arith.cmpf oeq, %gather3A_272, %select_n3A_260 : vector<16xf32>
            %lt3A_285 = arith.cmpi slt, %gather3A_282, %select_n3A_261 : vector<16xi32>
            %and3A_286 = arith.andi %eq3A_284, %lt3A_285 : vector<16xi1>
            %or3A_287 = arith.ori %gt3A_283, %and3A_286 : vector<16xi1>
            %select_n3A_288 = arith.select %or3A_287, %gather3A_272, %select_n3A_260 : vector<16xi1>, vector<16xf32>
            %select_n3A_289 = arith.select %or3A_287, %gather3A_282, %select_n3A_261 : vector<16xi1>, vector<16xi32>
            %xor3A_290 = arith.constant 4 : i32
            %xor3A_291 = vector.broadcast %xor3A_290 : i32 to vector<16xi32>
            %xor3A_292 = arith.xori %iota3A, %xor3A_291 : vector<16xi32>
            %lt3A_293 = arith.constant 0 : i32
            %lt3A_294 = vector.broadcast %lt3A_293 : i32 to vector<16xi32>
            %lt3A_295 = arith.cmpi slt, %xor3A_292, %lt3A_294 : vector<16xi32>
            %add3A_296 = arith.constant 16 : i32
            %add3A_297 = vector.broadcast %add3A_296 : i32 to vector<16xi32>
            %add3A_298 = arith.addi %xor3A_292, %add3A_297 : vector<16xi32>
            %select_n3A_299 = arith.select %lt3A_295, %add3A_298, %xor3A_292 : vector<16xi1>, vector<16xi32>
            %reshape3A_300 = vector.shape_cast %select_n3A_299 : vector<16xi32> to vector<16x1xi32>
            %gather3A_301 = vector.shape_cast %reshape3A_300 : vector<16x1xi32> to vector<16xi32>
            %gather3A_302 = tpu.dynamic_gather %select_n3A_288[%gather3A_301] in [0] : vector<16xf32>, vector<16xi32> -> vector<16xf32>
            %lt3A_303 = arith.constant 0 : i32
            %lt3A_304 = vector.broadcast %lt3A_303 : i32 to vector<16xi32>
            %lt3A_305 = arith.cmpi slt, %xor3A_292, %lt3A_304 : vector<16xi32>
            %add3A_306 = arith.constant 16 : i32
            %add3A_307 = vector.broadcast %add3A_306 : i32 to vector<16xi32>
            %add3A_308 = arith.addi %xor3A_292, %add3A_307 : vector<16xi32>
            %select_n3A_309 = arith.select %lt3A_305, %add3A_308, %xor3A_292 : vector<16xi1>, vector<16xi32>
            %reshape3A_310 = vector.shape_cast %select_n3A_309 : vector<16xi32> to vector<16x1xi32>
            %gather3A_311 = vector.shape_cast %reshape3A_310 : vector<16x1xi32> to vector<16xi32>
            %gather3A_312 = tpu.dynamic_gather %select_n3A_289[%gather3A_311] in [0] : vector<16xi32>, vector<16xi32> -> vector<16xi32>
            %gt3A_313 = arith.cmpf ogt, %gather3A_302, %select_n3A_288 : vector<16xf32>
            %eq3A_314 = arith.cmpf oeq, %gather3A_302, %select_n3A_288 : vector<16xf32>
            %lt3A_315 = arith.cmpi slt, %gather3A_312, %select_n3A_289 : vector<16xi32>
            %and3A_316 = arith.andi %eq3A_314, %lt3A_315 : vector<16xi1>
            %or3A_317 = arith.ori %gt3A_313, %and3A_316 : vector<16xi1>
            %select_n3A_318 = arith.select %or3A_317, %gather3A_302, %select_n3A_288 : vector<16xi1>, vector<16xf32>
            %select_n3A_319 = arith.select %or3A_317, %gather3A_312, %select_n3A_289 : vector<16xi1>, vector<16xi32>
            %xor3A_320 = arith.constant 2 : i32
            %xor3A_321 = vector.broadcast %xor3A_320 : i32 to vector<16xi32>
            %xor3A_322 = arith.xori %iota3A, %xor3A_321 : vector<16xi32>
            %lt3A_323 = arith.constant 0 : i32
            %lt3A_324 = vector.broadcast %lt3A_323 : i32 to vector<16xi32>
            %lt3A_325 = arith.cmpi slt, %xor3A_322, %lt3A_324 : vector<16xi32>
            %add3A_326 = arith.constant 16 : i32
            %add3A_327 = vector.broadcast %add3A_326 : i32 to vector<16xi32>
            %add3A_328 = arith.addi %xor3A_322, %add3A_327 : vector<16xi32>
            %select_n3A_329 = arith.select %lt3A_325, %add3A_328, %xor3A_322 : vector<16xi1>, vector<16xi32>
            %reshape3A_330 = vector.shape_cast %select_n3A_329 : vector<16xi32> to vector<16x1xi32>
            %gather3A_331 = vector.shape_cast %reshape3A_330 : vector<16x1xi32> to vector<16xi32>
            %gather3A_332 = tpu.dynamic_gather %select_n3A_318[%gather3A_331] in [0] : vector<16xf32>, vector<16xi32> -> vector<16xf32>
            %lt3A_333 = arith.constant 0 : i32
            %lt3A_334 = vector.broadcast %lt3A_333 : i32 to vector<16xi32>
            %lt3A_335 = arith.cmpi slt, %xor3A_322, %lt3A_334 : vector<16xi32>
            %add3A_336 = arith.constant 16 : i32
            %add3A_337 = vector.broadcast %add3A_336 : i32 to vector<16xi32>
            %add3A_338 = arith.addi %xor3A_322, %add3A_337 : vector<16xi32>
            %select_n3A_339 = arith.select %lt3A_335, %add3A_338, %xor3A_322 : vector<16xi1>, vector<16xi32>
            %reshape3A_340 = vector.shape_cast %select_n3A_339 : vector<16xi32> to vector<16x1xi32>
            %gather3A_341 = vector.shape_cast %reshape3A_340 : vector<16x1xi32> to vector<16xi32>
            %gather3A_342 = tpu.dynamic_gather %select_n3A_319[%gather3A_341] in [0] : vector<16xi32>, vector<16xi32> -> vector<16xi32>
            %gt3A_343 = arith.cmpf ogt, %gather3A_332, %select_n3A_318 : vector<16xf32>
            %eq3A_344 = arith.cmpf oeq, %gather3A_332, %select_n3A_318 : vector<16xf32>
            %lt3A_345 = arith.cmpi slt, %gather3A_342, %select_n3A_319 : vector<16xi32>
            %and3A_346 = arith.andi %eq3A_344, %lt3A_345 : vector<16xi1>
            %or3A_347 = arith.ori %gt3A_343, %and3A_346 : vector<16xi1>
            %select_n3A_348 = arith.select %or3A_347, %gather3A_332, %select_n3A_318 : vector<16xi1>, vector<16xf32>
            %select_n3A_349 = arith.select %or3A_347, %gather3A_342, %select_n3A_319 : vector<16xi1>, vector<16xi32>
            %xor3A_350 = arith.constant 1 : i32
            %xor3A_351 = vector.broadcast %xor3A_350 : i32 to vector<16xi32>
            %xor3A_352 = arith.xori %iota3A, %xor3A_351 : vector<16xi32>
            %lt3A_353 = arith.constant 0 : i32
            %lt3A_354 = vector.broadcast %lt3A_353 : i32 to vector<16xi32>
            %lt3A_355 = arith.cmpi slt, %xor3A_352, %lt3A_354 : vector<16xi32>
            %add3A_356 = arith.constant 16 : i32
            %add3A_357 = vector.broadcast %add3A_356 : i32 to vector<16xi32>
            %add3A_358 = arith.addi %xor3A_352, %add3A_357 : vector<16xi32>
            %select_n3A_359 = arith.select %lt3A_355, %add3A_358, %xor3A_352 : vector<16xi1>, vector<16xi32>
            %reshape3A_360 = vector.shape_cast %select_n3A_359 : vector<16xi32> to vector<16x1xi32>
            %gather3A_361 = vector.shape_cast %reshape3A_360 : vector<16x1xi32> to vector<16xi32>
            %gather3A_362 = tpu.dynamic_gather %select_n3A_348[%gather3A_361] in [0] : vector<16xf32>, vector<16xi32> -> vector<16xf32>
            %lt3A_363 = arith.constant 0 : i32
            %lt3A_364 = vector.broadcast %lt3A_363 : i32 to vector<16xi32>
            %lt3A_365 = arith.cmpi slt, %xor3A_352, %lt3A_364 : vector<16xi32>
            %add3A_366 = arith.constant 16 : i32
            %add3A_367 = vector.broadcast %add3A_366 : i32 to vector<16xi32>
            %add3A_368 = arith.addi %xor3A_352, %add3A_367 : vector<16xi32>
            %select_n3A_369 = arith.select %lt3A_365, %add3A_368, %xor3A_352 : vector<16xi1>, vector<16xi32>
            %reshape3A_370 = vector.shape_cast %select_n3A_369 : vector<16xi32> to vector<16x1xi32>
            %gather3A_371 = vector.shape_cast %reshape3A_370 : vector<16x1xi32> to vector<16xi32>
            %gather3A_372 = tpu.dynamic_gather %select_n3A_349[%gather3A_371] in [0] : vector<16xi32>, vector<16xi32> -> vector<16xi32>
            %gt3A_373 = arith.cmpf ogt, %gather3A_362, %select_n3A_348 : vector<16xf32>
            %eq3A_374 = arith.cmpf oeq, %gather3A_362, %select_n3A_348 : vector<16xf32>
            %lt3A_375 = arith.cmpi slt, %gather3A_372, %select_n3A_349 : vector<16xi32>
            %and3A_376 = arith.andi %eq3A_374, %lt3A_375 : vector<16xi1>
            %or3A_377 = arith.ori %gt3A_373, %and3A_376 : vector<16xi1>
            %select_n3A_378 = arith.select %or3A_377, %gather3A_362, %select_n3A_348 : vector<16xi1>, vector<16xf32>
            %select_n3A_379 = arith.select %or3A_377, %gather3A_372, %select_n3A_349 : vector<16xi1>, vector<16xi32>
            %add3A_380 = vector.broadcast %scan3A_206 : i32 to vector<16xi32>
            %add3A_381 = arith.addi %broadcast_in_dim3A_5, %add3A_380 : vector<16xi32>
            tpu.vector_store_idx %arg8[%add3A_93, %add3A_381], %select_n3A_378 masked %eq3A_3 : memref<4x64xf32, #tpu.memory_space<vmem>>[vector<16xi32>, vector<16xi32>], vector<16xf32>, vector<16xi1>
            tpu.vector_store_idx %arg9[%add3A_93, %add3A_381], %select_n3A_379 masked %eq3A_3 : memref<4x64xi32, #tpu.memory_space<vmem>>[vector<16xi32>, vector<16xi32>], vector<16xi32>, vector<16xi1>
            %eq3A_382 = arith.cmpi eq, %get3A_170, %select_n3A_379 : vector<16xi32>
            %broadcast_in_dim3A_383 = vector.broadcast %scan3A : f32 to vector<16xf32>
            %select_n3A_384 = arith.select %eq3A_382, %broadcast_in_dim3A_383, %scan3A_207 : vector<16xi1>, vector<16xf32>
            %eq3A_385 = arith.cmpi eq, %get3A_172, %select_n3A_379 : vector<16xi32>
            %broadcast_in_dim3A_386 = vector.broadcast %scan3A : f32 to vector<16xf32>
            %select_n3A_387 = arith.select %eq3A_385, %broadcast_in_dim3A_386, %scan3A_208 : vector<16xi1>, vector<16xf32>
            %eq3A_388 = arith.cmpi eq, %get3A_174, %select_n3A_379 : vector<16xi32>
            %broadcast_in_dim3A_389 = vector.broadcast %scan3A : f32 to vector<16xf32>
            %select_n3A_390 = arith.select %eq3A_388, %broadcast_in_dim3A_389, %scan3A_209 : vector<16xi1>, vector<16xf32>
            %eq3A_391 = arith.cmpi eq, %get3A_176, %select_n3A_379 : vector<16xi32>
            %broadcast_in_dim3A_392 = vector.broadcast %scan3A : f32 to vector<16xf32>
            %select_n3A_393 = arith.select %eq3A_391, %broadcast_in_dim3A_392, %scan3A_210 : vector<16xi1>, vector<16xf32>
            %eq3A_394 = arith.cmpi eq, %get3A_178, %select_n3A_379 : vector<16xi32>
            %broadcast_in_dim3A_395 = vector.broadcast %scan3A : f32 to vector<16xf32>
            %select_n3A_396 = arith.select %eq3A_394, %broadcast_in_dim3A_395, %scan3A_211 : vector<16xi1>, vector<16xf32>
            %eq3A_397 = arith.cmpi eq, %get3A_180, %select_n3A_379 : vector<16xi32>
            %broadcast_in_dim3A_398 = vector.broadcast %scan3A : f32 to vector<16xf32>
            %select_n3A_399 = arith.select %eq3A_397, %broadcast_in_dim3A_398, %scan3A_212 : vector<16xi1>, vector<16xf32>
            %eq3A_400 = arith.cmpi eq, %get3A_182, %select_n3A_379 : vector<16xi32>
            %broadcast_in_dim3A_401 = vector.broadcast %scan3A : f32 to vector<16xf32>
            %select_n3A_402 = arith.select %eq3A_400, %broadcast_in_dim3A_401, %scan3A_213 : vector<16xi1>, vector<16xf32>
            %eq3A_403 = arith.cmpi eq, %get3A_184, %select_n3A_379 : vector<16xi32>
            %broadcast_in_dim3A_404 = vector.broadcast %scan3A : f32 to vector<16xf32>
            %select_n3A_405 = arith.select %eq3A_403, %broadcast_in_dim3A_404, %scan3A_214 : vector<16xi1>, vector<16xf32>
            scf.yield %select_n3A_384, %select_n3A_387, %select_n3A_390, %select_n3A_393, %select_n3A_396, %select_n3A_399, %select_n3A_402, %select_n3A_405 : vector<16xf32>, vector<16xf32>, vector<16xf32>, vector<16xf32>, vector<16xf32>, vector<16xf32>, vector<16xf32>, vector<16xf32>
          }
          %scan3A_205 = arith.constant 64 : i32
        } else {
          %le3A_169 = arith.constant 256 : i32
          %le3A_170 = arith.cmpi sle, %squeeze3A_163, %le3A_169 : i32
          %convert_element_type3A_171 = arith.extui %le3A_170 : i1 to i32
          %cond3A_172 = arith.constant 0 : i32
          %cond3A_173 = arith.cmpi ne, %convert_element_type3A_171, %cond3A_172 : i32
          scf.if %cond3A_173 {
            %get3A_174 = arith.constant 0 : index
            %get3A_175 = tpu.vector_load %arg6[%get3A_174] {strides = array<i32>} : memref<32784xi32, #tpu.memory_space<vmem>>, vector<16xi32>,
            %get3A_176 = arith.constant 16 : index
            %get3A_177 = tpu.vector_load %arg6[%get3A_176] {strides = array<i32>} : memref<32784xi32, #tpu.memory_space<vmem>>, vector<16xi32>,
            %get3A_178 = arith.constant 32 : index
            %get3A_179 = tpu.vector_load %arg6[%get3A_178] {strides = array<i32>} : memref<32784xi32, #tpu.memory_space<vmem>>, vector<16xi32>,
            %get3A_180 = arith.constant 48 : index
            %get3A_181 = tpu.vector_load %arg6[%get3A_180] {strides = array<i32>} : memref<32784xi32, #tpu.memory_space<vmem>>, vector<16xi32>,
            %get3A_182 = arith.constant 64 : index
            %get3A_183 = tpu.vector_load %arg6[%get3A_182] {strides = array<i32>} : memref<32784xi32, #tpu.memory_space<vmem>>, vector<16xi32>,
            %get3A_184 = arith.constant 80 : index
            %get3A_185 = tpu.vector_load %arg6[%get3A_184] {strides = array<i32>} : memref<32784xi32, #tpu.memory_space<vmem>>, vector<16xi32>,
            %get3A_186 = arith.constant 96 : index
            %get3A_187 = tpu.vector_load %arg6[%get3A_186] {strides = array<i32>} : memref<32784xi32, #tpu.memory_space<vmem>>, vector<16xi32>,
            %get3A_188 = arith.constant 112 : index
            %get3A_189 = tpu.vector_load %arg6[%get3A_188] {strides = array<i32>} : memref<32784xi32, #tpu.memory_space<vmem>>, vector<16xi32>,
            %get3A_190 = arith.constant 128 : index
            %get3A_191 = tpu.vector_load %arg6[%get3A_190] {strides = array<i32>} : memref<32784xi32, #tpu.memory_space<vmem>>, vector<16xi32>,
            %get3A_192 = arith.constant 144 : index
            %get3A_193 = tpu.vector_load %arg6[%get3A_192] {strides = array<i32>} : memref<32784xi32, #tpu.memory_space<vmem>>, vector<16xi32>,
            %get3A_194 = arith.constant 160 : index
            %get3A_195 = tpu.vector_load %arg6[%get3A_194] {strides = array<i32>} : memref<32784xi32, #tpu.memory_space<vmem>>, vector<16xi32>,
            %get3A_196 = arith.constant 176 : index
            %get3A_197 = tpu.vector_load %arg6[%get3A_196] {strides = array<i32>} : memref<32784xi32, #tpu.memory_space<vmem>>, vector<16xi32>,
            %get3A_198 = arith.constant 192 : index
            %get3A_199 = tpu.vector_load %arg6[%get3A_198] {strides = array<i32>} : memref<32784xi32, #tpu.memory_space<vmem>>, vector<16xi32>,
            %get3A_200 = arith.constant 208 : index
            %get3A_201 = tpu.vector_load %arg6[%get3A_200] {strides = array<i32>} : memref<32784xi32, #tpu.memory_space<vmem>>, vector<16xi32>,
            %get3A_202 = arith.constant 224 : index
            %get3A_203 = tpu.vector_load %arg6[%get3A_202] {strides = array<i32>} : memref<32784xi32, #tpu.memory_space<vmem>>, vector<16xi32>,
            %get3A_204 = arith.constant 240 : index
            %get3A_205 = tpu.vector_load %arg6[%get3A_204] {strides = array<i32>} : memref<32784xi32, #tpu.memory_space<vmem>>, vector<16xi32>,
            %add3A_206 = arith.addi %get3A_175, %add3A_91 : vector<16xi32>
            %gather3A = tpu.vector_load_idx %arg5[%add3A_206] : memref<65792xf32, #tpu.memory_space<vmem>>[vector<16xi32>], vector<16xf32>,
            %add3A_207 = arith.addi %get3A_177, %add3A_91 : vector<16xi32>
            %gather3A_208 = tpu.vector_load_idx %arg5[%add3A_207] : memref<65792xf32, #tpu.memory_space<vmem>>[vector<16xi32>], vector<16xf32>,
            %add3A_209 = arith.addi %get3A_179, %add3A_91 : vector<16xi32>
            %gather3A_210 = tpu.vector_load_idx %arg5[%add3A_209] : memref<65792xf32, #tpu.memory_space<vmem>>[vector<16xi32>], vector<16xf32>,
            %add3A_211 = arith.addi %get3A_181, %add3A_91 : vector<16xi32>
            %gather3A_212 = tpu.vector_load_idx %arg5[%add3A_211] : memref<65792xf32, #tpu.memory_space<vmem>>[vector<16xi32>], vector<16xf32>,
            %add3A_213 = arith.addi %get3A_183, %add3A_91 : vector<16xi32>
            %gather3A_214 = tpu.vector_load_idx %arg5[%add3A_213] : memref<65792xf32, #tpu.memory_space<vmem>>[vector<16xi32>], vector<16xf32>,
            %add3A_215 = arith.addi %get3A_185, %add3A_91 : vector<16xi32>
            %gather3A_216 = tpu.vector_load_idx %arg5[%add3A_215] : memref<65792xf32, #tpu.memory_space<vmem>>[vector<16xi32>], vector<16xf32>,
            %add3A_217 = arith.addi %get3A_187, %add3A_91 : vector<16xi32>
            %gather3A_218 = tpu.vector_load_idx %arg5[%add3A_217] : memref<65792xf32, #tpu.memory_space<vmem>>[vector<16xi32>], vector<16xf32>,
            %add3A_219 = arith.addi %get3A_189, %add3A_91 : vector<16xi32>
            %gather3A_220 = tpu.vector_load_idx %arg5[%add3A_219] : memref<65792xf32, #tpu.memory_space<vmem>>[vector<16xi32>], vector<16xf32>,
            %add3A_221 = arith.addi %get3A_191, %add3A_91 : vector<16xi32>
            %gather3A_222 = tpu.vector_load_idx %arg5[%add3A_221] : memref<65792xf32, #tpu.memory_space<vmem>>[vector<16xi32>], vector<16xf32>,
            %add3A_223 = arith.addi %get3A_193, %add3A_91 : vector<16xi32>
            %gather3A_224 = tpu.vector_load_idx %arg5[%add3A_223] : memref<65792xf32, #tpu.memory_space<vmem>>[vector<16xi32>], vector<16xf32>,
            %add3A_225 = arith.addi %get3A_195, %add3A_91 : vector<16xi32>
            %gather3A_226 = tpu.vector_load_idx %arg5[%add3A_225] : memref<65792xf32, #tpu.memory_space<vmem>>[vector<16xi32>], vector<16xf32>,
            %add3A_227 = arith.addi %get3A_197, %add3A_91 : vector<16xi32>
            %gather3A_228 = tpu.vector_load_idx %arg5[%add3A_227] : memref<65792xf32, #tpu.memory_space<vmem>>[vector<16xi32>], vector<16xf32>,
            %add3A_229 = arith.addi %get3A_199, %add3A_91 : vector<16xi32>
            %gather3A_230 = tpu.vector_load_idx %arg5[%add3A_229] : memref<65792xf32, #tpu.memory_space<vmem>>[vector<16xi32>], vector<16xf32>,
            %add3A_231 = arith.addi %get3A_201, %add3A_91 : vector<16xi32>
            %gather3A_232 = tpu.vector_load_idx %arg5[%add3A_231] : memref<65792xf32, #tpu.memory_space<vmem>>[vector<16xi32>], vector<16xf32>,
            %add3A_233 = arith.addi %get3A_203, %add3A_91 : vector<16xi32>
            %gather3A_234 = tpu.vector_load_idx %arg5[%add3A_233] : memref<65792xf32, #tpu.memory_space<vmem>>[vector<16xi32>], vector<16xf32>,
            %add3A_235 = arith.addi %get3A_205, %add3A_91 : vector<16xi32>
            %gather3A_236 = tpu.vector_load_idx %arg5[%add3A_235] : memref<65792xf32, #tpu.memory_space<vmem>>[vector<16xi32>], vector<16xf32>,
            %scan3A_237 = arith.constant 0 : i32
            %scan3A_238 = arith.constant 64 : i32
            %scan3A_239 = arith.addi %scan3A_237, %scan3A_238 : i32
            %scan3A_240 = arith.constant 1 : i32
            %scan3A_241:16 = scf.for %scan3A_243 = %scan3A_237 to %scan3A_239 step %scan3A_240 iter_args(%scan3A_244 = %gather3A, %scan3A_245 = %gather3A_208, %scan3A_246 = %gather3A_210, %scan3A_247 = %gather3A_212, %scan3A_248 = %gather3A_214, %scan3A_249 = %gather3A_216, %scan3A_250 = %gather3A_218, %scan3A_251 = %gather3A_220, %scan3A_252 = %gather3A_222, %scan3A_253 = %gather3A_224, %scan3A_254 = %gather3A_226, %scan3A_255 = %gather3A_228, %scan3A_256 = %gather3A_230, %scan3A_257 = %gather3A_232, %scan3A_258 = %gather3A_234, %scan3A_259 = %gather3A_236) -> (vector<16xf32>, vector<16xf32>, vector<16xf32>, vector<16xf32>, vector<16xf32>, vector<16xf32>, vector<16xf32>, vector<16xf32>, vector<16xf32>, vector<16xf32>, vector<16xf32>, vector<16xf32>, vector<16xf32>, vector<16xf32>, vector<16xf32>, vector<16xf32>)  : i32 {
              %gt3A = arith.cmpf ogt, %scan3A_252, %scan3A_244 : vector<16xf32>
              %eq3A_260 = arith.cmpf oeq, %scan3A_252, %scan3A_244 : vector<16xf32>
              %lt3A_261 = arith.cmpi slt, %get3A_191, %get3A_175 : vector<16xi32>
              %and3A_262 = arith.andi %eq3A_260, %lt3A_261 : vector<16xi1>
              %or3A = arith.ori %gt3A, %and3A_262 : vector<16xi1>
              %select_n3A_263 = arith.select %or3A, %scan3A_252, %scan3A_244 : vector<16xi1>, vector<16xf32>
              %select_n3A_264 = arith.select %or3A, %get3A_191, %get3A_175 : vector<16xi1>, vector<16xi32>
              %gt3A_265 = arith.cmpf ogt, %scan3A_253, %scan3A_245 : vector<16xf32>
              %eq3A_266 = arith.cmpf oeq, %scan3A_253, %scan3A_245 : vector<16xf32>
              %lt3A_267 = arith.cmpi slt, %get3A_193, %get3A_177 : vector<16xi32>
              %and3A_268 = arith.andi %eq3A_266, %lt3A_267 : vector<16xi1>
              %or3A_269 = arith.ori %gt3A_265, %and3A_268 : vector<16xi1>
              %select_n3A_270 = arith.select %or3A_269, %scan3A_253, %scan3A_245 : vector<16xi1>, vector<16xf32>
              %select_n3A_271 = arith.select %or3A_269, %get3A_193, %get3A_177 : vector<16xi1>, vector<16xi32>
              %gt3A_272 = arith.cmpf ogt, %scan3A_254, %scan3A_246 : vector<16xf32>
              %eq3A_273 = arith.cmpf oeq, %scan3A_254, %scan3A_246 : vector<16xf32>
              %lt3A_274 = arith.cmpi slt, %get3A_195, %get3A_179 : vector<16xi32>
              %and3A_275 = arith.andi %eq3A_273, %lt3A_274 : vector<16xi1>
              %or3A_276 = arith.ori %gt3A_272, %and3A_275 : vector<16xi1>
              %select_n3A_277 = arith.select %or3A_276, %scan3A_254, %scan3A_246 : vector<16xi1>, vector<16xf32>
              %select_n3A_278 = arith.select %or3A_276, %get3A_195, %get3A_179 : vector<16xi1>, vector<16xi32>
              %gt3A_279 = arith.cmpf ogt, %scan3A_255, %scan3A_247 : vector<16xf32>
              %eq3A_280 = arith.cmpf oeq, %scan3A_255, %scan3A_247 : vector<16xf32>
              %lt3A_281 = arith.cmpi slt, %get3A_197, %get3A_181 : vector<16xi32>
              %and3A_282 = arith.andi %eq3A_280, %lt3A_281 : vector<16xi1>
              %or3A_283 = arith.ori %gt3A_279, %and3A_282 : vector<16xi1>
              %select_n3A_284 = arith.select %or3A_283, %scan3A_255, %scan3A_247 : vector<16xi1>, vector<16xf32>
              %select_n3A_285 = arith.select %or3A_283, %get3A_197, %get3A_181 : vector<16xi1>, vector<16xi32>
              %gt3A_286 = arith.cmpf ogt, %scan3A_256, %scan3A_248 : vector<16xf32>
              %eq3A_287 = arith.cmpf oeq, %scan3A_256, %scan3A_248 : vector<16xf32>
              %lt3A_288 = arith.cmpi slt, %get3A_199, %get3A_183 : vector<16xi32>
              %and3A_289 = arith.andi %eq3A_287, %lt3A_288 : vector<16xi1>
              %or3A_290 = arith.ori %gt3A_286, %and3A_289 : vector<16xi1>
              %select_n3A_291 = arith.select %or3A_290, %scan3A_256, %scan3A_248 : vector<16xi1>, vector<16xf32>
              %select_n3A_292 = arith.select %or3A_290, %get3A_199, %get3A_183 : vector<16xi1>, vector<16xi32>
              %gt3A_293 = arith.cmpf ogt, %scan3A_257, %scan3A_249 : vector<16xf32>
              %eq3A_294 = arith.cmpf oeq, %scan3A_257, %scan3A_249 : vector<16xf32>
              %lt3A_295 = arith.cmpi slt, %get3A_201, %get3A_185 : vector<16xi32>
              %and3A_296 = arith.andi %eq3A_294, %lt3A_295 : vector<16xi1>
              %or3A_297 = arith.ori %gt3A_293, %and3A_296 : vector<16xi1>
              %select_n3A_298 = arith.select %or3A_297, %scan3A_257, %scan3A_249 : vector<16xi1>, vector<16xf32>
              %select_n3A_299 = arith.select %or3A_297, %get3A_201, %get3A_185 : vector<16xi1>, vector<16xi32>
              %gt3A_300 = arith.cmpf ogt, %scan3A_258, %scan3A_250 : vector<16xf32>
              %eq3A_301 = arith.cmpf oeq, %scan3A_258, %scan3A_250 : vector<16xf32>
              %lt3A_302 = arith.cmpi slt, %get3A_203, %get3A_187 : vector<16xi32>
              %and3A_303 = arith.andi %eq3A_301, %lt3A_302 : vector<16xi1>
              %or3A_304 = arith.ori %gt3A_300, %and3A_303 : vector<16xi1>
              %select_n3A_305 = arith.select %or3A_304, %scan3A_258, %scan3A_250 : vector<16xi1>, vector<16xf32>
              %select_n3A_306 = arith.select %or3A_304, %get3A_203, %get3A_187 : vector<16xi1>, vector<16xi32>
              %gt3A_307 = arith.cmpf ogt, %scan3A_259, %scan3A_251 : vector<16xf32>
              %eq3A_308 = arith.cmpf oeq, %scan3A_259, %scan3A_251 : vector<16xf32>
              %lt3A_309 = arith.cmpi slt, %get3A_205, %get3A_189 : vector<16xi32>
              %and3A_310 = arith.andi %eq3A_308, %lt3A_309 : vector<16xi1>
              %or3A_311 = arith.ori %gt3A_307, %and3A_310 : vector<16xi1>
              %select_n3A_312 = arith.select %or3A_311, %scan3A_259, %scan3A_251 : vector<16xi1>, vector<16xf32>
              %select_n3A_313 = arith.select %or3A_311, %get3A_205, %get3A_189 : vector<16xi1>, vector<16xi32>
              %gt3A_314 = arith.cmpf ogt, %select_n3A_291, %select_n3A_263 : vector<16xf32>
              %eq3A_315 = arith.cmpf oeq, %select_n3A_291, %select_n3A_263 : vector<16xf32>
              %lt3A_316 = arith.cmpi slt, %select_n3A_292, %select_n3A_264 : vector<16xi32>
              %and3A_317 = arith.andi %eq3A_315, %lt3A_316 : vector<16xi1>
              %or3A_318 = arith.ori %gt3A_314, %and3A_317 : vector<16xi1>
              %select_n3A_319 = arith.select %or3A_318, %select_n3A_291, %select_n3A_263 : vector<16xi1>, vector<16xf32>
              %select_n3A_320 = arith.select %or3A_318, %select_n3A_292, %select_n3A_264 : vector<16xi1>, vector<16xi32>
              %gt3A_321 = arith.cmpf ogt, %select_n3A_298, %select_n3A_270 : vector<16xf32>
              %eq3A_322 = arith.cmpf oeq, %select_n3A_298, %select_n3A_270 : vector<16xf32>
              %lt3A_323 = arith.cmpi slt, %select_n3A_299, %select_n3A_271 : vector<16xi32>
              %and3A_324 = arith.andi %eq3A_322, %lt3A_323 : vector<16xi1>
              %or3A_325 = arith.ori %gt3A_321, %and3A_324 : vector<16xi1>
              %select_n3A_326 = arith.select %or3A_325, %select_n3A_298, %select_n3A_270 : vector<16xi1>, vector<16xf32>
              %select_n3A_327 = arith.select %or3A_325, %select_n3A_299, %select_n3A_271 : vector<16xi1>, vector<16xi32>
              %gt3A_328 = arith.cmpf ogt, %select_n3A_305, %select_n3A_277 : vector<16xf32>
              %eq3A_329 = arith.cmpf oeq, %select_n3A_305, %select_n3A_277 : vector<16xf32>
              %lt3A_330 = arith.cmpi slt, %select_n3A_306, %select_n3A_278 : vector<16xi32>
              %and3A_331 = arith.andi %eq3A_329, %lt3A_330 : vector<16xi1>
              %or3A_332 = arith.ori %gt3A_328, %and3A_331 : vector<16xi1>
              %select_n3A_333 = arith.select %or3A_332, %select_n3A_305, %select_n3A_277 : vector<16xi1>, vector<16xf32>
              %select_n3A_334 = arith.select %or3A_332, %select_n3A_306, %select_n3A_278 : vector<16xi1>, vector<16xi32>
              %gt3A_335 = arith.cmpf ogt, %select_n3A_312, %select_n3A_284 : vector<16xf32>
              %eq3A_336 = arith.cmpf oeq, %select_n3A_312, %select_n3A_284 : vector<16xf32>
              %lt3A_337 = arith.cmpi slt, %select_n3A_313, %select_n3A_285 : vector<16xi32>
              %and3A_338 = arith.andi %eq3A_336, %lt3A_337 : vector<16xi1>
              %or3A_339 = arith.ori %gt3A_335, %and3A_338 : vector<16xi1>
              %select_n3A_340 = arith.select %or3A_339, %select_n3A_312, %select_n3A_284 : vector<16xi1>, vector<16xf32>
              %select_n3A_341 = arith.select %or3A_339, %select_n3A_313, %select_n3A_285 : vector<16xi1>, vector<16xi32>
              %gt3A_342 = arith.cmpf ogt, %select_n3A_333, %select_n3A_319 : vector<16xf32>
              %eq3A_343 = arith.cmpf oeq, %select_n3A_333, %select_n3A_319 : vector<16xf32>
              %lt3A_344 = arith.cmpi slt, %select_n3A_334, %select_n3A_320 : vector<16xi32>
              %and3A_345 = arith.andi %eq3A_343, %lt3A_344 : vector<16xi1>
              %or3A_346 = arith.ori %gt3A_342, %and3A_345 : vector<16xi1>
              %select_n3A_347 = arith.select %or3A_346, %select_n3A_333, %select_n3A_319 : vector<16xi1>, vector<16xf32>
              %select_n3A_348 = arith.select %or3A_346, %select_n3A_334, %select_n3A_320 : vector<16xi1>, vector<16xi32>
              %gt3A_349 = arith.cmpf ogt, %select_n3A_340, %select_n3A_326 : vector<16xf32>
              %eq3A_350 = arith.cmpf oeq, %select_n3A_340, %select_n3A_326 : vector<16xf32>
              %lt3A_351 = arith.cmpi slt, %select_n3A_341, %select_n3A_327 : vector<16xi32>
              %and3A_352 = arith.andi %eq3A_350, %lt3A_351 : vector<16xi1>
              %or3A_353 = arith.ori %gt3A_349, %and3A_352 : vector<16xi1>
              %select_n3A_354 = arith.select %or3A_353, %select_n3A_340, %select_n3A_326 : vector<16xi1>, vector<16xf32>
              %select_n3A_355 = arith.select %or3A_353, %select_n3A_341, %select_n3A_327 : vector<16xi1>, vector<16xi32>
              %gt3A_356 = arith.cmpf ogt, %select_n3A_354, %select_n3A_347 : vector<16xf32>
              %eq3A_357 = arith.cmpf oeq, %select_n3A_354, %select_n3A_347 : vector<16xf32>
              %lt3A_358 = arith.cmpi slt, %select_n3A_355, %select_n3A_348 : vector<16xi32>
              %and3A_359 = arith.andi %eq3A_357, %lt3A_358 : vector<16xi1>
              %or3A_360 = arith.ori %gt3A_356, %and3A_359 : vector<16xi1>
              %select_n3A_361 = arith.select %or3A_360, %select_n3A_354, %select_n3A_347 : vector<16xi1>, vector<16xf32>
              %select_n3A_362 = arith.select %or3A_360, %select_n3A_355, %select_n3A_348 : vector<16xi1>, vector<16xi32>
              %xor3A = arith.constant 8 : i32
              %xor3A_363 = vector.broadcast %xor3A : i32 to vector<16xi32>
              %xor3A_364 = arith.xori %iota3A, %xor3A_363 : vector<16xi32>
              %lt3A_365 = arith.constant 0 : i32
              %lt3A_366 = vector.broadcast %lt3A_365 : i32 to vector<16xi32>
              %lt3A_367 = arith.cmpi slt, %xor3A_364, %lt3A_366 : vector<16xi32>
              %add3A_368 = arith.constant 16 : i32
              %add3A_369 = vector.broadcast %add3A_368 : i32 to vector<16xi32>
              %add3A_370 = arith.addi %xor3A_364, %add3A_369 : vector<16xi32>
              %select_n3A_371 = arith.select %lt3A_367, %add3A_370, %xor3A_364 : vector<16xi1>, vector<16xi32>
              %reshape3A = vector.shape_cast %select_n3A_371 : vector<16xi32> to vector<16x1xi32>
              %gather3A_372 = vector.shape_cast %reshape3A : vector<16x1xi32> to vector<16xi32>
              %gather3A_373 = tpu.dynamic_gather %select_n3A_361[%gather3A_372] in [0] : vector<16xf32>, vector<16xi32> -> vector<16xf32>
              %lt3A_374 = arith.constant 0 : i32
              %lt3A_375 = vector.broadcast %lt3A_374 : i32 to vector<16xi32>
              %lt3A_376 = arith.cmpi slt, %xor3A_364, %lt3A_375 : vector<16xi32>
              %add3A_377 = arith.constant 16 : i32
              %add3A_378 = vector.broadcast %add3A_377 : i32 to vector<16xi32>
              %add3A_379 = arith.addi %xor3A_364, %add3A_378 : vector<16xi32>
              %select_n3A_380 = arith.select %lt3A_376, %add3A_379, %xor3A_364 : vector<16xi1>, vector<16xi32>
              %reshape3A_381 = vector.shape_cast %select_n3A_380 : vector<16xi32> to vector<16x1xi32>
              %gather3A_382 = vector.shape_cast %reshape3A_381 : vector<16x1xi32> to vector<16xi32>
              %gather3A_383 = tpu.dynamic_gather %select_n3A_362[%gather3A_382] in [0] : vector<16xi32>, vector<16xi32> -> vector<16xi32>
              %gt3A_384 = arith.cmpf ogt, %gather3A_373, %select_n3A_361 : vector<16xf32>
              %eq3A_385 = arith.cmpf oeq, %gather3A_373, %select_n3A_361 : vector<16xf32>
              %lt3A_386 = arith.cmpi slt, %gather3A_383, %select_n3A_362 : vector<16xi32>
              %and3A_387 = arith.andi %eq3A_385, %lt3A_386 : vector<16xi1>
              %or3A_388 = arith.ori %gt3A_384, %and3A_387 : vector<16xi1>
              %select_n3A_389 = arith.select %or3A_388, %gather3A_373, %select_n3A_361 : vector<16xi1>, vector<16xf32>
              %select_n3A_390 = arith.select %or3A_388, %gather3A_383, %select_n3A_362 : vector<16xi1>, vector<16xi32>
              %xor3A_391 = arith.constant 4 : i32
              %xor3A_392 = vector.broadcast %xor3A_391 : i32 to vector<16xi32>
              %xor3A_393 = arith.xori %iota3A, %xor3A_392 : vector<16xi32>
              %lt3A_394 = arith.constant 0 : i32
              %lt3A_395 = vector.broadcast %lt3A_394 : i32 to vector<16xi32>
              %lt3A_396 = arith.cmpi slt, %xor3A_393, %lt3A_395 : vector<16xi32>
              %add3A_397 = arith.constant 16 : i32
              %add3A_398 = vector.broadcast %add3A_397 : i32 to vector<16xi32>
              %add3A_399 = arith.addi %xor3A_393, %add3A_398 : vector<16xi32>
              %select_n3A_400 = arith.select %lt3A_396, %add3A_399, %xor3A_393 : vector<16xi1>, vector<16xi32>
              %reshape3A_401 = vector.shape_cast %select_n3A_400 : vector<16xi32> to vector<16x1xi32>
              %gather3A_402 = vector.shape_cast %reshape3A_401 : vector<16x1xi32> to vector<16xi32>
              %gather3A_403 = tpu.dynamic_gather %select_n3A_389[%gather3A_402] in [0] : vector<16xf32>, vector<16xi32> -> vector<16xf32>
              %lt3A_404 = arith.constant 0 : i32
              %lt3A_405 = vector.broadcast %lt3A_404 : i32 to vector<16xi32>
              %lt3A_406 = arith.cmpi slt, %xor3A_393, %lt3A_405 : vector<16xi32>
              %add3A_407 = arith.constant 16 : i32
              %add3A_408 = vector.broadcast %add3A_407 : i32 to vector<16xi32>
              %add3A_409 = arith.addi %xor3A_393, %add3A_408 : vector<16xi32>
              %select_n3A_410 = arith.select %lt3A_406, %add3A_409, %xor3A_393 : vector<16xi1>, vector<16xi32>
              %reshape3A_411 = vector.shape_cast %select_n3A_410 : vector<16xi32> to vector<16x1xi32>
              %gather3A_412 = vector.shape_cast %reshape3A_411 : vector<16x1xi32> to vector<16xi32>
              %gather3A_413 = tpu.dynamic_gather %select_n3A_390[%gather3A_412] in [0] : vector<16xi32>, vector<16xi32> -> vector<16xi32>
              %gt3A_414 = arith.cmpf ogt, %gather3A_403, %select_n3A_389 : vector<16xf32>
              %eq3A_415 = arith.cmpf oeq, %gather3A_403, %select_n3A_389 : vector<16xf32>
              %lt3A_416 = arith.cmpi slt, %gather3A_413, %select_n3A_390 : vector<16xi32>
              %and3A_417 = arith.andi %eq3A_415, %lt3A_416 : vector<16xi1>
              %or3A_418 = arith.ori %gt3A_414, %and3A_417 : vector<16xi1>
              %select_n3A_419 = arith.select %or3A_418, %gather3A_403, %select_n3A_389 : vector<16xi1>, vector<16xf32>
              %select_n3A_420 = arith.select %or3A_418, %gather3A_413, %select_n3A_390 : vector<16xi1>, vector<16xi32>
              %xor3A_421 = arith.constant 2 : i32
              %xor3A_422 = vector.broadcast %xor3A_421 : i32 to vector<16xi32>
              %xor3A_423 = arith.xori %iota3A, %xor3A_422 : vector<16xi32>
              %lt3A_424 = arith.constant 0 : i32
              %lt3A_425 = vector.broadcast %lt3A_424 : i32 to vector<16xi32>
              %lt3A_426 = arith.cmpi slt, %xor3A_423, %lt3A_425 : vector<16xi32>
              %add3A_427 = arith.constant 16 : i32
              %add3A_428 = vector.broadcast %add3A_427 : i32 to vector<16xi32>
              %add3A_429 = arith.addi %xor3A_423, %add3A_428 : vector<16xi32>
              %select_n3A_430 = arith.select %lt3A_426, %add3A_429, %xor3A_423 : vector<16xi1>, vector<16xi32>
              %reshape3A_431 = vector.shape_cast %select_n3A_430 : vector<16xi32> to vector<16x1xi32>
              %gather3A_432 = vector.shape_cast %reshape3A_431 : vector<16x1xi32> to vector<16xi32>
              %gather3A_433 = tpu.dynamic_gather %select_n3A_419[%gather3A_432] in [0] : vector<16xf32>, vector<16xi32> -> vector<16xf32>
              %lt3A_434 = arith.constant 0 : i32
              %lt3A_435 = vector.broadcast %lt3A_434 : i32 to vector<16xi32>
              %lt3A_436 = arith.cmpi slt, %xor3A_423, %lt3A_435 : vector<16xi32>
              %add3A_437 = arith.constant 16 : i32
              %add3A_438 = vector.broadcast %add3A_437 : i32 to vector<16xi32>
              %add3A_439 = arith.addi %xor3A_423, %add3A_438 : vector<16xi32>
              %select_n3A_440 = arith.select %lt3A_436, %add3A_439, %xor3A_423 : vector<16xi1>, vector<16xi32>
              %reshape3A_441 = vector.shape_cast %select_n3A_440 : vector<16xi32> to vector<16x1xi32>
              %gather3A_442 = vector.shape_cast %reshape3A_441 : vector<16x1xi32> to vector<16xi32>
              %gather3A_443 = tpu.dynamic_gather %select_n3A_420[%gather3A_442] in [0] : vector<16xi32>, vector<16xi32> -> vector<16xi32>
              %gt3A_444 = arith.cmpf ogt, %gather3A_433, %select_n3A_419 : vector<16xf32>
              %eq3A_445 = arith.cmpf oeq, %gather3A_433, %select_n3A_419 : vector<16xf32>
              %lt3A_446 = arith.cmpi slt, %gather3A_443, %select_n3A_420 : vector<16xi32>
              %and3A_447 = arith.andi %eq3A_445, %lt3A_446 : vector<16xi1>
              %or3A_448 = arith.ori %gt3A_444, %and3A_447 : vector<16xi1>
              %select_n3A_449 = arith.select %or3A_448, %gather3A_433, %select_n3A_419 : vector<16xi1>, vector<16xf32>
              %select_n3A_450 = arith.select %or3A_448, %gather3A_443, %select_n3A_420 : vector<16xi1>, vector<16xi32>
              %xor3A_451 = arith.constant 1 : i32
              %xor3A_452 = vector.broadcast %xor3A_451 : i32 to vector<16xi32>
              %xor3A_453 = arith.xori %iota3A, %xor3A_452 : vector<16xi32>
              %lt3A_454 = arith.constant 0 : i32
              %lt3A_455 = vector.broadcast %lt3A_454 : i32 to vector<16xi32>
              %lt3A_456 = arith.cmpi slt, %xor3A_453, %lt3A_455 : vector<16xi32>
              %add3A_457 = arith.constant 16 : i32
              %add3A_458 = vector.broadcast %add3A_457 : i32 to vector<16xi32>
              %add3A_459 = arith.addi %xor3A_453, %add3A_458 : vector<16xi32>
              %select_n3A_460 = arith.select %lt3A_456, %add3A_459, %xor3A_453 : vector<16xi1>, vector<16xi32>
              %reshape3A_461 = vector.shape_cast %select_n3A_460 : vector<16xi32> to vector<16x1xi32>
              %gather3A_462 = vector.shape_cast %reshape3A_461 : vector<16x1xi32> to vector<16xi32>
              %gather3A_463 = tpu.dynamic_gather %select_n3A_449[%gather3A_462] in [0] : vector<16xf32>, vector<16xi32> -> vector<16xf32>
              %lt3A_464 = arith.constant 0 : i32
              %lt3A_465 = vector.broadcast %lt3A_464 : i32 to vector<16xi32>
              %lt3A_466 = arith.cmpi slt, %xor3A_453, %lt3A_465 : vector<16xi32>
              %add3A_467 = arith.constant 16 : i32
              %add3A_468 = vector.broadcast %add3A_467 : i32 to vector<16xi32>
              %add3A_469 = arith.addi %xor3A_453, %add3A_468 : vector<16xi32>
              %select_n3A_470 = arith.select %lt3A_466, %add3A_469, %xor3A_453 : vector<16xi1>, vector<16xi32>
              %reshape3A_471 = vector.shape_cast %select_n3A_470 : vector<16xi32> to vector<16x1xi32>
              %gather3A_472 = vector.shape_cast %reshape3A_471 : vector<16x1xi32> to vector<16xi32>
              %gather3A_473 = tpu.dynamic_gather %select_n3A_450[%gather3A_472] in [0] : vector<16xi32>, vector<16xi32> -> vector<16xi32>
              %gt3A_474 = arith.cmpf ogt, %gather3A_463, %select_n3A_449 : vector<16xf32>
              %eq3A_475 = arith.cmpf oeq, %gather3A_463, %select_n3A_449 : vector<16xf32>
              %lt3A_476 = arith.cmpi slt, %gather3A_473, %select_n3A_450 : vector<16xi32>
              %and3A_477 = arith.andi %eq3A_475, %lt3A_476 : vector<16xi1>
              %or3A_478 = arith.ori %gt3A_474, %and3A_477 : vector<16xi1>
              %select_n3A_479 = arith.select %or3A_478, %gather3A_463, %select_n3A_449 : vector<16xi1>, vector<16xf32>
              %select_n3A_480 = arith.select %or3A_478, %gather3A_473, %select_n3A_450 : vector<16xi1>, vector<16xi32>
              %add3A_481 = vector.broadcast %scan3A_243 : i32 to vector<16xi32>
              %add3A_482 = arith.addi %broadcast_in_dim3A_5, %add3A_481 : vector<16xi32>
              tpu.vector_store_idx %arg8[%add3A_93, %add3A_482], %select_n3A_479 masked %eq3A_3 : memref<4x64xf32, #tpu.memory_space<vmem>>[vector<16xi32>, vector<16xi32>], vector<16xf32>, vector<16xi1>
              tpu.vector_store_idx %arg9[%add3A_93, %add3A_482], %select_n3A_480 masked %eq3A_3 : memref<4x64xi32, #tpu.memory_space<vmem>>[vector<16xi32>, vector<16xi32>], vector<16xi32>, vector<16xi1>
              %eq3A_483 = arith.cmpi eq, %get3A_175, %select_n3A_480 : vector<16xi32>
              %broadcast_in_dim3A_484 = vector.broadcast %scan3A : f32 to vector<16xf32>
              %select_n3A_485 = arith.select %eq3A_483, %broadcast_in_dim3A_484, %scan3A_244 : vector<16xi1>, vector<16xf32>
              %eq3A_486 = arith.cmpi eq, %get3A_177, %select_n3A_480 : vector<16xi32>
              %broadcast_in_dim3A_487 = vector.broadcast %scan3A : f32 to vector<16xf32>
              %select_n3A_488 = arith.select %eq3A_486, %broadcast_in_dim3A_487, %scan3A_245 : vector<16xi1>, vector<16xf32>
              %eq3A_489 = arith.cmpi eq, %get3A_179, %select_n3A_480 : vector<16xi32>
              %broadcast_in_dim3A_490 = vector.broadcast %scan3A : f32 to vector<16xf32>
              %select_n3A_491 = arith.select %eq3A_489, %broadcast_in_dim3A_490, %scan3A_246 : vector<16xi1>, vector<16xf32>
              %eq3A_492 = arith.cmpi eq, %get3A_181, %select_n3A_480 : vector<16xi32>
              %broadcast_in_dim3A_493 = vector.broadcast %scan3A : f32 to vector<16xf32>
              %select_n3A_494 = arith.select %eq3A_492, %broadcast_in_dim3A_493, %scan3A_247 : vector<16xi1>, vector<16xf32>
              %eq3A_495 = arith.cmpi eq, %get3A_183, %select_n3A_480 : vector<16xi32>
              %broadcast_in_dim3A_496 = vector.broadcast %scan3A : f32 to vector<16xf32>
              %select_n3A_497 = arith.select %eq3A_495, %broadcast_in_dim3A_496, %scan3A_248 : vector<16xi1>, vector<16xf32>
              %eq3A_498 = arith.cmpi eq, %get3A_185, %select_n3A_480 : vector<16xi32>
              %broadcast_in_dim3A_499 = vector.broadcast %scan3A : f32 to vector<16xf32>
              %select_n3A_500 = arith.select %eq3A_498, %broadcast_in_dim3A_499, %scan3A_249 : vector<16xi1>, vector<16xf32>
              %eq3A_501 = arith.cmpi eq, %get3A_187, %select_n3A_480 : vector<16xi32>
              %broadcast_in_dim3A_502 = vector.broadcast %scan3A : f32 to vector<16xf32>
              %select_n3A_503 = arith.select %eq3A_501, %broadcast_in_dim3A_502, %scan3A_250 : vector<16xi1>, vector<16xf32>
              %eq3A_504 = arith.cmpi eq, %get3A_189, %select_n3A_480 : vector<16xi32>
              %broadcast_in_dim3A_505 = vector.broadcast %scan3A : f32 to vector<16xf32>
              %select_n3A_506 = arith.select %eq3A_504, %broadcast_in_dim3A_505, %scan3A_251 : vector<16xi1>, vector<16xf32>
              %eq3A_507 = arith.cmpi eq, %get3A_191, %select_n3A_480 : vector<16xi32>
              %broadcast_in_dim3A_508 = vector.broadcast %scan3A : f32 to vector<16xf32>
              %select_n3A_509 = arith.select %eq3A_507, %broadcast_in_dim3A_508, %scan3A_252 : vector<16xi1>, vector<16xf32>
              %eq3A_510 = arith.cmpi eq, %get3A_193, %select_n3A_480 : vector<16xi32>
              %broadcast_in_dim3A_511 = vector.broadcast %scan3A : f32 to vector<16xf32>
              %select_n3A_512 = arith.select %eq3A_510, %broadcast_in_dim3A_511, %scan3A_253 : vector<16xi1>, vector<16xf32>
              %eq3A_513 = arith.cmpi eq, %get3A_195, %select_n3A_480 : vector<16xi32>
              %broadcast_in_dim3A_514 = vector.broadcast %scan3A : f32 to vector<16xf32>
              %select_n3A_515 = arith.select %eq3A_513, %broadcast_in_dim3A_514, %scan3A_254 : vector<16xi1>, vector<16xf32>
              %eq3A_516 = arith.cmpi eq, %get3A_197, %select_n3A_480 : vector<16xi32>
              %broadcast_in_dim3A_517 = vector.broadcast %scan3A : f32 to vector<16xf32>
              %select_n3A_518 = arith.select %eq3A_516, %broadcast_in_dim3A_517, %scan3A_255 : vector<16xi1>, vector<16xf32>
              %eq3A_519 = arith.cmpi eq, %get3A_199, %select_n3A_480 : vector<16xi32>
              %broadcast_in_dim3A_520 = vector.broadcast %scan3A : f32 to vector<16xf32>
              %select_n3A_521 = arith.select %eq3A_519, %broadcast_in_dim3A_520, %scan3A_256 : vector<16xi1>, vector<16xf32>
              %eq3A_522 = arith.cmpi eq, %get3A_201, %select_n3A_480 : vector<16xi32>
              %broadcast_in_dim3A_523 = vector.broadcast %scan3A : f32 to vector<16xf32>
              %select_n3A_524 = arith.select %eq3A_522, %broadcast_in_dim3A_523, %scan3A_257 : vector<16xi1>, vector<16xf32>
              %eq3A_525 = arith.cmpi eq, %get3A_203, %select_n3A_480 : vector<16xi32>
              %broadcast_in_dim3A_526 = vector.broadcast %scan3A : f32 to vector<16xf32>
              %select_n3A_527 = arith.select %eq3A_525, %broadcast_in_dim3A_526, %scan3A_258 : vector<16xi1>, vector<16xf32>
              %eq3A_528 = arith.cmpi eq, %get3A_205, %select_n3A_480 : vector<16xi32>
              %broadcast_in_dim3A_529 = vector.broadcast %scan3A : f32 to vector<16xf32>
              %select_n3A_530 = arith.select %eq3A_528, %broadcast_in_dim3A_529, %scan3A_259 : vector<16xi1>, vector<16xf32>
              scf.yield %select_n3A_485, %select_n3A_488, %select_n3A_491, %select_n3A_494, %select_n3A_497, %select_n3A_500, %select_n3A_503, %select_n3A_506, %select_n3A_509, %select_n3A_512, %select_n3A_515, %select_n3A_518, %select_n3A_521, %select_n3A_524, %select_n3A_527, %select_n3A_530 : vector<16xf32>, vector<16xf32>, vector<16xf32>, vector<16xf32>, vector<16xf32>, vector<16xf32>, vector<16xf32>, vector<16xf32>, vector<16xf32>, vector<16xf32>, vector<16xf32>, vector<16xf32>, vector<16xf32>, vector<16xf32>, vector<16xf32>, vector<16xf32>
            }
            %scan3A_242 = arith.constant 64 : i32
          } else {
            %add3A_174 = arith.constant 32768 : i32
            %add3A_175 = vector.broadcast %add3A_174 : i32 to vector<16xi32>
            %add3A_176 = arith.addi %iota3A, %add3A_175 : vector<16xi32>
            %swap3A_177 = arith.index_cast %squeeze3A_163 : i32 to index
            %swap3A_178 = tpu.vector_load %arg6[%swap3A_177] {strides = array<i32>} : memref<32784xi32, #tpu.memory_space<vmem>>, vector<16xi32>,
            tpu.vector_store %arg6[%swap3A_177], %add3A_176 {strides = array<i32>} : memref<32784xi32, #tpu.memory_space<vmem>>, vector<16xi32>,
            %add3A_179 = arith.constant 16 : i32
            %add3A_180 = arith.addi %squeeze3A_163, %add3A_179 : i32
            %sub3A_181 = arith.constant 1 : i32
            %sub3A_182 = arith.subi %add3A_180, %sub3A_181 : i32
            %jit3A_183 = arith.constant 16 : i32
            %div3A = arith.divsi %sub3A_182, %jit3A_183 : i32
            %sign3A = arith.constant 0 : i32
            %sign3A_184 = arith.cmpi sgt, %sub3A_182, %sign3A : i32
            %sign3A_185 = arith.extui %sign3A_184 : i1 to i32
            %sign3A_186 = arith.constant 0 : i32
            %sign3A_187 = arith.cmpi slt, %sub3A_182, %sign3A_186 : i32
            %sign3A_188 = arith.extui %sign3A_187 : i1 to i32
            %sign3A_189 = arith.subi %sign3A_185, %sign3A_188 : i32
            %sign3A_190 = arith.constant 0 : i32
            %sign3A_191 = arith.cmpi sgt, %jit3A_183, %sign3A_190 : i32
            %sign3A_192 = arith.extui %sign3A_191 : i1 to i32
            %sign3A_193 = arith.constant 0 : i32
            %sign3A_194 = arith.cmpi slt, %jit3A_183, %sign3A_193 : i32
            %sign3A_195 = arith.extui %sign3A_194 : i1 to i32
            %sign3A_196 = arith.subi %sign3A_192, %sign3A_195 : i32
            %ne3A = arith.cmpi ne, %sign3A_189, %sign3A_196 : i32
            %rem3A = arith.remsi %sub3A_182, %jit3A_183 : i32
            %ne3A_197 = arith.constant 0 : i32
            %ne3A_198 = arith.cmpi ne, %rem3A, %ne3A_197 : i32
            %and3A_199 = arith.andi %ne3A, %ne3A_198 : i1
            %sub3A_200 = arith.constant 1 : i32
            %sub3A_201 = arith.subi %div3A, %sub3A_200 : i32
            %select_n3A_202 = arith.select %and3A_199, %sub3A_201, %div3A : i32
            %broadcast_in_dim3A_203 = vector.broadcast %scan3A_26 : i32 to vector<16xi32>
            %scan3A_204 = arith.constant 0 : i32
            %scan3A_205 = arith.constant 0 : i32
            %scan3A_206 = arith.constant 64 : i32
            %scan3A_207 = arith.addi %scan3A_205, %scan3A_206 : i32
            %scan3A_208 = arith.constant 1 : i32
            %scan3A_209 = scf.for %scan3A_211 = %scan3A_205 to %scan3A_207 step %scan3A_208 iter_args(%scan3A_212 = %scan3A_204) -> (i32)  : i32 {
              %parallel_loop3A_213 = arith.constant 0 : i32
              %parallel_loop3A_214 = arith.constant 1 : i32
              %parallel_loop3A_215:2 = scf.for %parallel_loop3A_335 = %parallel_loop3A_213 to %select_n3A_202 step %parallel_loop3A_214 iter_args(%parallel_loop3A_336 = %broadcast_in_dim3A_7, %parallel_loop3A_337 = %broadcast_in_dim3A_203) -> (vector<16xf32>, vector<16xi32>)  : i32 {
                %parallel_loop3A_338 = arith.constant 16 : i32
                %parallel_loop3A_339 = arith.muli %parallel_loop3A_335, %parallel_loop3A_338 : i32
                %parallel_loop3A_340 = arith.index_cast %parallel_loop3A_339 : i32 to index
                %parallel_loop3A_341 = tpu.vector_load %arg6[%parallel_loop3A_340] {strides = array<i32>} : memref<32784xi32, #tpu.memory_space<vmem>>, vector<16xi32>,
                %parallel_loop3A_342 = arith.addi %parallel_loop3A_341, %add3A_91 : vector<16xi32>
                %parallel_loop3A_343 = tpu.vector_load_idx %arg5[%parallel_loop3A_342] : memref<65792xf32, #tpu.memory_space<vmem>>[vector<16xi32>], vector<16xf32>,
                %parallel_loop3A_344 = arith.cmpf ogt, %parallel_loop3A_343, %parallel_loop3A_336 : vector<16xf32>
                %parallel_loop3A_345 = arith.cmpf oeq, %parallel_loop3A_343, %parallel_loop3A_336 : vector<16xf32>
                %parallel_loop3A_346 = arith.cmpi slt, %parallel_loop3A_341, %parallel_loop3A_337 : vector<16xi32>
                %parallel_loop3A_347 = arith.andi %parallel_loop3A_345, %parallel_loop3A_346 : vector<16xi1>
                %parallel_loop3A_348 = arith.ori %parallel_loop3A_344, %parallel_loop3A_347 : vector<16xi1>
                %parallel_loop3A_349 = arith.select %parallel_loop3A_348, %parallel_loop3A_343, %parallel_loop3A_336 : vector<16xi1>, vector<16xf32>
                %parallel_loop3A_350 = arith.select %parallel_loop3A_348, %parallel_loop3A_341, %parallel_loop3A_337 : vector<16xi1>, vector<16xi32>
                scf.yield %parallel_loop3A_349, %parallel_loop3A_350 : vector<16xf32>, vector<16xi32>
              } {sc.loop_unroll_factor = 2 : i64, sc.parallel_access}
              %xor3A = arith.constant 8 : i32
              %xor3A_216 = vector.broadcast %xor3A : i32 to vector<16xi32>
              %xor3A_217 = arith.xori %iota3A, %xor3A_216 : vector<16xi32>
              %lt3A_218 = arith.constant 0 : i32
              %lt3A_219 = vector.broadcast %lt3A_218 : i32 to vector<16xi32>
              %lt3A_220 = arith.cmpi slt, %xor3A_217, %lt3A_219 : vector<16xi32>
              %add3A_221 = arith.constant 16 : i32
              %add3A_222 = vector.broadcast %add3A_221 : i32 to vector<16xi32>
              %add3A_223 = arith.addi %xor3A_217, %add3A_222 : vector<16xi32>
              %select_n3A_224 = arith.select %lt3A_220, %add3A_223, %xor3A_217 : vector<16xi1>, vector<16xi32>
              %reshape3A = vector.shape_cast %select_n3A_224 : vector<16xi32> to vector<16x1xi32>
              %gather3A = vector.shape_cast %reshape3A : vector<16x1xi32> to vector<16xi32>
              %gather3A_225 = tpu.dynamic_gather %parallel_loop3A_215#0[%gather3A] in [0] : vector<16xf32>, vector<16xi32> -> vector<16xf32>
              %lt3A_226 = arith.constant 0 : i32
              %lt3A_227 = vector.broadcast %lt3A_226 : i32 to vector<16xi32>
              %lt3A_228 = arith.cmpi slt, %xor3A_217, %lt3A_227 : vector<16xi32>
              %add3A_229 = arith.constant 16 : i32
              %add3A_230 = vector.broadcast %add3A_229 : i32 to vector<16xi32>
              %add3A_231 = arith.addi %xor3A_217, %add3A_230 : vector<16xi32>
              %select_n3A_232 = arith.select %lt3A_228, %add3A_231, %xor3A_217 : vector<16xi1>, vector<16xi32>
              %reshape3A_233 = vector.shape_cast %select_n3A_232 : vector<16xi32> to vector<16x1xi32>
              %gather3A_234 = vector.shape_cast %reshape3A_233 : vector<16x1xi32> to vector<16xi32>
              %gather3A_235 = tpu.dynamic_gather %parallel_loop3A_215#1[%gather3A_234] in [0] : vector<16xi32>, vector<16xi32> -> vector<16xi32>
              %gt3A = arith.cmpf ogt, %gather3A_225, %parallel_loop3A_215#0 : vector<16xf32>
              %eq3A_236 = arith.cmpf oeq, %gather3A_225, %parallel_loop3A_215#0 : vector<16xf32>
              %lt3A_237 = arith.cmpi slt, %gather3A_235, %parallel_loop3A_215#1 : vector<16xi32>
              %and3A_238 = arith.andi %eq3A_236, %lt3A_237 : vector<16xi1>
              %or3A = arith.ori %gt3A, %and3A_238 : vector<16xi1>
              %select_n3A_239 = arith.select %or3A, %gather3A_225, %parallel_loop3A_215#0 : vector<16xi1>, vector<16xf32>
              %select_n3A_240 = arith.select %or3A, %gather3A_235, %parallel_loop3A_215#1 : vector<16xi1>, vector<16xi32>
              %xor3A_241 = arith.constant 4 : i32
              %xor3A_242 = vector.broadcast %xor3A_241 : i32 to vector<16xi32>
              %xor3A_243 = arith.xori %iota3A, %xor3A_242 : vector<16xi32>
              %lt3A_244 = arith.constant 0 : i32
              %lt3A_245 = vector.broadcast %lt3A_244 : i32 to vector<16xi32>
              %lt3A_246 = arith.cmpi slt, %xor3A_243, %lt3A_245 : vector<16xi32>
              %add3A_247 = arith.constant 16 : i32
              %add3A_248 = vector.broadcast %add3A_247 : i32 to vector<16xi32>
              %add3A_249 = arith.addi %xor3A_243, %add3A_248 : vector<16xi32>
              %select_n3A_250 = arith.select %lt3A_246, %add3A_249, %xor3A_243 : vector<16xi1>, vector<16xi32>
              %reshape3A_251 = vector.shape_cast %select_n3A_250 : vector<16xi32> to vector<16x1xi32>
              %gather3A_252 = vector.shape_cast %reshape3A_251 : vector<16x1xi32> to vector<16xi32>
              %gather3A_253 = tpu.dynamic_gather %select_n3A_239[%gather3A_252] in [0] : vector<16xf32>, vector<16xi32> -> vector<16xf32>
              %lt3A_254 = arith.constant 0 : i32
              %lt3A_255 = vector.broadcast %lt3A_254 : i32 to vector<16xi32>
              %lt3A_256 = arith.cmpi slt, %xor3A_243, %lt3A_255 : vector<16xi32>
              %add3A_257 = arith.constant 16 : i32
              %add3A_258 = vector.broadcast %add3A_257 : i32 to vector<16xi32>
              %add3A_259 = arith.addi %xor3A_243, %add3A_258 : vector<16xi32>
              %select_n3A_260 = arith.select %lt3A_256, %add3A_259, %xor3A_243 : vector<16xi1>, vector<16xi32>
              %reshape3A_261 = vector.shape_cast %select_n3A_260 : vector<16xi32> to vector<16x1xi32>
              %gather3A_262 = vector.shape_cast %reshape3A_261 : vector<16x1xi32> to vector<16xi32>
              %gather3A_263 = tpu.dynamic_gather %select_n3A_240[%gather3A_262] in [0] : vector<16xi32>, vector<16xi32> -> vector<16xi32>
              %gt3A_264 = arith.cmpf ogt, %gather3A_253, %select_n3A_239 : vector<16xf32>
              %eq3A_265 = arith.cmpf oeq, %gather3A_253, %select_n3A_239 : vector<16xf32>
              %lt3A_266 = arith.cmpi slt, %gather3A_263, %select_n3A_240 : vector<16xi32>
              %and3A_267 = arith.andi %eq3A_265, %lt3A_266 : vector<16xi1>
              %or3A_268 = arith.ori %gt3A_264, %and3A_267 : vector<16xi1>
              %select_n3A_269 = arith.select %or3A_268, %gather3A_253, %select_n3A_239 : vector<16xi1>, vector<16xf32>
              %select_n3A_270 = arith.select %or3A_268, %gather3A_263, %select_n3A_240 : vector<16xi1>, vector<16xi32>
              %xor3A_271 = arith.constant 2 : i32
              %xor3A_272 = vector.broadcast %xor3A_271 : i32 to vector<16xi32>
              %xor3A_273 = arith.xori %iota3A, %xor3A_272 : vector<16xi32>
              %lt3A_274 = arith.constant 0 : i32
              %lt3A_275 = vector.broadcast %lt3A_274 : i32 to vector<16xi32>
              %lt3A_276 = arith.cmpi slt, %xor3A_273, %lt3A_275 : vector<16xi32>
              %add3A_277 = arith.constant 16 : i32
              %add3A_278 = vector.broadcast %add3A_277 : i32 to vector<16xi32>
              %add3A_279 = arith.addi %xor3A_273, %add3A_278 : vector<16xi32>
              %select_n3A_280 = arith.select %lt3A_276, %add3A_279, %xor3A_273 : vector<16xi1>, vector<16xi32>
              %reshape3A_281 = vector.shape_cast %select_n3A_280 : vector<16xi32> to vector<16x1xi32>
              %gather3A_282 = vector.shape_cast %reshape3A_281 : vector<16x1xi32> to vector<16xi32>
              %gather3A_283 = tpu.dynamic_gather %select_n3A_269[%gather3A_282] in [0] : vector<16xf32>, vector<16xi32> -> vector<16xf32>
              %lt3A_284 = arith.constant 0 : i32
              %lt3A_285 = vector.broadcast %lt3A_284 : i32 to vector<16xi32>
              %lt3A_286 = arith.cmpi slt, %xor3A_273, %lt3A_285 : vector<16xi32>
              %add3A_287 = arith.constant 16 : i32
              %add3A_288 = vector.broadcast %add3A_287 : i32 to vector<16xi32>
              %add3A_289 = arith.addi %xor3A_273, %add3A_288 : vector<16xi32>
              %select_n3A_290 = arith.select %lt3A_286, %add3A_289, %xor3A_273 : vector<16xi1>, vector<16xi32>
              %reshape3A_291 = vector.shape_cast %select_n3A_290 : vector<16xi32> to vector<16x1xi32>
              %gather3A_292 = vector.shape_cast %reshape3A_291 : vector<16x1xi32> to vector<16xi32>
              %gather3A_293 = tpu.dynamic_gather %select_n3A_270[%gather3A_292] in [0] : vector<16xi32>, vector<16xi32> -> vector<16xi32>
              %gt3A_294 = arith.cmpf ogt, %gather3A_283, %select_n3A_269 : vector<16xf32>
              %eq3A_295 = arith.cmpf oeq, %gather3A_283, %select_n3A_269 : vector<16xf32>
              %lt3A_296 = arith.cmpi slt, %gather3A_293, %select_n3A_270 : vector<16xi32>
              %and3A_297 = arith.andi %eq3A_295, %lt3A_296 : vector<16xi1>
              %or3A_298 = arith.ori %gt3A_294, %and3A_297 : vector<16xi1>
              %select_n3A_299 = arith.select %or3A_298, %gather3A_283, %select_n3A_269 : vector<16xi1>, vector<16xf32>
              %select_n3A_300 = arith.select %or3A_298, %gather3A_293, %select_n3A_270 : vector<16xi1>, vector<16xi32>
              %xor3A_301 = arith.constant 1 : i32
              %xor3A_302 = vector.broadcast %xor3A_301 : i32 to vector<16xi32>
              %xor3A_303 = arith.xori %iota3A, %xor3A_302 : vector<16xi32>
              %lt3A_304 = arith.constant 0 : i32
              %lt3A_305 = vector.broadcast %lt3A_304 : i32 to vector<16xi32>
              %lt3A_306 = arith.cmpi slt, %xor3A_303, %lt3A_305 : vector<16xi32>
              %add3A_307 = arith.constant 16 : i32
              %add3A_308 = vector.broadcast %add3A_307 : i32 to vector<16xi32>
              %add3A_309 = arith.addi %xor3A_303, %add3A_308 : vector<16xi32>
              %select_n3A_310 = arith.select %lt3A_306, %add3A_309, %xor3A_303 : vector<16xi1>, vector<16xi32>
              %reshape3A_311 = vector.shape_cast %select_n3A_310 : vector<16xi32> to vector<16x1xi32>
              %gather3A_312 = vector.shape_cast %reshape3A_311 : vector<16x1xi32> to vector<16xi32>
              %gather3A_313 = tpu.dynamic_gather %select_n3A_299[%gather3A_312] in [0] : vector<16xf32>, vector<16xi32> -> vector<16xf32>
              %lt3A_314 = arith.constant 0 : i32
              %lt3A_315 = vector.broadcast %lt3A_314 : i32 to vector<16xi32>
              %lt3A_316 = arith.cmpi slt, %xor3A_303, %lt3A_315 : vector<16xi32>
              %add3A_317 = arith.constant 16 : i32
              %add3A_318 = vector.broadcast %add3A_317 : i32 to vector<16xi32>
              %add3A_319 = arith.addi %xor3A_303, %add3A_318 : vector<16xi32>
              %select_n3A_320 = arith.select %lt3A_316, %add3A_319, %xor3A_303 : vector<16xi1>, vector<16xi32>
              %reshape3A_321 = vector.shape_cast %select_n3A_320 : vector<16xi32> to vector<16x1xi32>
              %gather3A_322 = vector.shape_cast %reshape3A_321 : vector<16x1xi32> to vector<16xi32>
              %gather3A_323 = tpu.dynamic_gather %select_n3A_300[%gather3A_322] in [0] : vector<16xi32>, vector<16xi32> -> vector<16xi32>
              %gt3A_324 = arith.cmpf ogt, %gather3A_313, %select_n3A_299 : vector<16xf32>
              %eq3A_325 = arith.cmpf oeq, %gather3A_313, %select_n3A_299 : vector<16xf32>
              %lt3A_326 = arith.cmpi slt, %gather3A_323, %select_n3A_300 : vector<16xi32>
              %and3A_327 = arith.andi %eq3A_325, %lt3A_326 : vector<16xi1>
              %or3A_328 = arith.ori %gt3A_324, %and3A_327 : vector<16xi1>
              %select_n3A_329 = arith.select %or3A_328, %gather3A_313, %select_n3A_299 : vector<16xi1>, vector<16xf32>
              %select_n3A_330 = arith.select %or3A_328, %gather3A_323, %select_n3A_300 : vector<16xi1>, vector<16xi32>
              %add3A_331 = vector.broadcast %scan3A_211 : i32 to vector<16xi32>
              %add3A_332 = arith.addi %broadcast_in_dim3A_5, %add3A_331 : vector<16xi32>
              tpu.vector_store_idx %arg8[%add3A_93, %add3A_332], %select_n3A_329 masked %eq3A_3 : memref<4x64xf32, #tpu.memory_space<vmem>>[vector<16xi32>, vector<16xi32>], vector<16xf32>, vector<16xi1>
              tpu.vector_store_idx %arg9[%add3A_93, %add3A_332], %select_n3A_330 masked %eq3A_3 : memref<4x64xi32, #tpu.memory_space<vmem>>[vector<16xi32>, vector<16xi32>], vector<16xi32>, vector<16xi1>
              %add3A_333 = arith.addi %select_n3A_330, %add3A_91 : vector<16xi32>
              tpu.vector_store_idx %arg5[%add3A_333], %broadcast_in_dim3A_7 masked %eq3A_3 : memref<65792xf32, #tpu.memory_space<vmem>>[vector<16xi32>], vector<16xf32>, vector<16xi1>
              %scan3A_334 = arith.constant 0 : i32
              scf.yield %scan3A_334 : i32
            }
            %scan3A_210 = arith.constant 64 : i32
          }
        }
      }
      %scan3A_110 = arith.constant 0 : i32
      scf.yield %scan3A_110 : i32
    }
    %scan3A_33 = arith.constant 4 : i32
    %mul3A_34 = arith.constant 4 : i32
    %mul3A_35 = arith.muli %add3A, %mul3A_34 : i32
    %mul3A_36 = arith.constant 4 : i32
    %mul3A_37 = arith.muli %add3A, %mul3A_36 : i32
    %dma_start3A = arith.constant 0 : i32
    %dma_start3A_38 = arith.constant 0 : i32
    %dma_start3A_39 = tpu.memref_slice %arg3[%mul3A_35, %dma_start3A_38] : memref<128x64xi32, #tpu.memory_space<hbm>> -> memref<4x64xi32, #tpu.memory_space<hbm>>
    %dma_start3A_40 = tpu.memref_slice %arg11[%dma_start3A] : memref<2x!tpu.dma_semaphore, #tpu.memory_space<semaphore_mem>> -> memref<1x!tpu.dma_semaphore, #tpu.memory_space<semaphore_mem>>
    %dma_start3A_41 = tpu.memref_squeeze %dma_start3A_40 : memref<1x!tpu.dma_semaphore, #tpu.memory_space<semaphore_mem>> -> memref<!tpu.dma_semaphore, #tpu.memory_space<semaphore_mem>>
    %dma_start3A_42 = arith.constant 0 : i32
    %dma_start3A_43 = tpu.memref_slice %arg3[%mul3A_35, %dma_start3A_42] : memref<128x64xi32, #tpu.memory_space<hbm>> -> memref<4x64xi32, #tpu.memory_space<hbm>>
    tpu.enqueue_dma source(%arg9 : memref<4x64xi32, #tpu.memory_space<vmem>>) target(%dma_start3A_43 : memref<4x64xi32, #tpu.memory_space<hbm>>) target_semaphore(%dma_start3A_41 : memref<!tpu.dma_semaphore, #tpu.memory_space<semaphore_mem>>)
    %dma_start3A_44 = arith.constant 1 : i32
    %dma_start3A_45 = arith.constant 0 : i32
    %dma_start3A_46 = tpu.memref_slice %arg4[%mul3A_37, %dma_start3A_45] : memref<128x64xf32, #tpu.memory_space<hbm>> -> memref<4x64xf32, #tpu.memory_space<hbm>>
    %dma_start3A_47 = tpu.memref_slice %arg11[%dma_start3A_44] : memref<2x!tpu.dma_semaphore, #tpu.memory_space<semaphore_mem>> -> memref<1x!tpu.dma_semaphore, #tpu.memory_space<semaphore_mem>>
    %dma_start3A_48 = tpu.memref_squeeze %dma_start3A_47 : memref<1x!tpu.dma_semaphore, #tpu.memory_space<semaphore_mem>> -> memref<!tpu.dma_semaphore, #tpu.memory_space<semaphore_mem>>
    %dma_start3A_49 = arith.constant 0 : i32
    %dma_start3A_50 = tpu.memref_slice %arg4[%mul3A_37, %dma_start3A_49] : memref<128x64xf32, #tpu.memory_space<hbm>> -> memref<4x64xf32, #tpu.memory_space<hbm>>
    tpu.enqueue_dma source(%arg8 : memref<4x64xf32, #tpu.memory_space<vmem>>) target(%dma_start3A_50 : memref<4x64xf32, #tpu.memory_space<hbm>>) target_semaphore(%dma_start3A_48 : memref<!tpu.dma_semaphore, #tpu.memory_space<semaphore_mem>>)
    %dma_wait3A = arith.constant 0 : i32
    %dma_wait3A_51 = arith.constant 0 : i32
    %dma_wait3A_52 = tpu.memref_slice %arg3[%mul3A_35, %dma_wait3A_51] : memref<128x64xi32, #tpu.memory_space<hbm>> -> memref<4x64xi32, #tpu.memory_space<hbm>>
    %dma_wait3A_53 = tpu.memref_slice %arg11[%dma_wait3A] : memref<2x!tpu.dma_semaphore, #tpu.memory_space<semaphore_mem>> -> memref<1x!tpu.dma_semaphore, #tpu.memory_space<semaphore_mem>>
    %dma_wait3A_54 = tpu.memref_squeeze %dma_wait3A_53 : memref<1x!tpu.dma_semaphore, #tpu.memory_space<semaphore_mem>> -> memref<!tpu.dma_semaphore, #tpu.memory_space<semaphore_mem>>
    %dma_wait3A_55 = arith.constant 0 : i32
    %dma_wait3A_56 = tpu.memref_slice %arg3[%mul3A_35, %dma_wait3A_55] : memref<128x64xi32, #tpu.memory_space<hbm>> -> memref<4x64xi32, #tpu.memory_space<hbm>>
    tpu.wait_dma2 semaphore(%dma_wait3A_54 : memref<!tpu.dma_semaphore, #tpu.memory_space<semaphore_mem>>) src(%arg9 : memref<4x64xi32, #tpu.memory_space<vmem>>) dst(%dma_wait3A_56 : memref<4x64xi32, #tpu.memory_space<hbm>>)
    %dma_wait3A_57 = arith.constant 1 : i32
    %dma_wait3A_58 = arith.constant 0 : i32
    %dma_wait3A_59 = tpu.memref_slice %arg4[%mul3A_37, %dma_wait3A_58] : memref<128x64xf32, #tpu.memory_space<hbm>> -> memref<4x64xf32, #tpu.memory_space<hbm>>
    %dma_wait3A_60 = tpu.memref_slice %arg11[%dma_wait3A_57] : memref<2x!tpu.dma_semaphore, #tpu.memory_space<semaphore_mem>> -> memref<1x!tpu.dma_semaphore, #tpu.memory_space<semaphore_mem>>
    %dma_wait3A_61 = tpu.memref_squeeze %dma_wait3A_60 : memref<1x!tpu.dma_semaphore, #tpu.memory_space<semaphore_mem>> -> memref<!tpu.dma_semaphore, #tpu.memory_space<semaphore_mem>>
    %dma_wait3A_62 = arith.constant 0 : i32
    %dma_wait3A_63 = tpu.memref_slice %arg4[%mul3A_37, %dma_wait3A_62] : memref<128x64xf32, #tpu.memory_space<hbm>> -> memref<4x64xf32, #tpu.memory_space<hbm>>
    tpu.wait_dma2 semaphore(%dma_wait3A_61 : memref<!tpu.dma_semaphore, #tpu.memory_space<semaphore_mem>>) src(%arg8 : memref<4x64xf32, #tpu.memory_space<vmem>>) dst(%dma_wait3A_63 : memref<4x64xf32, #tpu.memory_space<hbm>>)
    return
  }
}

</mosaic_0001>

<sc_bundles>
// kernel: kernel.3.cloned.1.call-start
scs
__scs_entry_jumppad:
0x0: {  	(pc) =	sbr.rel $0x88, $3  }
0x1: {  	(tag) =	ssettag $0x0;
	lr =	simm.s32 $0x1  }
0x2: {  	[smem:$0x3FA0] =	sst lr;
	_ =	strace $0xD0000000  }
0x3: {  	_ = 	snop  }
0x4: {  	_ = 	snop  }
0x5: {  	_ = 	snop  }
0x6: {  	_ = 	snop  }
0x7: {  	_ = 	snop  }
__scs_overlays_trampoline_lowered:
0x8: {  	[smem:$0x3FAF] =	sst s0  }
0x9: {  	[smem:$0x3FB0] =	sst s1  }
0xa: {  	[smem:$0x3FB1] =	sst s2  }
0xb: {  	[smem:$0x3FB2] =	sst s3  }
0xc: {  	[smem:$0x3FB3] =	sst s4  }
0xd: {  	[smem:$0x3FB4] =	sst s5  }
0xe: {  	[smem:$0x3FB5] =	sst s6  }
0xf: {  	[smem:$0x3FB6] =	sst s7  }
0x10: {  	[smem:$0x3FB7] =	sst s8  }
0x11: {  	[smem:$0x3FB8] =	sst s9;
	s0 =	simm.s32 @!p0 $0x0  }
0x12: {  	s1 =	sld [smem:$0x3F9E];
	s0 =	simm.s32 @p0 $0x1  }
0x13: {  	[smem:$0x3FB9] =	sst s0;
	s0 =	simm.s32 @!p1 $0x0  }
0x14: {  	s2 =	sld [smem:$0x3F9D];
	s0 =	simm.s32 @p1 $0x1  }
0x15: {  	[smem:$0x3FBA] =	sst s0;
	s0 =	simm.s32 @!p2 $0x0  }
0x16: {  	s3 =	sld [smem:$0x3FDB];
	s0 =	simm.s32 @p2 $0x1  }
0x17: {  	s4 =	simm.s32 $0x1BF5;
	[smem:$0x3FBC] =	sst s0  }
0x18: {  	s0 =	sld [smem:$0x3F9F];
	_ =	swait.ge [sflag:s4], $0x0  }
0x19: {  	s7 =	sld [smem:$0x3FA0]  }
0x1a: {  	s8 =	sadd.s32 $0xFFFFE003, lr  }
0x1b: {  	s9 =	sadd.s32 $0xFFFFFEF7, lr;
	s5 =	simm.s32 $0xFFFFFFFF;
	p2 =	slt.u32 s8, $0xFFFFF086  }
0x1c: {  	p1 =	slt.u32 s9, $0xF7A;
	s5 =	simm.s32 @!p2 $0x0  }
0x1d: {  	s5 =	simm.s32 @p1 $0x1;
	p0 =	seq.s32 s7, s2  }
0x1e: {  	s7 =	smul.u32 @!p0 $0xF7A, s2;
	p2 =	seq.s32 @!p0 s5, $0x0  }
0x1f: {  	s9 =	smul.u32 $0xF7A, s1;
	s8 =	simm.s32 @!p0 $0x1BF5;
	p2 =	por !p2, p0  }
0x20: {  	[sflag:s8] =	ssyncset.s32 @!p0 $0xFFFFF086;
	s6 =	sadd.s32 @!p0 s3, s7;
	s7 =	simm.s32 @!p0 $0x108  }
0x21: {  	s3 =	sadd.s32 s3, s9;
	s6 =	sadd.s32 @!p0 $0x88, s6;
	s7 =	simm.s32 @p2 $0x1082  }
0x22: {  	[simem:s7], [sflag:s8] =	dma.local @!p0 [hbm:s6], $0xF7A  }
0x23: {  	s9 =	sor.u32 $0xD0000000, s2;
	s6 =	simm.s32 $0x108;
	_ =	swait.ge @!p0 [sflag:s8], $0x0  }
0x24: {  	s3 =	sadd.s32 $0x88, s3;
	s6 =	simm.s32 @!p1 $0x1082;
	[sflag:s4] =	ssyncset.s32 $0xFFFFF086  }
0x25: {  	[simem:s6], [sflag:s4] =	dma.local [hbm:s3], $0xF7A  }
0x26: {  	[smem:$0x3FA0] =	sst s1;
	(tag) =	ssettag s2;
	_ =	strace s9  }
0x27: {  	s1 =	sld [smem:$0x3FB0]  }
0x28: {  	s2 =	sld [smem:$0x3FB1]  }
0x29: {  	s4 =	sld [smem:$0x3FB3]  }
0x2a: {  	p0 =	seq.s32 s5, $0x0;
	s5 =	sld [smem:$0x3FB4]  }
0x2b: {  	s6 =	sld [smem:$0x3FB5]  }
0x2c: {  	s7 =	sld [smem:$0x3FB6]  }
0x2d: {  	s3 =	simm.s32 $0x108;
	s8 =	sld [smem:$0x3FB7]  }
0x2e: {  	s3 =	simm.s32 @!p0 $0x1082;
	s9 =	sld [smem:$0x3FB8]  }
0x2f: {  	lr =	sadd.s32 s0, s3;
	s0 =	sld [smem:$0x3FAF]  }
0x30: {  	s3 =	sld [smem:$0x3FB2]  }
0x31: {  	[smem:$0x3FBB] =	sst s10  }
0x32: {  	s10 =	sld [smem:$0x3FB9];
	_ =	sdelay $0x3  }
0x33: {  	p0 =	seq.s32 s10, $0x1;
	s10 =	sld [smem:$0x3FBB];
	_ =	sdelay $0x3  }
0x34: {  	[smem:$0x3FBB] =	sst s10  }
0x35: {  	s10 =	sld [smem:$0x3FBA];
	_ =	sdelay $0x3  }
0x36: {  	p1 =	seq.s32 s10, $0x1;
	s10 =	sld [smem:$0x3FBB];
	_ =	sdelay $0x3  }
0x37: {  	[smem:$0x3FBB] =	sst s10  }
0x38: {  	s10 =	sld [smem:$0x3FBC]  }
0x39: {  	_ = 	snop;
	(pc) =	sbr.ind lr, $3  }
0x3a: {  	_ = 	snop  }
0x3b: {  	_ = 	snop  }
0x3c: {  	p2 =	seq.s32 s10, $0x1;
	s10 =	sld [smem:$0x3FBB]  }
0x3d: {  	_ =	shalt  }
0x3e: {  	_ =	shalt  }
0x3f: {  	_ =	shalt  }
0x40: {  	_ =	shalt  }
0x41: {  	_ =	shalt  }
0x42: {  	_ =	shalt  }
0x43: {  	_ =	shalt  }
0x44: {  	_ =	shalt  }
0x45: {  	_ =	shalt  }
0x46: {  	_ =	shalt  }
0x47: {  	_ =	shalt  }
0x48: {  	_ =	shalt  }
0x49: {  	_ =	shalt  }
0x4a: {  	_ =	shalt  }
0x4b: {  	_ =	shalt  }
0x4c: {  	_ =	shalt  }
0x4d: {  	_ =	shalt  }
0x4e: {  	_ =	shalt  }
0x4f: {  	_ =	shalt  }
0x50: {  	_ =	shalt  }
0x51: {  	_ =	shalt  }
0x52: {  	_ =	shalt  }
0x53: {  	_ =	shalt  }
0x54: {  	_ =	shalt  }
0x55: {  	_ =	shalt  }
0x56: {  	_ =	shalt  }
0x57: {  	_ =	shalt  }
0x58: {  	_ =	shalt  }
0x59: {  	_ =	shalt  }
0x5a: {  	_ =	shalt  }
0x5b: {  	_ =	shalt  }
0x5c: {  	_ =	shalt  }
0x5d: {  	_ =	shalt  }
0x5e: {  	_ =	shalt  }
0x5f: {  	_ =	shalt  }
0x60: {  	_ =	shalt  }
0x61: {  	_ =	shalt  }
0x62: {  	_ =	shalt  }
0x63: {  	_ =	shalt  }
0x64: {  	_ =	shalt  }
0x65: {  	_ =	shalt  }
0x66: {  	_ =	shalt  }
0x67: {  	_ =	shalt  }
0x68: {  	_ =	shalt  }
0x69: {  	_ =	shalt  }
0x6a: {  	_ =	shalt  }
0x6b: {  	_ =	shalt  }
0x6c: {  	_ =	shalt  }
0x6d: {  	_ =	shalt  }
0x6e: {  	_ =	shalt  }
0x6f: {  	_ =	shalt  }
0x70: {  	_ =	shalt  }
0x71: {  	_ =	shalt  }
0x72: {  	_ =	shalt  }
0x73: {  	_ =	shalt  }
0x74: {  	_ =	shalt  }
0x75: {  	_ =	shalt  }
0x76: {  	_ =	shalt  }
0x77: {  	_ =	shalt  }
0x78: {  	_ =	shalt  }
0x79: {  	_ =	shalt  }
0x7a: {  	_ =	shalt  }
0x7b: {  	_ =	shalt  }
0x7c: {  	_ =	shalt  }
0x7d: {  	_ =	shalt  }
0x7e: {  	_ =	shalt  }
0x7f: {  	_ =	shalt  }
0x80: {  	_ =	shalt  }
0x81: {  	_ =	shalt  }
0x82: {  	_ =	shalt  }
0x83: {  	_ =	shalt  }
0x84: {  	_ =	shalt  }
0x85: {  	_ =	shalt  }
0x86: {  	_ =	shalt  }
0x87: {  	_ =	shalt  }
.Lfunc_end0:
.L_simem_size_0:
called_computation_lowered:
.L_overlay_start_0:
0x88: {  	s2 =	sld [smem:$0x3FD9]  }
0x89: {  	s3 =	sld [smem:$0x3FFE];
	_ =	sdelay $0x1  }
0x8a: {  	s1 =	srdreg.scid  }
0x8b: {  	s0 =	sand.u32 $0x1, s1  }
0x8c: {  	s17 =	sshll.u32 s0, $0xA;
	s2 =	sadd.s32 s3, s2  }
0x8d: {  	s2 =	sadd.s32 s2, s17  }
0x8e: {  	[smem:$0x3FC7] =	sst s2  }
0x8f: {  	_ = 	snop  }
0x90: {  	s2 =	sld [smem:$0x3FC9];
	(tm) =	ssettm $0x1  }
0x91: {  	s18 =	sld [smem:$0x3FFB];
	_ =	sdelay $0x3  }
0x92: {  	_ =	strace s18  }
0x93: {  	s3 =	sld [smem:$0x3FFC];
	_ =	sdelay $0x3  }
0x94: {  	_ =	strace s3  }
0x95: {  	s3 =	sld [smem:$0x3FFD];
	_ =	sdelay $0x3  }
0x96: {  	_ =	strace s3  }
0x97: {  	_ =	strace $0x8FFFFFFF  }
0x98: {  	s19 =	sld [smem:$0x3FDB];
	_ =	sdelay $0x1  }
0x99: {  	s4 =	simm.s32 $_scs_section_size  }
0x9a: {  	s5 =	simm.s32 $_size__tile_overlayer_lowered;
	s6 =	simm.s32 $_tile_overlayer_lowered  }
0x9b: {  	s22 =	simm.s32 $0x1BFF;
	s21 =	sshll.u32 s6, $0x1;
	s3 =	sadd.s32 s4, s19  }
0x9c: {  	s7 =	simm.s32 $0x0;
	s20 =	sshll.u32 s5, $0x1;
	s5 =	sadd.s32 s21, s3  }
0x9d: {  	[timem:s7], [sflag:s22] =	dma.local [hbm:s5], s20  }
0x9e: {  	_ =	swait.ge [sflag:s22], s20  }
0x9f: {  	s4 =	ssub.s32 $0x0, s20;
	[sflag:s22] =	ssyncset.done $0x0  }
0xa0: {  	[sflag:s22] =	ssyncadd.s32 s4;
	_ =	sdelay $0x1  }
0xa1: {  	s23 =	simm.s32 $0x1B8B  }
0xa2: {  	_ =	swait.ge [sflag:s23], $0x1  }
0xa3: {  	[sflag:s23] =	ssyncset.done $0x0  }
0xa4: {  	s25 =	simm.s32 $0x1B8E;
	s24 =	sld [smem:$0x3FFE];
	[sflag:s23] =	ssyncadd.s32 $0xFFFFFFFF  }
0xa5: {  	s26 =	simm.s32 $execute0_lowered;
	[smem:$0x3FD2] =	sst s25  }
0xa6: {  	s5 =	sshll.u32 s26, $0x1;
	_ =	strace $0x80000046;
	[dreg:$0x1] =	wrdreg $0xFFFFFFFF  }
0xa7: {  	s28 =	simm.s32 $_size_execute0_lowered;
	s3 =	sadd.s32 s3, s5;
	[dreg:$0x0] =	wrdreg $0x0  }
0xa8: {  	s5 =	sshll.u32 s28, $0x1;
	[dreg:$0x2] =	wrdreg s3  }
0xa9: {  	[dreg:$0x3] =	wrdreg s5  }
0xaa: {  	[dreg:$0x4] =	wrdreg $0xC0  }
0xab: {  	_ =	task [dreg:s7], $0x5FFFF  }
0xac: {  	[dreg:$0x1] =	wrdreg $0xFFFFFFFF  }
0xad: {  	[dreg:$0x0] =	wrdreg $0x60  }
0xae: {  	[dreg:$0x2] =	wrdreg s2  }
0xaf: {  	[dreg:$0x3] =	wrdreg s24  }
0xb0: {  	[dreg:$0x4] =	wrdreg $0x9  }
0xb1: {  	_ =	task.clear_ibuf [dreg:s7], $0x5FFFF;
	_ =	strace $0x90000046  }
0xb2: {  	s29 =	simm.s32 $0x9;
	_ =	strace $0x80000048  }
0xb3: {  	_ =	swait.ge [sflag:s29], $0x1  }
0xb4: {  	[sflag:s29] =	ssyncadd.s32 $0xFFFFFFFF  }
0xb5: {  	_ =	strace $0x90000048  }
0xb6: {  	_ =	sfence  }
0xb7: {  	s30 =	sld [smem:$0x0];
	_ =	sdelay $0x2  }
0xb8: {  	s31 =	sshll.u32 s1, $0xD;
	s1 =	sshrl.u32 s1, $0x2  }
0xb9: {  	s3 =	sand.u32 $0x4000, s31;
	s1 =	sadd.s32 s1, s30  }
0xba: {  	s0 =	sor.u32 s3, s0;
	s1 =	sshll.u32 s1, $0x11  }
0xbb: {  	s0 =	sor.u32 s1, s0  }
0xbc: {  	s0 =	sadd.s32 $0x8F2B, s0  }
0xbd: {  	[sflag:s0] =	ssyncadd.remote.s32 $0x1  }
0xbe: {  	_ =	sfence.sel $0xFFFF  }
0xbf: {  	[dreg:$0x0] =	wrdreg $0xFFFFFFFF;
	(pc) =	sbr.abs _section_cstart, $3  }
0xc0: {  	[dreg:$0x1] =	wrdreg $0xFFFFFFFF  }
0xc1: {  	_ =	task.clear_ibuf [dreg:s7], $0x2FFFF;
	_ =	strace $0x9FFFFFFF  }
0xc2: {  	(tm) =	ssettm $0x7FFFFFFF  }
0xc3: {  	_ =	shalt  }
tec
execute0_lowered:
.L_overlay_start_1:
0x0: {  	(tag) =	ssettag $0x1  }
0x1: {  	s0 =	rddreg [dreg:$0x0]  }
0x2: {  	v1 =	vimm.s32 $0xBA98FEDC;
	s4 =	rddreg [dreg:$0x1];
	v2 =	vimm.s32 $0x76543210  }
0x3: {  	s1 =	simm.s32 $0x0;
	s3 =	srdreg.scid;
	v3 =	vimm.s32 $0xFEDCBA98;
	s2 =	stileid.u32;
	v6 =	vimm.s32 $0xDCFE98BA;
	v4 =	vunpack.c.l.s4.s8 v1  }
0x4: {  	v0 =	vimm.f32 $-Inf;
	v7 =	vimm.s32 $0x54761032;
	s11 =	simm.s32 $0x8080;
	s12 =	simm.s32 $0x10100;
	s13 =	simm.s32 $0x19180;
	v5 =	vunpack.c.l.s4.s8 v2  }
0x5: {  	s14 =	simm.s32 $0x19380;
	s15 =	simm.s32 $0x3;
	s16 =	simm.s32 $0x4;
	v2 =	vunpack.c.l.s4.s8 v3;
	v3 =	vunpack.c.0.s8.s32 v4;
	v4 =	vimm.s32 $0x32107654  }
0x6: {  	v8 =	vimm.s32 $0xEFCDAB89;
	v9 =	vimm.s32 $0x67452301;
	s17 =	simm.s32 $0x18180;
	s18 =	simm.s32 $0x0;
	[smem:$0x7FF] =	sst s1;
	v4 =	vunpack.c.l.s4.s8 v4  }
0x7: {  	s5 =	sand.u32 $0x1, s3;
	s3 =	rddreg [dreg:$0x2];
	s7 =	sshll.u32 s2, $0xA;
	v6 =	vunpack.c.l.s4.s8 v6;
	v7 =	vunpack.c.l.s4.s8 v7;
	v8 =	vunpack.c.l.s4.s8 v8  }
0x8: {  	s10 =	sshll.u32 s2, $0x12;
	v9 =	vunpack.c.l.s4.s8 v9;
	s30 =	sshll.u32 s2, $0x3;
	s6 =	sshll.u32 s5, $0x9;
	v10 =	vunpack.c.0.s8.s32 v2;
	v4 =	vunpack.c.0.s8.s32 v4  }
0x9: {  	_ =	strace $0x80000047;
	s8 =	ssub.s32 $0x2, s5;
	s5 =	sshll.u32 s5, $0x2;
	v6 =	vunpack.c.0.s8.s32 v6;
	v7 =	vunpack.c.0.s8.s32 v7;
	v5 =	vunpack.c.0.s8.s32 v5  }
.Ltmp0:
0xa: {  	s7 =	sor.u32 s6, s7;
	s9 =	sshrl.u32 s8, $0x1;
	v11 =	vcombine.low v4, v3;
	v4 =	vunpack.c.0.s8.s32 v8;
	v8 =	vunpack.c.0.s8.s32 v9;
	(pc) =	sbr.rel .LBB2_1-.Ltmp0, $4  }
0xb: {  	v1 =	vlaneseq.u32;
	s29 =	sor.u32 s6, s10;
	s10 =	simm.s32 $0x400;
	s7 =	sshrl.u32 s7, $0x3;
	v7 =	vcombine.low v7, v6;
	v6 =	vand.u32 $0xF, v10  }
0xc: {  	v2 =	vor.u32 $0x8000, v1;
	s8 =	ssub.s32 s8, s9;
	s31 =	sshrl.u32 s29, $0x3;
	s9 =	simm.s32 $0x80;
	v5 =	vcombine.low v6, v5;
	v8 =	vcombine.low v8, v4  }
0xd: {  	s7 =	sadd.s32 s7, s4;
	s4 =	sor.u32 s5, s30;
	s5 =	sadd.s32 s0, s31;
	v7 =	vand.u32 $0xF, v7;
	v3 =	vimm.s32 $0x0;
	v9 =	vimm.s32 $0x1  }
0xe: {  	s8 =	smax.u32 s8, $0x1;
	s6 =	sadd.s32 $0x800, s7;
	s7 =	sadd.s32 $0x1000, s7;
	v4 =	vimm.s32 $0xF;
	v6 =	vand.u32 $0xF, v11;
	v8 =	vand.u32 $0xF, v8  }
.LBB2_13:
0xf: {  	[hbm4b:s6+s1] =	stream.linear.scatter [tilespmem:s14], [sflag:$0x3], $0x200, $0x38;
	[tilespmem:$0x19580] =	vst v63  }
0x10: {  	s18 =	sadd.s32 $0x1, s18  }
0x11: {  	[hbm4b:s7+s1] =	stream.linear.scatter [tilespmem:s13], [sflag:$0x4], $0x200, $0x38;
	[tilespmem:$0x19580] =	vst v63  }
0x12: {  	p0 =	sne.s32 s18, s8;
	_ =	swait.ge [sflag:s15], $0x200  }
.Ltmp1:
0x13: {  	[sflag:s15] =	ssyncset.done $0x0;
	(pc) =	sbr.rel @!p0 .LBB2_14-.Ltmp1, $4  }
0x14: {  	[sflag:s15] =	ssyncadd.s32 $0xFFFFFE00  }
0x15: {  	_ =	swait.ge [sflag:s16], $0x200  }
0x16: {  	[sflag:s16] =	ssyncset.done $0x0  }
0x17: {  	[sflag:s16] =	ssyncadd.s32 $0xFFFFFE00  }
.LBB2_1:
.Ltmp2:
0x18: {  	(pc) =	sbr.rel .LBB2_2-.Ltmp2, $4  }
0x19: {  	_ = 	snop  }
0x1a: {  	[tilespmem:$0x8000] =	vst v0  }
0x1b: {  	[tilespmem:$0x10080] =	vst v0;
	s19 =	simm.s32 $0x0  }
0x1c: {  	[tilespmem:s1], [sflag:$0x1] =	stream.strided.gather [hbm4b:s5+s9], $0x8000, s10, s9, $0x38;
	[tilespmem:$0x19580] =	vst v63  }
.LBB2_12:
0x1d: {  	p0 =	sne.s32 s19, $0x4  }
.Ltmp3:
0x1e: {  	_ = 	snop;
	(pc) =	sbr.rel @!p0 .LBB2_13-.Ltmp3, $1  }
0x1f: {  	_ =	sdelay $0x3  }
.LBB2_2:
0x20: {  	s21 =	smov.u32 s19;
	s20 =	sand.u32 $0x1, s19  }
0x21: {  	s19 =	sadd.s32 $0x1, s19;
	s23 =	simm.s32 $0x2;
	p1 =	sne.s32 s21, $0x3  }
0x22: {  	p0 =	seq.s32 s20, $0x1;
	s20 =	sand.u32 @p1 $0x1, s19;
	s22 =	sadd.s32 @p1 s4, s19  }
0x23: {  	s23 =	simm.s32 @!p0 $0x1;
	p2 =	seq.s32 @p1 s20, $0x1;
	s20 =	sshll.u32 @p1 s22, $0x4  }
0x24: {  	_ =	swait.ge [sflag:s23], $0x8000;
	s22 =	sshll.u32 @p1 s22, $0xC;
	p3 =	por p2, !p1  }
0x25: {  	[sflag:s23] =	ssyncset.done $0x0;
	s22 =	sand.u32 @p1 $0xF8000, s22;
	s24 =	sand.u32 @!p3 $0x60, s20  }
0x26: {  	[sflag:s23] =	ssyncadd.s32 $0xFFFF8000;
	s25 =	simm.s32 @!p3 $0x400;
	s24 =	sadd.s32 @!p3 s0, s24  }
0x27: {  	s26 =	simm.s32 @!p3 $0x0;
	s23 =	sadd.s32 @!p3 s22, s24;
	s24 =	simm.s32 @!p3 $0x80  }
0x28: {  	[tilespmem:s26], [sflag:$0x1] =	stream.strided.gather @!p3 [hbm4b:s23+s24], $0x8000, s25, s24, $0x38;
	[tilespmem:$0x19580] =	vst v63  }
0x29: {  	s23 =	sand.u32 @!p3 $0x1, s21  }
0x2a: {  	p3 =	seq.s32 @!p3 s23, $0x1  }
0x2b: {  	p2 =	por @p1 p2, !p3  }
0x2c: {  	p1 =	por !p1, !p2  }
.Ltmp4:
0x2d: {  	_ = 	snop;
	(pc) =	sbr.rel @p1 .LBB2_3-.Ltmp4, $1  }
0x2e: {  	_ =	sdelay $0x3  }
0x2f: {  	s20 =	sand.u32 $0x70, s20  }
0x30: {  	s20 =	sadd.s32 s0, s20  }
0x31: {  	s20 =	sadd.s32 s22, s20  }
0x32: {  	[tilespmem:s11], [sflag:$0x2] =	stream.strided.gather [hbm4b:s20+s9], $0x8000, s10, s9, $0x38;
	[tilespmem:$0x19580] =	vst v63  }
.LBB2_3:
0x33: {  	s20 =	simm.s32 $0x10120  }
0x34: {  	[tilespmem:s20+$0xFFFFFFE0] =	vst v2  }
0x35: {  	s22 =	simm.s32 $0x8080;
	[tilespmem:s20+$0x10] =	vst v2  }
0x36: {  	s23 =	simm.s32 $0x0;
	s22 =	simm.s32 @!p0 $0x0;
	[tilespmem:s20+$0x0] =	vst v2  }
.LBB2_4:
0x37: {  	s23 =	sadd.s32 $0x4, s23  }
0x38: {  	[tilespmem:s20+$0xFFFFFFF0] =	vst v2;
	s20 =	sadd.s32 $0x40, s20;
	p0 =	slt.u32 s23, $0xC  }
.Ltmp5:
0x39: {  	[tilespmem:s20+$0xFFFFFFE0] =	vst v2;
	(pc) =	sbr.rel @p0 .LBB2_4-.Ltmp5, $3  }
0x3a: {  	_ =	sdelay $0x1  }
0x3b: {  	[tilespmem:s20+$0x10] =	vst v2  }
0x3c: {  	[tilespmem:s20+$0x0] =	vst v2  }
0x3d: {  	[tilespmem:s20+$0xFFFFFFF0] =	vst v2;
	s20 =	sadd.s32 $0x40, s22  }
0x3e: {  	v11 =	vld [tilespmem:s20+$0xFFFFFFC0]  }
0x3f: {  	v12 =	vld [tilespmem:s20+$0xFFFFFFD0]  }
0x40: {  	v13 =	vld [tilespmem:s20+$0xFFFFFFE0]  }
0x41: {  	v14 =	vld [tilespmem:s20+$0xFFFFFFF0]  }
0x42: {  	v15 =	vld [tilespmem:s20+$0x0]  }
0x43: {  	vm3 =	vge.f32 v11, $2.700000050e+00;
	v11 =	vld [tilespmem:s20+$0x10]  }
0x44: {  	v60 =	vld [tilespmem:s20+$0x20];
	vm7 =	vge.f32 v12, $2.700000050e+00;
	v16 =	vsel vm3, $0x1, v3  }
0x45: {  	v61 =	vld [tilespmem:s20+$0x30];
	vm6 =	vge.f32 v13, $2.700000050e+00;
	v17 =	vsel vm7, $0x1, v3;
	(xrf0) =	vadd.scan.msk.s32 $0xffff, v16  }
0x46: {  	vm4 =	vge.f32 v14, $2.700000050e+00;
	v62 =	vsel vm6, $0x1, v3;
	(xrf0) =	vadd.scan.msk.s32 $0xffff, v17  }
0x47: {  	vm0 =	vge.f32 v15, $2.700000050e+00;
	v14 =	vsel vm4, $0x1, v3;
	(xrf0) =	vadd.scan.msk.s32 $0xffff, v62  }
0x48: {  	v15 =	vsel vm0, $0x1, v3;
	vm1 =	vge.f32 v11, $2.700000050e+00;
	(xrf0) =	vadd.scan.msk.s32 $0xffff, v14  }
0x49: {  	v10 =	vimm.s32 $0xFFFFFFFF;
	s23 =	simm.s32 $0x0;
	vm2 =	vge.f32 v60, $2.700000050e+00;
	v63 =	vsel vm1, $0x1, v3;
	(xrf0) =	vadd.scan.msk.s32 $0xffff, v15  }
0x4a: {  	s24 =	simm.s32 $0x0;
	s26 =	simm.s32 $0x10;
	s25 =	smov.u32 s20;
	vm5 =	vge.f32 v61, $2.700000050e+00;
	vm3 =	vmmov vm3;
	v11 =	vsel vm2, $0x1, v3;
	(xrf0) =	vadd.scan.msk.s32 $0xffff, v63  }
.LBB2_6:
0x4b: {  	s24 =	sadd.s32 $0x8, s24;
	v12 =	vor.u32 s23, v1;
	v13 =	vor.u32 s26, v1;
	s26 =	sadd.s32 $0x20, s23;
	v14 =	vsel vm5, $0x1, v3;
	v15, _, _ =	vpop (xrf0);
	(xrf0) =	vadd.scan.msk.s32 $0xffff, v11  }
0x4c: {  	s28 =	sadd.s32 $0x40, s23;
	p0 =	slt.u32 s24, $0x7F8;
	v11 =	vadd.s32 v10, v15;
	v15 =	vperm.xlane v15, v4;
	v16 =	vor.u32 s26, v1;
	s26 =	sadd.s32 $0x30, s23;
	v17, _, _ =	vpop (xrf0);
	(xrf0) =	vadd.scan.msk.s32 $0xffff, v14  }
0x4d: {  	v19 =	vor.u32 s28, v1;
	v14 =	vperm.xlane v17, v4;
	v18 =	vor.u32 s26, v1;
	s26 =	sadd.s32 $0x50, s23;
	v20, _, _ =	vpop (xrf0)  }
0x4e: {  	v10 =	vadd.s32 v10, v15;
	v15 =	vperm.xlane v20, v4;
	v21 =	vor.u32 s26, v1;
	v22, _, _ =	vpop (xrf0)  }
0x4f: {  	s25 =	sadd.s32 $0x80, s25;
	v17 =	vadd.s32 v10, v17;
	v10 =	vadd.s32 v10, v14;
	v14 =	vperm.xlane v22, v4;
	v23, _, _ =	vpop (xrf0)  }
0x50: {  	v24 =	vld [tilespmem:s25+$0xFFFFFFC0];
	v20 =	vadd.s32 v10, v20;
	v10 =	vadd.s32 v10, v15;
	v15 =	vperm.xlane v23, v4;
	v25, _, _ =	vpop (xrf0)  }
0x51: {  	v26 =	vld [tilespmem:s25+$0xFFFFFFD0];
	v22 =	vadd.s32 v10, v22;
	v10 =	vadd.s32 v10, v14;
	v14 =	vperm.xlane v25, v4;
	v27, _, _ =	vpop (xrf0)  }
0x52: {  	v28 =	vld [tilespmem:s25+$0xFFFFFFE0];
	v23 =	vadd.s32 v10, v23;
	v10 =	vadd.s32 v10, v15;
	v15 =	vperm.xlane v27, v4;
	v29, _, _ =	vpop (xrf0)  }
0x53: {  	s26 =	sadd.s32 $0x60, s23;
	v30 =	vld [tilespmem:s25+$0xFFFFFFF0];
	v25 =	vadd.s32 v10, v25;
	v10 =	vadd.s32 v10, v14;
	v14 =	vperm.xlane v29, v4  }
0x54: {  	v31 =	vld [tilespmem:s25+$0x0];
	[tilespmem:v17+s12+$0x0] =	vst.idx.msk vm7, v13;
	v13 =	vor.u32 s26, v1;
	v17 =	vadd.s32 v10, v27;
	v10 =	vadd.s32 v10, v15  }
0x55: {  	s26 =	sadd.s32 $0x70, s23;
	vm8 =	vge.f32 v24, $2.700000050e+00;
	v15 =	vld [tilespmem:s25+$0x10];
	[tilespmem:v20+s12+$0x0] =	vst.idx.msk vm6, v16;
	v16 =	vadd.s32 v10, v29;
	v10 =	vadd.s32 v10, v14  }
0x56: {  	v14 =	vsel vm8, $0x1, v3;
	vm7 =	vge.f32 v26, $2.700000050e+00;
	v20 =	vld [tilespmem:s25+$0x20];
	[tilespmem:v22+s12+$0x0] =	vst.idx.msk vm4, v18;
	v18 =	vor.u32 s26, v1  }
0x57: {  	v22 =	vsel vm7, $0x1, v3;
	vm6 =	vge.f32 v28, $2.700000050e+00;
	v24 =	vld [tilespmem:s25+$0x30];
	(xrf0) =	vadd.scan.msk.s32 $0xffff, v14;
	[tilespmem:v23+s12+$0x0] =	vst.idx.msk vm0, v19  }
.Ltmp6:
0x58: {  	v14 =	vsel vm6, $0x1, v3;
	vm4 =	vge.f32 v30, $2.700000050e+00;
	(xrf0) =	vadd.scan.msk.s32 $0xffff, v22;
	[tilespmem:v25+s12+$0x0] =	vst.idx.msk vm1, v21;
	(pc) =	sbr.rel @p0 .LBB2_6-.Ltmp6, $4  }
0x59: {  	v19 =	vsel vm4, $0x1, v3;
	vm0 =	vge.f32 v31, $2.700000050e+00;
	(xrf0) =	vadd.scan.msk.s32 $0xffff, v14;
	[tilespmem:v17+s12+$0x0] =	vst.idx.msk vm2, v13  }
0x5a: {  	v13 =	vsel vm0, $0x1, v3;
	vm1 =	vge.f32 v15, $2.700000050e+00;
	(xrf0) =	vadd.scan.msk.s32 $0xffff, v19;
	[tilespmem:v16+s12+$0x0] =	vst.idx.msk vm5, v18  }
0x5b: {  	s23 =	sadd.s32 $0x80, s23;
	v14 =	vsel vm1, $0x1, v3;
	vm2 =	vge.f32 v20, $2.700000050e+00;
	(xrf0) =	vadd.scan.msk.s32 $0xffff, v13;
	[tilespmem:v11+s12+$0x0] =	vst.idx.msk vm3, v12  }
0x5c: {  	s26 =	sadd.s32 $0x10, s23;
	vm3 =	vmmov vm8;
	v11 =	vsel vm2, $0x1, v3;
	vm5 =	vge.f32 v24, $2.700000050e+00;
	(xrf0) =	vadd.scan.msk.s32 $0xffff, v14  }
0x5d: {  	v12 =	vsel vm5, $0x1, v3;
	v13, _, _ =	vpop (xrf0);
	(xrf0) =	vadd.scan.msk.s32 $0xffff, v11  }
0x5e: {  	v11 =	vperm.xlane v13, v4;
	v14, _, _ =	vpop (xrf0);
	(xrf0) =	vadd.scan.msk.s32 $0xffff, v12  }
0x5f: {  	v52 =	vperm.xlane v14, v4;
	v15, _, _ =	vpop (xrf0)  }
0x60: {  	v11 =	vadd.s32 v10, v11;
	v16 =	vperm.xlane v15, v4;
	v17, _, _ =	vpop (xrf0)  }
0x61: {  	v12 =	vadd.s32 v11, v52;
	v18 =	vperm.xlane v17, v4;
	v19, _, _ =	vpop (xrf0)  }
0x62: {  	v16 =	vadd.s32 v12, v16;
	v20 =	vperm.xlane v19, v4;
	v21, _, _ =	vpop (xrf0)  }
0x63: {  	v18 =	vadd.s32 v16, v18;
	v22 =	vperm.xlane v21, v4;
	v23, _, _ =	vpop (xrf0)  }
0x64: {  	v20 =	vadd.s32 v18, v20;
	v24 =	vperm.xlane v23, v4;
	v25, _, _ =	vpop (xrf0)  }
0x65: {  	v22 =	vadd.s32 v20, v22;
	v26 =	vperm.xlane v25, v4  }
0x66: {  	v24 =	vadd.s32 v22, v24  }
0x67: {  	v26 =	vadd.s32 v24, v26  }
0x68: {  	(v2sf) =	vpush v26, $0x0;
	_ =	sdelay $0x9  }
0x69: {  	v11 =	vadd.s32 v11, v14  }
0x6a: {  	v12 =	vadd.s32 v12, v15  }
0x6b: {  	v53 =	vadd.s32 v16, v17  }
0x6c: {  	v54 =	vadd.s32 v18, v19  }
0x6d: {  	v55 =	vor.u32 s26, v1;
	s24 =	sadd.s32 $0x20, s23;
	v56 =	vadd.s32 v20, v21  }
0x6e: {  	s26 =	sadd.s32 $0x30, s23;
	v57 =	vor.u32 s24, v1;
	[tilespmem:v11+s12+$0x0] =	vst.idx.msk vm7, v55;
	v11 =	vadd.s32 v22, v23;
	s24 =	spop (v2sf)  }
0x6f: {  	s25 =	sadd.s32 $0x40, s23;
	v58 =	vor.u32 s26, v1;
	[tilespmem:v12+s12+$0x0] =	vst.idx.msk vm6, v57;
	v59 =	vadd.s32 v24, v25;
	s31 =	sadd.s32 $0xFFFFFFC1, s24  }
0x70: {  	s28 =	sadd.s32 $0x50, s23;
	v60 =	vor.u32 s25, v1;
	v10 =	vadd.s32 v10, v13;
	[tilespmem:v53+s12+$0x0] =	vst.idx.msk vm4, v58;
	p0 =	sgt.u32 s31, $0xC0  }
.Ltmp7:
0x71: {  	s29 =	sadd.s32 $0x60, s23;
	v61 =	vor.u32 s28, v1;
	[tilespmem:v54+s12+$0x0] =	vst.idx.msk vm0, v60;
	(pc) =	sbr.rel @p0 .LBB2_19-.Ltmp7, $4  }
0x72: {  	s30 =	sadd.s32 $0x70, s23;
	v62 =	vor.u32 s29, v1;
	[tilespmem:v56+s12+$0x0] =	vst.idx.msk vm1, v61  }
0x73: {  	v63 =	vor.u32 s30, v1;
	[tilespmem:v11+s12+$0x0] =	vst.idx.msk vm2, v62  }
0x74: {  	v11 =	vor.u32 s23, v1;
	[tilespmem:v59+s12+$0x0] =	vst.idx.msk vm5, v63  }
0x75: {  	[tilespmem:v10+s12+$0x0] =	vst.idx.msk vm3, v11;
	v11 =	vmov s22;
	v10 =	vmov s21;
	s22 =	simm.s32 $0xFFFFFFF8;
	s21 =	simm.s32 $0x181C0  }
0x76: {  	v12 =	vld [tilespmem:$0x10100]  }
0x77: {  	v13 =	vld [tilespmem:$0x10110]  }
0x78: {  	v14 =	vld [tilespmem:$0x10120];
	p0 =	sgt.u32 s24, $0x7F  }
.Ltmp8:
0x79: {  	v17 =	vld [tilespmem:$0x10150];
	(pc) =	sbr.rel @p0 .LBB2_16-.Ltmp8, $4  }
0x7a: {  	v15 =	vld [tilespmem:$0x10130]  }
0x7b: {  	v16 =	vld [tilespmem:$0x10140]  }
0x7c: {  	v18 =	vld [tilespmem:$0x10160]  }
0x7d: {  	v19 =	vld [tilespmem:$0x10170];
	v28 =	vadd.s32 v11, v12;
	v29 =	vadd.s32 v11, v13;
	v30 =	vadd.s32 v11, v14  }
0x7e: {  	_ =	sdelay $0x1  }
0x7f: {  	v22 =	vadd.s32 v11, v17  }
0x80: {  	v21 =	vadd.s32 v11, v15  }
0x81: {  	s20 =	simm.s32 $0x0;
	v23 =	vadd.s32 v11, v19  }
0x82: {  	v20 =	vld.idx.msk [tilespmem:v29+s20+$0x0], $0xffff;
	v26 =	vadd.s32 v11, v16  }
0x83: {  	v25 =	vld.idx.msk [tilespmem:v28+s20+$0x0], $0xffff;
	v24 =	vadd.s32 v11, v18  }
0x84: {  	v22 =	vld.idx.msk [tilespmem:v22+s20+$0x0], $0xffff  }
0x85: {  	v21 =	vld.idx.msk [tilespmem:v21+s20+$0x0], $0xffff  }
0x86: {  	v11 =	vld.idx.msk [tilespmem:v23+s20+$0x0], $0xffff  }
0x87: {  	v26 =	vld.idx.msk [tilespmem:v26+s20+$0x0], $0xffff  }
0x88: {  	v24 =	vld.idx.msk [tilespmem:v24+s20+$0x0], $0xffff  }
0x89: {  	vm2 =	vlt.s32 v17, v13;
	v23 =	vld.idx.msk [tilespmem:v30+s20+$0x0], $0xffff  }
0x8a: {  	vm3 =	vlt.s32 v16, v12;
	vm1 =	vlt.s32 v18, v14;
	vm0 =	vlt.s32 v19, v15  }
0x8b: {  	vm6 =	veq.f32 v22, v20;
	vm7 =	vgt.f32 v22, v20;
	vm5 =	veq.f32 v11, v21  }
0x8c: {  	vm6 =	vmand vm2, vm6;
	vm4 =	vgt.f32 v11, v21;
	vm5 =	vmand vm0, vm5  }
0x8d: {  	vm9 =	vgt.f32 v26, v25;
	vm4 =	vmor vm4, vm5;
	vm5 =	vmor vm7, vm6  }
0x8e: {  	vm6 =	veq.f32 v24, v23;
	vm7 =	veq.f32 v26, v25;
	v27 =	vsel vm4, v19, v15  }
0x8f: {  	v28 =	vsel vm5, v22, v20;
	v29 =	vsel vm5, v17, v13;
	vm5 =	vmand vm1, vm6  }
0x90: {  	vm6 =	vgt.f32 v24, v23;
	v30 =	vsel vm4, v11, v21;
	vm7 =	vmand vm3, vm7  }
0x91: {  	vm4 =	vlt.s32 v27, v29;
	vm8 =	vgt.f32 v30, v28;
	vm5 =	vmor vm6, vm5  }
0x92: {  	vm6 =	veq.f32 v30, v28;
	vm7 =	vmor vm9, vm7;
	v31 =	vsel vm5, v18, v14  }
0x93: {  	v32 =	vsel vm7, v26, v25;
	v33 =	vsel vm7, v16, v12;
	v34 =	vsel vm5, v24, v23  }
0x94: {  	vm4 =	vmand vm6, vm4;
	vm5 =	veq.f32 v34, v32;
	vm6 =	vlt.s32 v31, v33  }
0x95: {  	vm4 =	vmor vm8, vm4;
	vm7 =	vgt.f32 v34, v32;
	vm5 =	vmand vm5, vm6  }
0x96: {  	v27 =	vsel vm4, v27, v29;
	vm5 =	vmor vm7, vm5  }
0x97: {  	v28 =	vsel vm4, v30, v28;
	v29 =	vsel vm5, v34, v32;
	v31 =	vsel vm5, v31, v33  }
0x98: {  	vm4 =	veq.f32 v28, v29;
	vm5 =	vlt.s32 v27, v31  }
0x99: {  	vm6 =	vgt.f32 v28, v29;
	vm4 =	vmand vm4, vm5  }
0x9a: {  	vm4 =	vmor vm6, vm4  }
0x9b: {  	v28 =	vsel vm4, v28, v29;
	v27 =	vsel vm4, v27, v31  }
0x9c: {  	v29 =	vperm.xlane v28, v5;
	v30 =	vperm.xlane v27, v5;
	_ =	sdelay $0x1  }
0x9d: {  	vm4 =	veq.f32 v29, v28;
	vm5 =	vlt.s32 v30, v27  }
0x9e: {  	vm6 =	vgt.f32 v29, v28;
	vm4 =	vmand vm4, vm5  }
0x9f: {  	vm4 =	vmor vm6, vm4  }
0xa0: {  	v28 =	vsel vm4, v29, v28;
	v27 =	vsel vm4, v30, v27  }
0xa1: {  	v29 =	vperm.xlane v28, v6;
	v30 =	vperm.xlane v27, v6;
	_ =	sdelay $0x1  }
0xa2: {  	vm4 =	veq.f32 v29, v28;
	vm5 =	vlt.s32 v30, v27  }
0xa3: {  	vm6 =	vgt.f32 v29, v28;
	vm4 =	vmand vm4, vm5  }
0xa4: {  	vm4 =	vmor vm6, vm4  }
0xa5: {  	v28 =	vsel vm4, v29, v28;
	v27 =	vsel vm4, v30, v27  }
0xa6: {  	v29 =	vperm.xlane v28, v7;
	v30 =	vperm.xlane v27, v7;
	_ =	sdelay $0x1  }
0xa7: {  	vm4 =	veq.f32 v29, v28;
	vm5 =	vlt.s32 v30, v27  }
0xa8: {  	vm6 =	vgt.f32 v29, v28;
	vm4 =	vmand vm4, vm5  }
0xa9: {  	vm4 =	vmor vm6, vm4  }
0xaa: {  	v29 =	vsel vm4, v29, v28;
	v27 =	vsel vm4, v30, v27;
	v28 =	vmov s20  }
0xab: {  	v30 =	vperm.xlane v29, v8;
	v31 =	vperm.xlane v27, v8;
	v28 =	vand.u32 $0x7F, v28  }
0xac: {  	v28 =	vbroadcast v28, $0x0  }
0xad: {  	v10 =	vshll.u32 v10, $0x7;
	vm4 =	veq.f32 v30, v29;
	vm5 =	vlt.s32 v31, v27  }
0xae: {  	vm6 =	vgt.f32 v30, v29;
	vm4 =	vmand vm4, vm5;
	v28 =	vor.u32 v10, v28  }
0xaf: {  	vm4 =	vmor vm6, vm4  }
0xb0: {  	v29 =	vsel vm4, v30, v29;
	v27 =	vsel vm4, v31, v27  }
0xb1: {  	s20 =	simm.s32 $0x1;
	vm4 =	veq.s32 v13, v27;
	vm5 =	veq.s32 v15, v27;
	vm6 =	veq.s32 v19, v27  }
.LBB2_10:
0xb2: {  	p0 =	seq.s32 s20, $0x3F;
	vm7 =	veq.s32 v14, v27;
	vm8 =	veq.s32 v17, v27;
	s21 =	smov.u32 s20;
	s20 =	sadd.s32 $0x1, s20  }
0xb3: {  	v21 =	vsel vm5, $0xFF800000, v21;
	v11 =	vsel vm6, $0xFF800000, v11;
	[tilespmem:v28+s13+$0x0] =	vst.idx.msk $0x1, v29;
	v22 =	vsel vm8, $0xFF800000, v22  }
0xb4: {  	vm5 =	vgt.f32 v11, v21;
	vm6 =	veq.f32 v11, v21;
	vm8 =	veq.s32 v12, v27  }
0xb5: {  	v20 =	vsel vm4, $0xFF800000, v20;
	vm4 =	veq.s32 v16, v27;
	v25 =	vsel vm8, $0xFF800000, v25;
	[tilespmem:v28+s14+$0x0] =	vst.idx.msk $0x1, v27  }
0xb6: {  	v23 =	vsel vm7, $0xFF800000, v23;
	vm8 =	veq.f32 v22, v20;
	vm6 =	vmand vm0, vm6  }
0xb7: {  	v26 =	vsel vm4, $0xFF800000, v26;
	vm4 =	veq.s32 v18, v27;
	vm7 =	vmand vm2, vm8  }
0xb8: {  	v24 =	vsel vm4, $0xFF800000, v24;
	vm8 =	vgt.f32 v22, v20;
	vm5 =	vmor vm5, vm6  }
0xb9: {  	vm6 =	veq.f32 v24, v23;
	vm4 =	vmor vm8, vm7;
	v27 =	vsel vm5, v19, v15  }
0xba: {  	v28 =	vsel vm4, v22, v20;
	v29 =	vsel vm4, v17, v13;
	vm4 =	vmand vm1, vm6  }
0xbb: {  	v30 =	vsel vm5, v11, v21;
	vm6 =	vgt.f32 v24, v23;
	vm5 =	vlt.s32 v27, v29  }
0xbc: {  	vm7 =	veq.f32 v26, v25;
	vm8 =	vgt.f32 v30, v28;
	vm9 =	veq.f32 v30, v28  }
0xbd: {  	vm10 =	vgt.f32 v26, v25;
	vm7 =	vmand vm3, vm7;
	vm4 =	vmor vm6, vm4  }
0xbe: {  	vm6 =	vmor vm10, vm7;
	v31 =	vsel vm4, v18, v14;
	vm5 =	vmand vm9, vm5  }
0xbf: {  	v32 =	vsel vm6, v26, v25;
	v33 =	vsel vm6, v16, v12;
	v34 =	vsel vm4, v24, v23  }
0xc0: {  	vm4 =	veq.f32 v34, v32;
	vm6 =	vlt.s32 v31, v33;
	vm5 =	vmor vm8, vm5  }
0xc1: {  	vm7 =	vgt.f32 v34, v32;
	vm4 =	vmand vm4, vm6;
	v27 =	vsel vm5, v27, v29  }
0xc2: {  	vm4 =	vmor vm7, vm4  }
0xc3: {  	v28 =	vsel vm5, v30, v28;
	v29 =	vsel vm4, v34, v32;
	v31 =	vsel vm4, v31, v33  }
0xc4: {  	vm4 =	veq.f32 v28, v29;
	vm5 =	vlt.s32 v27, v31  }
0xc5: {  	vm6 =	vgt.f32 v28, v29;
	vm4 =	vmand vm4, vm5  }
0xc6: {  	vm4 =	vmor vm6, vm4  }
0xc7: {  	v28 =	vsel vm4, v28, v29;
	v27 =	vsel vm4, v27, v31  }
0xc8: {  	v29 =	vperm.xlane v28, v5;
	v30 =	vperm.xlane v27, v5;
	_ =	sdelay $0x1  }
0xc9: {  	vm4 =	vgt.f32 v29, v28;
	vm5 =	veq.f32 v29, v28;
	vm6 =	vlt.s32 v30, v27  }
0xca: {  	vm5 =	vmand vm5, vm6  }
0xcb: {  	vm4 =	vmor vm4, vm5  }
0xcc: {  	v28 =	vsel vm4, v29, v28;
	v27 =	vsel vm4, v30, v27  }
0xcd: {  	v29 =	vperm.xlane v28, v6;
	v30 =	vperm.xlane v27, v6;
	_ =	sdelay $0x1  }
0xce: {  	vm4 =	vgt.f32 v29, v28;
	vm5 =	veq.f32 v29, v28;
	vm6 =	vlt.s32 v30, v27  }
0xcf: {  	vm5 =	vmand vm5, vm6  }
0xd0: {  	vm4 =	vmor vm4, vm5  }
0xd1: {  	v28 =	vsel vm4, v29, v28;
	v27 =	vsel vm4, v30, v27  }
0xd2: {  	v29 =	vperm.xlane v28, v7;
	v30 =	vperm.xlane v27, v7;
	_ =	sdelay $0x1  }
0xd3: {  	vm4 =	vgt.f32 v29, v28;
	vm5 =	veq.f32 v29, v28;
	vm6 =	vlt.s32 v30, v27  }
0xd4: {  	vm5 =	vmand vm5, vm6  }
0xd5: {  	v31 =	vmov s21;
	vm4 =	vmor vm4, vm5  }
0xd6: {  	v29 =	vsel vm4, v29, v28;
	v27 =	vsel vm4, v30, v27;
	v28 =	vand.u32 $0x7F, v31  }
0xd7: {  	v30 =	vperm.xlane v29, v8;
	v31 =	vperm.xlane v27, v8  }
0xd8: {  	v28 =	vbroadcast v28, $0x0  }
.Ltmp9:
0xd9: {  	vm4 =	vgt.f32 v30, v29;
	vm5 =	veq.f32 v30, v29;
	vm6 =	vlt.s32 v31, v27;
	(pc) =	sbr.rel @!p0 .LBB2_10-.Ltmp9, $4  }
0xda: {  	v28 =	vor.u32 v10, v28;
	vm5 =	vmand vm5, vm6  }
0xdb: {  	vm4 =	vmor vm4, vm5  }
0xdc: {  	v29 =	vsel vm4, v30, v29;
	v27 =	vsel vm4, v31, v27  }
0xdd: {  	vm4 =	veq.s32 v13, v27;
	vm5 =	veq.s32 v15, v27;
	vm6 =	veq.s32 v19, v27  }
0xde: {  	_ = 	snop  }
.Ltmp10:
0xdf: {  	_ = 	snop;
	(pc) =	sbr.rel .LBB2_12-.Ltmp10, $3  }
0xe0: {  	_ =	sdelay $0x1  }
0xe1: {  	[tilespmem:v28+s13+$0x0] =	vst.idx.msk $0x1, v29  }
0xe2: {  	[tilespmem:v28+s14+$0x0] =	vst.idx.msk $0x1, v27  }
.LBB2_19:
0xe3: {  	[tilespmem:s21+$0xFFFFFFC0] =	vst v3  }
0xe4: {  	[tilespmem:s21+$0x30] =	vst v3  }
0xe5: {  	[tilespmem:s21+$0x20] =	vst v3  }
0xe6: {  	[tilespmem:s21+$0x10] =	vst v3  }
0xe7: {  	[tilespmem:s21+$0x0] =	vst v3  }
0xe8: {  	[tilespmem:s21+$0xFFFFFFF0] =	vst v3  }
0xe9: {  	s22 =	sadd.s32 $0x8, s22;
	[tilespmem:s21+$0xFFFFFFE0] =	vst v3  }
.LBB2_20:
0xea: {  	s22 =	sadd.s32 $0x8, s22;
	[tilespmem:s21+$0xFFFFFFD0] =	vst v3;
	s21 =	sadd.s32 $0x80, s21  }
0xeb: {  	[tilespmem:s21+$0xFFFFFFC0] =	vst v3;
	p0 =	slt.u32 s22, $0xF8  }
0xec: {  	[tilespmem:s21+$0x30] =	vst v3  }
.Ltmp11:
0xed: {  	[tilespmem:s21+$0x20] =	vst v3;
	(pc) =	sbr.rel @p0 .LBB2_20-.Ltmp11, $4  }
0xee: {  	[tilespmem:s21+$0x10] =	vst v3  }
0xef: {  	[tilespmem:s21+$0x0] =	vst v3  }
0xf0: {  	[tilespmem:s21+$0xFFFFFFF0] =	vst v3  }
0xf1: {  	[tilespmem:s21+$0xFFFFFFE0] =	vst v3  }
0xf2: {  	[tilespmem:s21+$0xFFFFFFD0] =	vst v3  }
0xf3: {  	v18 =	vld [tilespmem:s20+$0x30]  }
0xf4: {  	v19 =	vld [tilespmem:s20+$0xFFFFFFD0]  }
0xf5: {  	v13 =	vld [tilespmem:s20+$0xFFFFFFE0]  }
0xf6: {  	v12 =	vld [tilespmem:s20+$0xFFFFFFF0];
	_ =	sdelay $0x1  }
0xf7: {  	v16 =	vld [tilespmem:s20+$0x20]  }
0xf8: {  	v14 =	vld [tilespmem:s20+$0x0];
	v17 =	vshra.s32 v18, $0x1F  }
0xf9: {  	v15 =	vld [tilespmem:s20+$0x10];
	v20 =	vshra.s32 v19, $0x1F;
	vm0 =	veq.f32 v19, $0.0e+00;
	v22 =	vshra.s32 v13, $0x1F  }
0xfa: {  	v23 =	vshra.s32 v12, $0x1F;
	v21 =	vor.u32 $0x80000000, v17;
	v17 =	vld [tilespmem:s20+$0xFFFFFFC0];
	v20 =	vor.u32 $0x80000000, v20  }
0xfb: {  	vm1 =	veq.f32 v18, $0.0e+00;
	v21 =	vxor.u32 v18, v21;
	v19 =	vxor.u32 v19, v20  }
0xfc: {  	v20 =	vshra.s32 v16, $0x1F;
	v18 =	vshrl.u32 v21, $0x14;
	v21 =	vor.u32 $0x80000000, v22  }
0xfd: {  	v22 =	vshra.s32 v14, $0x1F;
	v27 =	vor.u32 $0x80000000, v20;
	v24 =	vsel vm1, $0x800, v18  }
0xfe: {  	v18 =	vor.u32 $0x80000000, v23;
	v22 =	vor.u32 $0x80000000, v22;
	v23 =	vshra.s32 v15, $0x1F  }
0xff: {  	v26 =	vxor.u32 v13, v21;
	v23 =	vor.u32 $0x80000000, v23;
	v25 =	vshra.s32 v17, $0x1F  }
0x100: {  	v21 =	vxor.u32 v12, v18;
	v20 =	vxor.u32 v14, v22;
	v25 =	vor.u32 $0x80000000, v25  }
0x101: {  	v18 =	vshrl.u32 v19, $0x14;
	v19 =	vshrl.u32 v26, $0x14;
	v25 =	vxor.u32 v17, v25  }
0x102: {  	s22 =	simm.s32 $0x0;
	s21 =	simm.s32 $0xFF100000;
	s23 =	sadd.s32 $0x80, s20;
	v22 =	vxor.u32 v15, v23;
	v23 =	vxor.u32 v16, v27;
	[tilespmem:v24+s17+$0x0] =	vst.idx.add.s32.msk $0xffff, v9;
	v24 =	vshrl.u32 v25, $0x14  }
.LBB2_22:
0x103: {  	v25 =	vld [tilespmem:s23+$0x30];
	s22 =	sadd.s32 $0x8, s22;
	v21 =	vshrl.u32 v21, $0x14;
	v20 =	vshrl.u32 v20, $0x14;
	v22 =	vshrl.u32 v22, $0x14  }
0x104: {  	vm1 =	veq.f32 v17, $0.0e+00;
	vm2 =	veq.f32 v13, $0.0e+00;
	v17 =	vshrl.u32 v23, $0x14;
	v26 =	vld [tilespmem:s23+$0xFFFFFFD0];
	p0 =	slt.u32 s22, $0x7F8  }
0x105: {  	vm3 =	veq.f32 v12, $0.0e+00;
	vm4 =	veq.f32 v14, $0.0e+00;
	vm5 =	veq.f32 v15, $0.0e+00;
	v13 =	vld [tilespmem:s23+$0xFFFFFFE0]  }
0x106: {  	v18 =	vsel vm0, $0x800, v18;
	vm0 =	veq.f32 v16, $0.0e+00;
	v23 =	vsel vm1, $0x800, v24;
	v12 =	vld [tilespmem:s23+$0xFFFFFFF0]  }
0x107: {  	v19 =	vsel vm2, $0x800, v19;
	v21 =	vsel vm3, $0x800, v21;
	v20 =	vsel vm4, $0x800, v20;
	v14 =	vld [tilespmem:s23+$0x0]  }
0x108: {  	v22 =	vsel vm5, $0x800, v22;
	v27 =	vsel vm0, $0x800, v17;
	v15 =	vld [tilespmem:s23+$0x10];
	v24 =	vshra.s32 v25, $0x1F  }
0x109: {  	v28 =	vshra.s32 v26, $0x1F;
	vm0 =	veq.f32 v26, $0.0e+00;
	v16 =	vld [tilespmem:s23+$0x20];
	v24 =	vor.u32 $0x80000000, v24  }
0x10a: {  	v17 =	vld [tilespmem:s23+$0xFFFFFFC0];
	v28 =	vor.u32 $0x80000000, v28;
	v29 =	vshra.s32 v13, $0x1F;
	v24 =	vxor.u32 v25, v24  }
0x10b: {  	vm1 =	veq.f32 v25, $0.0e+00;
	v30 =	vshra.s32 v12, $0x1F;
	v24 =	vshrl.u32 v24, $0x14;
	[tilespmem:v23+s17+$0x0] =	vst.idx.add.s32.msk $0xffff, v9  }
0x10c: {  	v23 =	vor.u32 $0x80000000, v29;
	v25 =	vshra.s32 v14, $0x1F;
	v24 =	vsel vm1, $0x800, v24;
	[tilespmem:v18+s17+$0x0] =	vst.idx.add.s32.msk $0xffff, v9  }
0x10d: {  	v18 =	vor.u32 $0x80000000, v30;
	v25 =	vor.u32 $0x80000000, v25;
	v29 =	vshra.s32 v15, $0x1F;
	[tilespmem:v19+s17+$0x0] =	vst.idx.add.s32.msk $0xffff, v9  }
.Ltmp12:
0x10e: {  	v19 =	vxor.u32 v26, v28;
	v26 =	vor.u32 $0x80000000, v29;
	v28 =	vshra.s32 v16, $0x1F;
	[tilespmem:v21+s17+$0x0] =	vst.idx.add.s32.msk $0xffff, v9;
	(pc) =	sbr.rel @p0 .LBB2_22-.Ltmp12, $4  }
0x10f: {  	v23 =	vxor.u32 v13, v23;
	v21 =	vshra.s32 v17, $0x1F;
	v28 =	vor.u32 $0x80000000, v28;
	[tilespmem:v20+s17+$0x0] =	vst.idx.add.s32.msk $0xffff, v9  }
0x110: {  	v20 =	vxor.u32 v14, v25;
	v29 =	vor.u32 $0x80000000, v21;
	v21 =	vxor.u32 v12, v18;
	[tilespmem:v22+s17+$0x0] =	vst.idx.add.s32.msk $0xffff, v9  }
0x111: {  	s24 =	simm.s32 $0x0;
	v18 =	vshrl.u32 v19, $0x14;
	v22 =	vxor.u32 v15, v26;
	v25 =	vxor.u32 v17, v29;
	[tilespmem:v24+s17+$0x0] =	vst.idx.add.s32.msk $0xffff, v9  }
0x112: {  	s23 =	sadd.s32 $0x80, s23;
	v19 =	vshrl.u32 v23, $0x14;
	v23 =	vxor.u32 v16, v28;
	v24 =	vshrl.u32 v25, $0x14;
	[tilespmem:v27+s17+$0x0] =	vst.idx.add.s32.msk $0xffff, v9  }
0x113: {  	vm1 =	veq.f32 v17, $0.0e+00;
	v54 =	vsel vm0, $0x800, v18  }
0x114: {  	vm11 =	veq.f32 v13, $0.0e+00;
	v17 =	vsel vm1, $0x800, v24  }
0x115: {  	v55 =	vshrl.u32 v21, $0x14;
	vm12 =	veq.f32 v12, $0.0e+00;
	v56 =	vsel vm11, $0x800, v19  }
0x116: {  	v57 =	vshrl.u32 v20, $0x14;
	vm13 =	veq.f32 v14, $0.0e+00;
	v58 =	vsel vm12, $0x800, v55  }
0x117: {  	v59 =	vshrl.u32 v22, $0x14;
	vm14 =	veq.f32 v15, $0.0e+00;
	v60 =	vsel vm13, $0x800, v57  }
0x118: {  	v61 =	vshrl.u32 v23, $0x14;
	vm15 =	veq.f32 v16, $0.0e+00;
	v62 =	vsel vm14, $0x800, v59;
	[tilespmem:v54+s17+$0x0] =	vst.idx.add.s32.msk $0xffff, v9  }
0x119: {  	v63 =	vsel vm15, $0x800, v61;
	[tilespmem:v17+s17+$0x0] =	vst.idx.add.s32.msk $0xffff, v9  }
0x11a: {  	[tilespmem:v56+s17+$0x0] =	vst.idx.add.s32.msk $0xffff, v9  }
0x11b: {  	[tilespmem:v58+s17+$0x0] =	vst.idx.add.s32.msk $0xffff, v9  }
0x11c: {  	[tilespmem:v60+s17+$0x0] =	vst.idx.add.s32.msk $0xffff, v9  }
0x11d: {  	[tilespmem:v62+s17+$0x0] =	vst.idx.add.s32.msk $0xffff, v9  }
0x11e: {  	s22 =	simm.s32 $0x0;
	[tilespmem:v63+s17+$0x0] =	vst.idx.add.s32.msk $0xffff, v9  }
.LBB2_24:
0x11f: {  	s23 =	sshra.s32 s24, $0x2  }
0x120: {  	v12 =	vld [tilespmem:s23+$0x19170];
	_ =	sdelay $0x4  }
0x121: {  	(xrf0) =	vadd.scan.msk.s32 $0xffff, v12;
	_ =	sdelay $0x5  }
0x122: {  	v12, _, _ =	vpop (xrf0)  }
0x123: {  	(v2sf) =	vpush v12, $0xF;
	_ =	sdelay $0xe  }
0x124: {  	s31 =	spop (v2sf)  }
0x125: {  	p0 =	seq.s32 s24, $0xFFFFC040;
	s22 =	sadd.s32 s22, s31  }
0x126: {  	p1 =	slt.s32 @!p0 s22, $0x40  }
0x127: {  	p0 =	por p0, !p1  }
.Ltmp13:
0x128: {  	_ = 	snop;
	(pc) =	sbr.rel @!p0 .LBB2_24-.Ltmp13, $2  }
0x129: {  	_ =	sdelay $0x2  }
0x12a: {  	s21 =	sadd.s32 $0x1000000, s21;
	s24 =	sadd.s32 $0xFFFFFFC0, s24  }
0x12b: {  	s23 =	sshra.s32 s24, $0x2  }
0x12c: {  	v12 =	vld [tilespmem:s23+$0x19180];
	_ =	sdelay $0x1  }
0x12d: {  	v13 =	vmul.u32 $0xFFFFFFFF, v1;
	s23 =	simm.s32 $0x10120  }
0x12e: {  	[tilespmem:s23+$0xFFFFFFE0] =	vst v2  }
0x12f: {  	v13 =	vadd.s32 $0xF, v13;
	[tilespmem:s23+$0x10] =	vst v2  }
0x130: {  	s24 =	simm.s32 $0x0;
	[tilespmem:s23+$0x0] =	vst v2;
	v13 =	vperm.xlane v12, v13  }
.LBB2_26:
0x131: {  	s24 =	sadd.s32 $0x4, s24  }
0x132: {  	[tilespmem:s23+$0xFFFFFFF0] =	vst v2;
	s23 =	sadd.s32 $0x40, s23;
	p0 =	slt.u32 s24, $0xC  }
.Ltmp14:
0x133: {  	[tilespmem:s23+$0xFFFFFFE0] =	vst v2;
	(pc) =	sbr.rel @p0 .LBB2_26-.Ltmp14, $3  }
0x134: {  	_ =	sdelay $0x1  }
0x135: {  	[tilespmem:s23+$0x10] =	vst v2  }
0x136: {  	[tilespmem:s23+$0x0] =	vst v2  }
0x137: {  	(xrf0) =	vadd.scan.msk.s32 $0xffff, v12;
	_ =	sdelay $0x5  }
0x138: {  	v12, _, _ =	vpop (xrf0)  }
0x139: {  	(v2sf) =	vpush v12, $0xF;
	_ =	sdelay $0x9  }
0x13a: {  	(xrf0) =	vadd.scan.msk.s32 $0xffff, v13;
	_ =	sdelay $0x4  }
0x13b: {  	s24 =	spop (v2sf)  }
0x13c: {  	[tilespmem:s23+$0xFFFFFFF0] =	vst v2;
	v12, _, _ =	vpop (xrf0);
	s23 =	ssub.s32 s22, s24  }
0x13d: {  	v12 =	vadd.s32 s23, v12  }
0x13e: {  	vm0 =	vlt.s32 v12, $0x40  }
0x13f: {  	v12 =	vsel vm0, $0x1, v3  }
0x140: {  	(xrf0) =	vadd.scan.msk.s32 $0xffff, v12;
	_ =	sdelay $0x5  }
0x141: {  	v12, _, _ =	vpop (xrf0)  }
0x142: {  	(v2sf) =	vpush v12, $0xF;
	_ =	sdelay $0x2  }
0x143: {  	v13 =	vld [tilespmem:s20+$0x30]  }
0x144: {  	v14 =	vld [tilespmem:s20+$0x20]  }
0x145: {  	v15 =	vld [tilespmem:s20+$0x10]  }
0x146: {  	v16 =	vld [tilespmem:s20+$0x0]  }
0x147: {  	v17 =	vld [tilespmem:s20+$0xFFFFFFF0]  }
0x148: {  	v19 =	vld [tilespmem:s20+$0xFFFFFFE0]  }
0x149: {  	v21 =	vld [tilespmem:s20+$0xFFFFFFC0]  }
0x14a: {  	v18 =	vimm.s32 $0x0;
	v20 =	vld [tilespmem:s20+$0xFFFFFFD0]  }
0x14b: {  	v22 =	vshra.s32 v13, $0x1F;
	vm7 =	veq.f32 v13, $0.0e+00;
	vm3 =	veq.f32 v16, $0.0e+00  }
0x14c: {  	vm5 =	veq.f32 v15, $0.0e+00;
	vm6 =	veq.f32 v14, $0.0e+00;
	vm2 =	veq.f32 v17, $0.0e+00  }
0x14d: {  	v23 =	vshra.s32 v15, $0x1F;
	v24 =	vshra.s32 v14, $0x1F;
	vm1 =	veq.f32 v19, $0.0e+00  }
0x14e: {  	v25 =	vshra.s32 v16, $0x1F;
	vm4 =	veq.f32 v21, $0.0e+00;
	v26 =	vshra.s32 v19, $0x1F  }
0x14f: {  	v27 =	vshra.s32 v17, $0x1F;
	v28 =	vshra.s32 v21, $0x1F;
	v29 =	vshra.s32 v20, $0x1F;
	s25 =	spop (v2sf)  }
0x150: {  	v22 =	vor.u32 $0x80000000, v22;
	v25 =	vor.u32 $0x80000000, v25;
	v23 =	vor.u32 $0x80000000, v23;
	s23 =	sshll.u32 s25, $0x14  }
0x151: {  	v24 =	vor.u32 $0x80000000, v24;
	v29 =	vor.u32 $0x80000000, v29;
	v28 =	vor.u32 $0x80000000, v28;
	s21 =	sadd.s32 s21, s23  }
0x152: {  	p0 =	sgt.s32 s22, $0x3F;
	v26 =	vor.u32 $0x80000000, v26;
	v27 =	vor.u32 $0x80000000, v27;
	v21 =	vxor.u32 v21, v28;
	s21 =	ssub.s32 $0x0, s21  }
0x153: {  	v14 =	vxor.u32 v14, v24;
	v13 =	vxor.u32 v13, v22;
	v21 =	vsel vm4, $0x80000000, v21;
	s21 =	simm.s32 @!p0 $0x0  }
0x154: {  	vm0 =	veq.f32 v20, $0.0e+00;
	v20 =	vxor.u32 v20, v29;
	v12 =	vmov s21  }
0x155: {  	v19 =	vxor.u32 v19, v26;
	v20 =	vsel vm0, $0x80000000, v20;
	vm4 =	vge.u32 v21, v12  }
0x156: {  	v19 =	vsel vm1, $0x80000000, v19;
	vm0 =	vge.u32 v20, v12;
	v21 =	vsel vm4, $0x1, v3  }
0x157: {  	v17 =	vxor.u32 v17, v27;
	vm1 =	vge.u32 v19, v12;
	v20 =	vsel vm0, $0x1, v3;
	(xrf0) =	vadd.scan.msk.s32 $0xffff, v21  }
0x158: {  	v16 =	vxor.u32 v16, v25;
	v17 =	vsel vm2, $0x80000000, v17;
	v19 =	vsel vm1, $0x1, v3;
	(xrf0) =	vadd.scan.msk.s32 $0xffff, v20  }
0x159: {  	v15 =	vxor.u32 v15, v23;
	v16 =	vsel vm3, $0x80000000, v16;
	vm2 =	vge.u32 v17, v12;
	(xrf0) =	vadd.scan.msk.s32 $0xffff, v19  }
0x15a: {  	v15 =	vsel vm5, $0x80000000, v15;
	vm3 =	vge.u32 v16, v12;
	v17 =	vsel vm2, $0x1, v3  }
0x15b: {  	v14 =	vsel vm6, $0x80000000, v14;
	vm5 =	vge.u32 v15, v12;
	v16 =	vsel vm3, $0x1, v3;
	(xrf0) =	vadd.scan.msk.s32 $0xffff, v17  }
0x15c: {  	s26 =	simm.s32 $0x10;
	v13 =	vsel vm7, $0x80000000, v13;
	vm6 =	vge.u32 v14, v12;
	v19 =	vsel vm5, $0x1, v3;
	(xrf0) =	vadd.scan.msk.s32 $0xffff, v16  }
0x15d: {  	s28 =	simm.s32 $0x20;
	s21 =	simm.s32 $0x0;
	vm7 =	vge.u32 v13, v12;
	v13 =	vor.u32 s26, v1;
	v22 =	vsel vm6, $0x1, v3;
	v15, _, _ =	vpop (xrf0);
	(xrf0) =	vadd.scan.msk.s32 $0xffff, v19  }
0x15e: {  	s29 =	simm.s32 $0x30;
	v14 =	vor.u32 s28, v1;
	v23 =	vsel vm7, $0x1, v3;
	v17 =	vor.u32 s21, v1;
	v26, _, _ =	vpop (xrf0);
	(xrf0) =	vadd.scan.msk.s32 $0xffff, v22  }
0x15f: {  	s30 =	simm.s32 $0x40;
	v16 =	vadd.s32 v15, v18;
	v24 =	vperm.xlane v15, v4;
	v15 =	vor.u32 s29, v1;
	v21, _, _ =	vpop (xrf0);
	(xrf0) =	vadd.scan.msk.s32 $0xffff, v23  }
0x160: {  	s31 =	simm.s32 $0x50;
	v20 =	vadd.s32 $0xFFFFFFFF, v16;
	v27 =	vperm.xlane v26, v4;
	v16 =	vor.u32 s30, v1  }
0x161: {  	v24 =	vadd.s32 v18, v24;
	v25 =	vperm.xlane v21, v4;
	v18 =	vor.u32 s31, v1;
	v22, _, _ =	vpop (xrf0)  }
0x162: {  	s20 =	sadd.s32 $0x80, s20;
	s22 =	simm.s32 $0x0;
	v19 =	vadd.s32 v26, v24;
	v24 =	vadd.s32 v24, v27;
	v26 =	vperm.xlane v22, v4;
	v23, _, _ =	vpop (xrf0)  }
.LBB2_28:
0x163: {  	v27 =	vld [tilespmem:s20+$0x30];
	v21 =	vadd.s32 v21, v24;
	v24 =	vadd.s32 v24, v25;
	v25 =	vperm.xlane v23, v4;
	v28, _, _ =	vpop (xrf0)  }
0x164: {  	v29 =	vld [tilespmem:s20+$0x20];
	v22 =	vadd.s32 v22, v24;
	v24 =	vadd.s32 v24, v26;
	v26 =	vperm.xlane v28, v4;
	v30, _, _ =	vpop (xrf0)  }
0x165: {  	v31 =	vld [tilespmem:s20+$0x10];
	v23 =	vadd.s32 v23, v24;
	v24 =	vadd.s32 v24, v25;
	v25 =	vperm.xlane v30, v4;
	v32, _, _ =	vpop (xrf0)  }
0x166: {  	v33 =	vld [tilespmem:s20+$0x0];
	v28 =	vadd.s32 v28, v24;
	v24 =	vadd.s32 v24, v26;
	v26 =	vperm.xlane v32, v4  }
0x167: {  	s22 =	sadd.s32 $0x8, s22;
	v34 =	vld [tilespmem:s20+$0xFFFFFFF0];
	[tilespmem:v20+s12+$0x0] =	vst.idx.msk vm4, v17;
	v17 =	vadd.s32 $0xFFFFFFFF, v28;
	v20 =	vadd.s32 v30, v24;
	v24 =	vadd.s32 v24, v25  }
0x168: {  	p0 =	slt.u32 s22, $0x7F8;
	v25 =	vld [tilespmem:s20+$0xFFFFFFE0];
	v20 =	vadd.s32 $0xFFFFFFFF, v20;
	v28 =	vadd.s32 v32, v24;
	v24 =	vadd.s32 v24, v26  }
0x169: {  	s23 =	sadd.s32 $0x60, s21;
	v22 =	vadd.s32 $0xFFFFFFFF, v22;
	v23 =	vadd.s32 $0xFFFFFFFF, v23;
	v26 =	vld [tilespmem:s20+$0xFFFFFFD0];
	v28 =	vadd.s32 $0xFFFFFFFF, v28  }
0x16a: {  	v19 =	vadd.s32 $0xFFFFFFFF, v19;
	v21 =	vadd.s32 $0xFFFFFFFF, v21;
	v32 =	vor.u32 s23, v1;
	s23 =	sadd.s32 $0x70, s21;
	v30 =	vld [tilespmem:s20+$0xFFFFFFC0]  }
0x16b: {  	v35 =	vshra.s32 v27, $0x1F;
	vm8 =	veq.f32 v27, $0.0e+00;
	v36 =	vor.u32 s23, v1  }
0x16c: {  	vm9 =	veq.f32 v29, $0.0e+00;
	vm10 =	veq.f32 v31, $0.0e+00;
	vm11 =	veq.f32 v33, $0.0e+00;
	[tilespmem:v17+s12+$0x0] =	vst.idx.msk vm5, v18  }
0x16d: {  	vm5 =	veq.f32 v34, $0.0e+00;
	v17 =	vshra.s32 v31, $0x1F;
	v18 =	vshra.s32 v29, $0x1F;
	[tilespmem:v20+s12+$0x0] =	vst.idx.msk vm6, v32  }
0x16e: {  	vm6 =	veq.f32 v25, $0.0e+00;
	v20 =	vshra.s32 v33, $0x1F;
	vm12 =	veq.f32 v26, $0.0e+00;
	[tilespmem:v28+s12+$0x0] =	vst.idx.msk vm7, v36  }
0x16f: {  	v32 =	vshra.s32 v34, $0x1F;
	v28 =	vshra.s32 v25, $0x1F;
	vm4 =	veq.f32 v30, $0.0e+00;
	[tilespmem:v23+s12+$0x0] =	vst.idx.msk vm3, v16  }
0x170: {  	v35 =	vor.u32 $0x80000000, v35;
	v16 =	vshra.s32 v30, $0x1F;
	v23 =	vshra.s32 v26, $0x1F;
	[tilespmem:v22+s12+$0x0] =	vst.idx.msk vm2, v15  }
0x171: {  	v17 =	vor.u32 $0x80000000, v17;
	v18 =	vor.u32 $0x80000000, v18;
	v15 =	vor.u32 $0x80000000, v20;
	[tilespmem:v21+s12+$0x0] =	vst.idx.msk vm1, v14  }
0x172: {  	v20 =	vor.u32 $0x80000000, v28;
	v14 =	vor.u32 $0x80000000, v23;
	v21 =	vor.u32 $0x80000000, v32;
	[tilespmem:v19+s12+$0x0] =	vst.idx.msk vm0, v13  }
0x173: {  	v13 =	vor.u32 $0x80000000, v16;
	v16 =	vxor.u32 v29, v18;
	v18 =	vxor.u32 v27, v35  }
0x174: {  	v17 =	vxor.u32 v31, v17;
	v15 =	vxor.u32 v33, v15;
	v13 =	vxor.u32 v30, v13  }
0x175: {  	v14 =	vxor.u32 v26, v14;
	v19 =	vxor.u32 v34, v21;
	v13 =	vsel vm4, $0x80000000, v13  }
0x176: {  	vm4 =	vge.u32 v13, v12;
	v13 =	vsel vm12, $0x80000000, v14;
	v14 =	vxor.u32 v25, v20  }
0x177: {  	v20 =	vsel vm4, $0x1, v3;
	vm0 =	vge.u32 v13, v12;
	v13 =	vsel vm6, $0x80000000, v14  }
0x178: {  	v14 =	vsel vm0, $0x1, v3;
	vm1 =	vge.u32 v13, v12;
	v13 =	vsel vm5, $0x80000000, v19;
	(xrf0) =	vadd.scan.msk.s32 $0xffff, v20  }
0x179: {  	v19 =	vsel vm1, $0x1, v3;
	vm2 =	vge.u32 v13, v12;
	v13 =	vsel vm11, $0x80000000, v15;
	(xrf0) =	vadd.scan.msk.s32 $0xffff, v14  }
0x17a: {  	v14 =	vsel vm2, $0x1, v3;
	vm3 =	vge.u32 v13, v12;
	v13 =	vsel vm10, $0x80000000, v17;
	(xrf0) =	vadd.scan.msk.s32 $0xffff, v19  }
0x17b: {  	v15 =	vsel vm3, $0x1, v3;
	vm5 =	vge.u32 v13, v12;
	v13 =	vsel vm9, $0x80000000, v16;
	(xrf0) =	vadd.scan.msk.s32 $0xffff, v14  }
0x17c: {  	s21 =	sadd.s32 $0x80, s21;
	v14 =	vsel vm5, $0x1, v3;
	vm6 =	vge.u32 v13, v12;
	v13 =	vsel vm8, $0x80000000, v18;
	(xrf0) =	vadd.scan.msk.s32 $0xffff, v15  }
0x17d: {  	s23 =	sadd.s32 $0x10, s21;
	s24 =	sadd.s32 $0x20, s21;
	v17 =	vor.u32 s21, v1;
	v15 =	vsel vm6, $0x1, v3;
	vm7 =	vge.u32 v13, v12;
	(xrf0) =	vadd.scan.msk.s32 $0xffff, v14  }
.Ltmp15:
0x17e: {  	v13 =	vor.u32 s23, v1;
	s23 =	sadd.s32 $0x30, s21;
	v14 =	vor.u32 s24, v1;
	v16 =	vsel vm7, $0x1, v3;
	v18, _, _ =	vpop (xrf0);
	(xrf0) =	vadd.scan.msk.s32 $0xffff, v15;
	(pc) =	sbr.rel @p0 .LBB2_28-.Ltmp15, $4  }
0x17f: {  	v15 =	vor.u32 s23, v1;
	s23 =	sadd.s32 $0x40, s21;
	v19 =	vadd.s32 v18, v24;
	v18 =	vperm.xlane v18, v4;
	v23, _, _ =	vpop (xrf0);
	(xrf0) =	vadd.scan.msk.s32 $0xffff, v16  }
0x180: {  	v16 =	vor.u32 s23, v1;
	s23 =	sadd.s32 $0x50, s21;
	v20 =	vadd.s32 $0xFFFFFFFF, v19;
	v26 =	vperm.xlane v23, v4;
	v21, _, _ =	vpop (xrf0)  }
0x181: {  	v24 =	vadd.s32 v24, v18;
	v25 =	vperm.xlane v21, v4;
	v18 =	vor.u32 s23, v1;
	v22, _, _ =	vpop (xrf0)  }
0x182: {  	s20 =	sadd.s32 $0x80, s20;
	v19 =	vadd.s32 v23, v24;
	v24 =	vadd.s32 v24, v26;
	v26 =	vperm.xlane v22, v4;
	v23, _, _ =	vpop (xrf0)  }
0x183: {  	v12 =	vadd.s32 v24, v25;
	v54 =	vperm.xlane v23, v4;
	v27, _, _ =	vpop (xrf0)  }
0x184: {  	v26 =	vadd.s32 v12, v26;
	v28 =	vperm.xlane v27, v4;
	v29, _, _ =	vpop (xrf0)  }
0x185: {  	v25 =	vadd.s32 v26, v54;
	v30 =	vperm.xlane v29, v4;
	v31, _, _ =	vpop (xrf0)  }
0x186: {  	v28 =	vadd.s32 v25, v28;
	v32 =	vperm.xlane v31, v4  }
0x187: {  	v30 =	vadd.s32 v28, v30  }
0x188: {  	v32 =	vadd.s32 v30, v32  }
0x189: {  	(v2sf) =	vpush v32, $0x0;
	_ =	sdelay $0x9  }
0x18a: {  	v21 =	vadd.s32 v21, v24;
	v62 =	vadd.s32 $0xFFFFFFFF, v19  }
0x18b: {  	v12 =	vadd.s32 v22, v12;
	v60 =	vadd.s32 $0xFFFFFFFF, v21  }
0x18c: {  	v57 =	vadd.s32 v23, v26;
	v12 =	vadd.s32 $0xFFFFFFFF, v12  }
0x18d: {  	v25 =	vadd.s32 v27, v25;
	v59 =	vadd.s32 $0xFFFFFFFF, v57  }
0x18e: {  	[tilespmem:v20+s12+$0x0] =	vst.idx.msk vm4, v17;
	v55 =	vadd.s32 v29, v28;
	v25 =	vadd.s32 $0xFFFFFFFF, v25  }
0x18f: {  	s20 =	sadd.s32 $0x60, s21;
	s31 =	sadd.s32 $0x70, s21;
	v56 =	vadd.s32 v31, v30;
	v27 =	vadd.s32 $0xFFFFFFFF, v55;
	[tilespmem:v62+s12+$0x0] =	vst.idx.msk vm0, v13;
	s21 =	spop (v2sf)  }
0x190: {  	v58 =	vadd.s32 $0xFFFFFFFF, v56;
	[tilespmem:v60+s12+$0x0] =	vst.idx.msk vm1, v14;
	p0 =	sgt.s32 s21, $0x80  }
.Ltmp16:
0x191: {  	[tilespmem:v12+s12+$0x0] =	vst.idx.msk vm2, v15;
	(pc) =	sbr.rel @p0 .LBB2_33-.Ltmp16, $4  }
0x192: {  	[tilespmem:v59+s12+$0x0] =	vst.idx.msk vm3, v16  }
0x193: {  	v61 =	vor.u32 s20, v1;
	[tilespmem:v25+s12+$0x0] =	vst.idx.msk vm5, v18  }
0x194: {  	v63 =	vor.u32 s31, v1;
	[tilespmem:v27+s12+$0x0] =	vst.idx.msk vm6, v61  }
0x195: {  	[tilespmem:v58+s12+$0x0] =	vst.idx.msk vm7, v63  }
0x196: {  	v12 =	vld [tilespmem:$0x10100]  }
0x197: {  	v13 =	vld [tilespmem:$0x10110]  }
0x198: {  	v14 =	vld [tilespmem:$0x10140]  }
0x199: {  	v15 =	vld [tilespmem:$0x10150]  }
0x19a: {  	v16 =	vld [tilespmem:$0x10120]  }
0x19b: {  	v17 =	vld [tilespmem:$0x10160];
	v20 =	vadd.s32 v11, v12  }
0x19c: {  	v18 =	vld [tilespmem:$0x10130];
	v21 =	vadd.s32 v11, v13  }
0x19d: {  	v19 =	vld [tilespmem:$0x10170];
	v22 =	vadd.s32 v11, v14  }
0x19e: {  	v23 =	vadd.s32 v11, v15  }
0x19f: {  	s20 =	simm.s32 $0x0;
	v24 =	vadd.s32 v11, v16  }
0x1a0: {  	v25 =	vadd.s32 v11, v17;
	v20 =	vld.idx.msk [tilespmem:v20+s20+$0x0], $0xffff  }
0x1a1: {  	v26 =	vadd.s32 v11, v18;
	v21 =	vld.idx.msk [tilespmem:v21+s20+$0x0], $0xffff  }
0x1a2: {  	v27 =	vadd.s32 v11, v19;
	v22 =	vld.idx.msk [tilespmem:v22+s20+$0x0], $0xffff  }
0x1a3: {  	v11 =	vld.idx.msk [tilespmem:v23+s20+$0x0], $0xffff  }
0x1a4: {  	v23 =	vld.idx.msk [tilespmem:v24+s20+$0x0], $0xffff  }
0x1a5: {  	v24 =	vld.idx.msk [tilespmem:v25+s20+$0x0], $0xffff  }
0x1a6: {  	v25 =	vld.idx.msk [tilespmem:v26+s20+$0x0], $0xffff  }
0x1a7: {  	v26 =	vld.idx.msk [tilespmem:v27+s20+$0x0], $0xffff;
	_ =	sdelay $0x1  }
0x1a8: {  	vm0 =	vlt.s32 v19, v18  }
0x1a9: {  	vm1 =	vlt.s32 v14, v12;
	vm2 =	vlt.s32 v17, v16;
	vm3 =	vlt.s32 v15, v13  }
0x1aa: {  	vm4 =	vgt.f32 v22, v20;
	vm5 =	veq.f32 v22, v20;
	vm6 =	veq.f32 v11, v21  }
0x1ab: {  	vm7 =	vgt.f32 v11, v21;
	vm14 =	vgt.f32 v24, v23;
	vm8 =	veq.f32 v26, v25  }
0x1ac: {  	vm5 =	vmand vm1, vm5;
	vm6 =	vmand vm3, vm6;
	vm15 =	vmand vm0, vm8  }
0x1ad: {  	vm6 =	vmor vm7, vm6;
	vm4 =	vmor vm4, vm5;
	vm5 =	veq.f32 v24, v23  }
0x1ae: {  	v27 =	vsel vm4, v14, v12;
	vm5 =	vmand vm2, vm5;
	v28 =	vsel vm4, v22, v20  }
0x1af: {  	vm4 =	vgt.f32 v26, v25;
	v29 =	vsel vm6, v11, v21;
	vm5 =	vmor vm14, vm5  }
0x1b0: {  	v30 =	vsel vm6, v15, v13;
	vm4 =	vmor vm4, vm15;
	v31 =	vsel vm5, v24, v23  }
0x1b1: {  	v32 =	vsel vm5, v17, v16;
	v33 =	vsel vm4, v26, v25;
	v34 =	vsel vm4, v19, v18  }
0x1b2: {  	vm5 =	veq.f32 v31, v28;
	vm4 =	vlt.s32 v32, v27;
	vm9 =	veq.f32 v33, v29  }
0x1b3: {  	vm10 =	vgt.f32 v31, v28;
	vm4 =	vmand vm5, vm4;
	vm5 =	vlt.s32 v34, v30  }
0x1b4: {  	vm11 =	vgt.f32 v33, v29;
	vm4 =	vmor vm10, vm4;
	vm5 =	vmand vm9, vm5  }
0x1b5: {  	v27 =	vsel vm4, v32, v27;
	vm5 =	vmor vm11, vm5  }
0x1b6: {  	v28 =	vsel vm4, v31, v28;
	v29 =	vsel vm5, v33, v29;
	v30 =	vsel vm5, v34, v30  }
0x1b7: {  	vm4 =	veq.f32 v29, v28;
	vm5 =	vlt.s32 v30, v27  }
0x1b8: {  	vm12 =	vgt.f32 v29, v28;
	vm4 =	vmand vm4, vm5  }
0x1b9: {  	vm4 =	vmor vm12, vm4  }
0x1ba: {  	v28 =	vsel vm4, v29, v28;
	v27 =	vsel vm4, v30, v27  }
0x1bb: {  	v29 =	vperm.xlane v28, v5;
	v30 =	vperm.xlane v27, v5;
	_ =	sdelay $0x1  }
0x1bc: {  	vm4 =	veq.f32 v29, v28;
	vm5 =	vlt.s32 v30, v27  }
0x1bd: {  	vm13 =	vgt.f32 v29, v28;
	vm4 =	vmand vm4, vm5  }
0x1be: {  	vm4 =	vmor vm13, vm4  }
0x1bf: {  	v28 =	vsel vm4, v29, v28;
	v27 =	vsel vm4, v30, v27  }
0x1c0: {  	v29 =	vperm.xlane v28, v6;
	v30 =	vperm.xlane v27, v6;
	_ =	sdelay $0x1  }
0x1c1: {  	vm4 =	veq.f32 v29, v28;
	vm5 =	vlt.s32 v30, v27  }
0x1c2: {  	vm14 =	vgt.f32 v29, v28;
	vm4 =	vmand vm4, vm5  }
0x1c3: {  	vm4 =	vmor vm14, vm4  }
0x1c4: {  	v28 =	vsel vm4, v29, v28;
	v29 =	vsel vm4, v30, v27  }
0x1c5: {  	v27 =	vperm.xlane v28, v7;
	v30 =	vperm.xlane v29, v7;
	_ =	sdelay $0x1  }
0x1c6: {  	vm4 =	veq.f32 v27, v28;
	vm5 =	vlt.s32 v30, v29  }
0x1c7: {  	vm15 =	vgt.f32 v27, v28;
	vm4 =	vmand vm4, vm5  }
0x1c8: {  	v10 =	vshll.u32 v10, $0x7;
	v31 =	vmov s20;
	vm4 =	vmor vm15, vm4  }
0x1c9: {  	s20 =	simm.s32 $0x1;
	v27 =	vsel vm4, v27, v28;
	v28 =	vsel vm4, v30, v29;
	v29 =	vand.u32 $0x7F, v31  }
.LBB2_31:
0x1ca: {  	p0 =	seq.s32 s20, $0x3F;
	v30 =	vperm.xlane v27, v8;
	v31 =	vperm.xlane v28, v8;
	s21 =	smov.u32 s20;
	s20 =	sadd.s32 $0x1, s20  }
0x1cb: {  	v29 =	vbroadcast v29, $0x0  }
0x1cc: {  	vm4 =	vgt.f32 v30, v27;
	vm5 =	veq.f32 v30, v27;
	vm6 =	vlt.s32 v31, v28  }
0x1cd: {  	v29 =	vor.u32 v10, v29;
	vm5 =	vmand vm5, vm6  }
0x1ce: {  	vm4 =	vmor vm4, vm5  }
0x1cf: {  	v27 =	vsel vm4, v30, v27;
	v28 =	vsel vm4, v31, v28  }
0x1d0: {  	vm4 =	veq.s32 v12, v28;
	vm5 =	veq.s32 v13, v28;
	vm6 =	veq.s32 v14, v28  }
0x1d1: {  	v20 =	vsel vm4, $0xFF800000, v20;
	v22 =	vsel vm6, $0xFF800000, v22;
	vm4 =	veq.s32 v15, v28  }
0x1d2: {  	v21 =	vsel vm5, $0xFF800000, v21;
	vm6 =	vgt.f32 v22, v20;
	[tilespmem:v29+s13+$0x0] =	vst.idx.msk $0x1, v27;
	v11 =	vsel vm4, $0xFF800000, v11  }
0x1d3: {  	vm7 =	veq.s32 v17, v28;
	vm5 =	veq.s32 v18, v28;
	vm4 =	veq.s32 v16, v28  }
0x1d4: {  	v23 =	vsel vm4, $0xFF800000, v23;
	[tilespmem:v29+s14+$0x0] =	vst.idx.msk $0x1, v28  }
0x1d5: {  	vm4 =	veq.f32 v22, v20;
	vm8 =	vgt.f32 v11, v21;
	vm9 =	veq.f32 v11, v21  }
0x1d6: {  	v24 =	vsel vm7, $0xFF800000, v24;
	vm4 =	vmand vm1, vm4;
	vm9 =	vmand vm3, vm9  }
0x1d7: {  	vm7 =	vmor vm8, vm9;
	vm8 =	vgt.f32 v24, v23;
	vm9 =	veq.s32 v19, v28  }
0x1d8: {  	vm4 =	vmor vm6, vm4;
	vm6 =	veq.f32 v24, v23;
	v26 =	vsel vm9, $0xFF800000, v26  }
0x1d9: {  	v25 =	vsel vm5, $0xFF800000, v25;
	v27 =	vsel vm4, v14, v12;
	vm6 =	vmand vm2, vm6  }
0x1da: {  	v28 =	vsel vm4, v22, v20;
	vm4 =	vgt.f32 v26, v25;
	vm5 =	veq.f32 v26, v25  }
0x1db: {  	v29 =	vsel vm7, v11, v21;
	vm6 =	vmor vm8, vm6;
	vm5 =	vmand vm0, vm5  }
0x1dc: {  	v30 =	vsel vm7, v15, v13;
	v31 =	vsel vm6, v24, v23;
	vm4 =	vmor vm4, vm5  }
0x1dd: {  	v32 =	vsel vm6, v17, v16;
	vm5 =	veq.f32 v31, v28;
	v33 =	vsel vm4, v26, v25  }
0x1de: {  	v34 =	vsel vm4, v19, v18;
	vm4 =	vlt.s32 v32, v27;
	vm6 =	veq.f32 v33, v29  }
0x1df: {  	vm7 =	vgt.f32 v31, v28;
	vm4 =	vmand vm5, vm4;
	vm5 =	vlt.s32 v34, v30  }
0x1e0: {  	vm4 =	vmor vm7, vm4;
	vm7 =	vgt.f32 v33, v29;
	vm5 =	vmand vm6, vm5  }
0x1e1: {  	v27 =	vsel vm4, v32, v27;
	vm5 =	vmor vm7, vm5  }
0x1e2: {  	v28 =	vsel vm4, v31, v28;
	v29 =	vsel vm5, v33, v29;
	v30 =	vsel vm5, v34, v30  }
0x1e3: {  	vm4 =	vgt.f32 v29, v28;
	vm5 =	veq.f32 v29, v28;
	vm6 =	vlt.s32 v30, v27  }
0x1e4: {  	vm5 =	vmand vm5, vm6  }
0x1e5: {  	vm4 =	vmor vm4, vm5  }
0x1e6: {  	v28 =	vsel vm4, v29, v28;
	v27 =	vsel vm4, v30, v27  }
0x1e7: {  	v29 =	vperm.xlane v28, v5;
	v30 =	vperm.xlane v27, v5;
	_ =	sdelay $0x1  }
0x1e8: {  	vm4 =	vgt.f32 v29, v28;
	vm5 =	veq.f32 v29, v28;
	vm6 =	vlt.s32 v30, v27  }
0x1e9: {  	vm5 =	vmand vm5, vm6  }
0x1ea: {  	vm4 =	vmor vm4, vm5  }
0x1eb: {  	v28 =	vsel vm4, v29, v28;
	v27 =	vsel vm4, v30, v27  }
0x1ec: {  	v29 =	vperm.xlane v28, v6;
	v30 =	vperm.xlane v27, v6;
	_ =	sdelay $0x1  }
0x1ed: {  	vm4 =	vgt.f32 v29, v28;
	vm5 =	veq.f32 v29, v28;
	vm6 =	vlt.s32 v30, v27  }
0x1ee: {  	vm5 =	vmand vm5, vm6  }
0x1ef: {  	vm4 =	vmor vm4, vm5  }
0x1f0: {  	v28 =	vsel vm4, v29, v28;
	v29 =	vsel vm4, v30, v27  }
0x1f1: {  	v27 =	vperm.xlane v28, v7;
	v30 =	vperm.xlane v29, v7  }
.Ltmp17:
0x1f2: {  	(pc) =	sbr.rel @!p0 .LBB2_31-.Ltmp17, $4  }
0x1f3: {  	vm4 =	vgt.f32 v27, v28;
	vm5 =	veq.f32 v27, v28;
	vm6 =	vlt.s32 v30, v29  }
0x1f4: {  	vm5 =	vmand vm5, vm6  }
0x1f5: {  	v31 =	vmov s21;
	vm4 =	vmor vm4, vm5  }
0x1f6: {  	v27 =	vsel vm4, v27, v28;
	v28 =	vsel vm4, v30, v29;
	v29 =	vand.u32 $0x7F, v31  }
0x1f7: {  	v11 =	vbroadcast v29, $0x0  }
0x1f8: {  	v12 =	vperm.xlane v27, v8;
	v13 =	vperm.xlane v28, v8  }
0x1f9: {  	v10 =	vor.u32 v10, v11  }
0x1fa: {  	vm0 =	veq.f32 v12, v27;
	vm1 =	vlt.s32 v13, v28  }
.Ltmp18:
0x1fb: {  	vm2 =	vgt.f32 v12, v27;
	vm0 =	vmand vm0, vm1;
	(pc) =	sbr.rel .LBB2_12-.Ltmp18, $4  }
0x1fc: {  	vm0 =	vmor vm2, vm0  }
0x1fd: {  	v11 =	vsel vm0, v12, v27  }
0x1fe: {  	v63 =	vsel vm0, v13, v28;
	[tilespmem:v10+s13+$0x0] =	vst.idx.msk $0x1, v11  }
0x1ff: {  	[tilespmem:v10+s14+$0x0] =	vst.idx.msk $0x1, v63  }
.LBB2_16:
0x200: {  	v20 =	vld [tilespmem:$0x10180]  }
0x201: {  	v21 =	vld [tilespmem:$0x10190]  }
0x202: {  	v22 =	vld [tilespmem:$0x101A0]  }
0x203: {  	v23 =	vld [tilespmem:$0x101B0]  }
0x204: {  	v24 =	vld [tilespmem:$0x101C0]  }
0x205: {  	v25 =	vld [tilespmem:$0x101F0]  }
0x206: {  	v26 =	vld [tilespmem:$0x101D0]  }
0x207: {  	v27 =	vld [tilespmem:$0x101E0];
	v39 =	vadd.s32 v11, v17  }
0x208: {  	s20 =	simm.s32 $0x0;
	v31 =	vadd.s32 v11, v15  }
0x209: {  	v28 =	vld.idx.msk [tilespmem:v28+s20+$0x0], $0xffff;
	v38 =	vadd.s32 v11, v16;
	v42 =	vadd.s32 v11, v18  }
0x20a: {  	v29 =	vld.idx.msk [tilespmem:v29+s20+$0x0], $0xffff;
	v32 =	vadd.s32 v11, v19;
	v33 =	vadd.s32 v11, v20;
	v34 =	vadd.s32 v11, v21  }
0x20b: {  	v30 =	vld.idx.msk [tilespmem:v30+s20+$0x0], $0xffff;
	v35 =	vadd.s32 v11, v25;
	v36 =	vadd.s32 v11, v23;
	v37 =	vadd.s32 v11, v22  }
0x20c: {  	v40 =	vadd.s32 v11, v24;
	v41 =	vadd.s32 v11, v26;
	v43 =	vadd.s32 v11, v27;
	v11 =	vld.idx.msk [tilespmem:v39+s20+$0x0], $0xffff  }
0x20d: {  	v31 =	vld.idx.msk [tilespmem:v31+s20+$0x0], $0xffff  }
0x20e: {  	v38 =	vld.idx.msk [tilespmem:v38+s20+$0x0], $0xffff  }
0x20f: {  	v32 =	vld.idx.msk [tilespmem:v32+s20+$0x0], $0xffff  }
0x210: {  	v33 =	vld.idx.msk [tilespmem:v33+s20+$0x0], $0xffff  }
0x211: {  	v34 =	vld.idx.msk [tilespmem:v34+s20+$0x0], $0xffff  }
0x212: {  	v35 =	vld.idx.msk [tilespmem:v35+s20+$0x0], $0xffff  }
0x213: {  	v36 =	vld.idx.msk [tilespmem:v36+s20+$0x0], $0xffff  }
0x214: {  	v57 =	vimm.s32 $0x0;
	v37 =	vld.idx.msk [tilespmem:v37+s20+$0x0], $0xffff  }
0x215: {  	v58 =	vimm.s32 $0x0;
	v59 =	vimm.s32 $0x0;
	v45 =	vimm.s32 $0x0;
	v39 =	vld.idx.msk [tilespmem:v40+s20+$0x0], $0xffff  }
0x216: {  	v61 =	vimm.s32 $0x0;
	v49 =	vimm.s32 $0x0;
	vm1 =	vlt.s32 v21, v13;
	v40 =	vld.idx.msk [tilespmem:v41+s20+$0x0], $0xffff  }
0x217: {  	vm0 =	vlt.s32 v24, v16;
	vm4 =	vlt.s32 v22, v14;
	v41 =	vld.idx.msk [tilespmem:v42+s20+$0x0], $0xffff;
	v42 =	vsel vm1, $0xFFFFFFFF, v57  }
0x218: {  	vm2 =	vlt.s32 v20, v12;
	vm3 =	vlt.s32 v25, v19;
	[tilespmem:$0x1FFA0] =	vst v42;
	v42 =	vld.idx.msk [tilespmem:v43+s20+$0x0], $0xffff;
	v43 =	vsel vm4, $0xFFFFFFFF, v58  }
0x219: {  	v45 =	vsel vm0, $0xFFFFFFFF, v45;
	[tilespmem:$0x1FFB0] =	vst v43;
	v43 =	vsel vm2, $0xFFFFFFFF, v59;
	vm7 =	veq.f32 v35, v32  }
0x21a: {  	vm10 =	vgt.f32 v35, v32;
	vm5 =	vgt.f32 v34, v29;
	vm8 =	vgt.f32 v36, v31  }
0x21b: {  	vm6 =	vgt.f32 v33, v28;
	vm9 =	veq.f32 v34, v29;
	vm11 =	veq.f32 v37, v30  }
0x21c: {  	vm12 =	veq.f32 v33, v28;
	vm13 =	vgt.f32 v37, v30;
	vm14 =	veq.f32 v40, v11  }
0x21d: {  	vm15 =	vgt.f32 v39, v38;
	vm9 =	vmand vm1, vm9;
	vm11 =	vmand vm4, vm11  }
0x21e: {  	vm12 =	vmand vm2, vm12;
	vm1 =	veq.f32 v36, v31;
	vm5 =	vmor vm5, vm9  }
0x21f: {  	vm12 =	vmor vm6, vm12;
	vm6 =	veq.f32 v39, v38;
	vm9 =	vmor vm13, vm11  }
0x220: {  	vm13 =	vlt.s32 v26, v17;
	v60 =	vsel vm5, v34, v29;
	v44 =	vsel vm5, v21, v13  }
0x221: {  	[tilespmem:$0x1FFD0] =	vst v45;
	vm6 =	vmand vm0, vm6;
	vm0 =	vgt.f32 v40, v11;
	v45 =	vsel vm13, $0xFFFFFFFF, v61  }
0x222: {  	vm2 =	vmand vm13, vm14;
	vm13 =	veq.f32 v42, v41;
	v63 =	vsel vm12, v20, v12  }
0x223: {  	v50 =	vsel vm9, v22, v14;
	v52 =	vsel vm12, v33, v28;
	v58 =	vsel vm9, v37, v30  }
0x224: {  	vm6 =	vmor vm15, vm6;
	vm11 =	vmor vm0, vm2;
	vm15 =	vlt.s32 v27, v18  }
0x225: {  	vm2 =	vgt.f32 v42, v41;
	vm0 =	vmand vm3, vm7;
	vm7 =	vlt.s32 v23, v15  }
0x226: {  	v62 =	vsel vm6, v39, v38;
	v46 =	vsel vm6, v24, v16;
	v47 =	vsel vm11, v40, v11  }
0x227: {  	v48 =	vsel vm11, v26, v17;
	v49 =	vsel vm15, $0xFFFFFFFF, v49;
	vm13 =	vmand vm15, vm13  }
0x228: {  	vm6 =	vmmov vm3;
	vm10 =	vmor vm10, vm0;
	vm11 =	vmor vm2, vm13  }
0x229: {  	vm13 =	vmand vm7, vm1;
	vm2 =	vlt.s32 v46, v63;
	v53 =	vsel vm10, v35, v32  }
0x22a: {  	vm3 =	vlt.s32 v48, v44;
	vm0 =	veq.f32 v62, v52;
	vm1 =	veq.f32 v47, v60  }
0x22b: {  	v57 =	vsel vm10, v25, v19;
	v51 =	vsel vm11, v27, v18;
	vm8 =	vmor vm8, vm13  }
0x22c: {  	v54 =	vsel vm11, v42, v41;
	vm11 =	vmand vm0, vm2;
	vm12 =	vmand vm1, vm3  }
0x22d: {  	vm2 =	vgt.f32 v47, v60;
	v55 =	vsel vm8, v23, v15;
	v56 =	vsel vm8, v36, v31  }
0x22e: {  	vm8 =	vgt.f32 v62, v52;
	vm0 =	vmor vm2, vm12;
	vm13 =	vgt.f32 v54, v58  }
0x22f: {  	vm3 =	veq.f32 v53, v56;
	vm8 =	vmor vm8, vm11;
	vm11 =	vlt.s32 v51, v50  }
0x230: {  	[tilespmem:$0x1FFC0] =	vst v43;
	vm1 =	vlt.s32 v57, v55;
	vm2 =	vgt.f32 v53, v56;
	v43 =	vsel vm0, v47, v60  }
0x231: {  	v44 =	vsel vm0, v48, v44;
	vm10 =	vmand vm3, vm1;
	vm3 =	veq.f32 v54, v58  }
0x232: {  	[tilespmem:$0x1FFE0] =	vst v45;
	v46 =	vsel vm8, v46, v63;
	v45 =	vsel vm8, v62, v52;
	vm10 =	vmor vm2, vm10  }
0x233: {  	vm11 =	vmand vm3, vm11;
	v60 =	vsel vm10, v53, v56;
	v61 =	vsel vm10, v57, v55  }
0x234: {  	vm10 =	vmor vm13, vm11;
	vm14 =	vgt.f32 v60, v43;
	vm15 =	veq.f32 v60, v43  }
0x235: {  	vm8 =	vlt.s32 v61, v44;
	v62 =	vsel vm10, v54, v58;
	v63 =	vsel vm10, v51, v50  }
0x236: {  	vm0 =	veq.f32 v62, v45;
	vm8 =	vmand vm15, vm8;
	vm1 =	vlt.s32 v63, v46  }
0x237: {  	vm2 =	vgt.f32 v62, v45;
	vm10 =	vmand vm0, vm1;
	vm8 =	vmor vm14, vm8  }
0x238: {  	vm9 =	vmor vm2, vm10;
	v44 =	vsel vm8, v61, v44  }
0x239: {  	v43 =	vsel vm8, v60, v43;
	v45 =	vsel vm9, v62, v45;
	v46 =	vsel vm9, v63, v46  }
0x23a: {  	vm8 =	veq.f32 v43, v45;
	vm9 =	vlt.s32 v44, v46  }
0x23b: {  	vm3 =	vgt.f32 v43, v45;
	vm8 =	vmand vm8, vm9  }
0x23c: {  	vm8 =	vmor vm3, vm8  }
0x23d: {  	v43 =	vsel vm8, v43, v45;
	v44 =	vsel vm8, v44, v46  }
0x23e: {  	v45 =	vperm.xlane v43, v5;
	v46 =	vperm.xlane v44, v5;
	_ =	sdelay $0x1  }
0x23f: {  	vm8 =	veq.f32 v45, v43;
	vm12 =	vlt.s32 v46, v44  }
0x240: {  	vm13 =	vgt.f32 v45, v43;
	vm8 =	vmand vm8, vm12  }
0x241: {  	vm8 =	vmor vm13, vm8  }
0x242: {  	v43 =	vsel vm8, v45, v43;
	v44 =	vsel vm8, v46, v44  }
0x243: {  	v45 =	vperm.xlane v43, v6;
	v46 =	vperm.xlane v44, v6;
	_ =	sdelay $0x1  }
0x244: {  	vm8 =	veq.f32 v45, v43;
	vm14 =	vlt.s32 v46, v44  }
0x245: {  	vm15 =	vgt.f32 v45, v43;
	vm8 =	vmand vm8, vm14  }
0x246: {  	vm8 =	vmor vm15, vm8  }
0x247: {  	v43 =	vsel vm8, v45, v43;
	v44 =	vsel vm8, v46, v44  }
0x248: {  	v10 =	vshll.u32 v10, $0x7;
	s21 =	simm.s32 $0x1;
	[tilespmem:$0x1FFF0] =	vst v49;
	v45 =	vperm.xlane v43, v7;
	v46 =	vperm.xlane v44, v7  }
.LBB2_17:
0x249: {  	_ = 	snop  }
0x24a: {  	vm9 =	veq.f32 v45, v43;
	vm10 =	vlt.s32 v46, v44  }
0x24b: {  	vm8 =	vgt.f32 v45, v43;
	vm9 =	vmand vm9, vm10  }
0x24c: {  	vm8 =	vmor vm8, vm9  }
0x24d: {  	v52 =	vsel vm8, v45, v43;
	v53 =	vsel vm8, v46, v44  }
0x24e: {  	v55 =	vperm.xlane v52, v8;
	v56 =	vperm.xlane v53, v8  }
0x24f: {  	v47 =	vmov s20  }
0x250: {  	v47 =	vand.u32 $0x7F, v47;
	vm1 =	veq.f32 v55, v52;
	vm2 =	vlt.s32 v56, v53  }
0x251: {  	v54 =	vbroadcast v47, $0x0;
	vm8 =	vgt.f32 v55, v52;
	vm9 =	vmand vm1, vm2  }
0x252: {  	vm8 =	vmor vm8, vm9  }
0x253: {  	v45 =	vor.u32 v10, v54;
	v43 =	vsel vm8, v55, v52;
	v44 =	vsel vm8, v56, v53  }
0x254: {  	vm8 =	veq.s32 v13, v44;
	vm3 =	veq.s32 v15, v44;
	vm12 =	veq.s32 v23, v44  }
0x255: {  	vm13 =	veq.s32 v14, v44;
	vm14 =	veq.s32 v16, v44;
	vm15 =	veq.s32 v17, v44  }
0x256: {  	v57 =	vld [tilespmem:$0x1FFB0];
	vm0 =	veq.s32 v19, v44;
	vm1 =	veq.s32 v20, v44;
	vm2 =	veq.s32 v22, v44  }
0x257: {  	v29 =	vsel vm8, $0xFF800000, v29;
	vm8 =	veq.s32 v21, v44;
	v31 =	vsel vm3, $0xFF800000, v31  }
0x258: {  	v36 =	vsel vm12, $0xFF800000, v36;
	v30 =	vsel vm13, $0xFF800000, v30;
	v38 =	vsel vm14, $0xFF800000, v38  }
0x259: {  	v11 =	vsel vm15, $0xFF800000, v11;
	v32 =	vsel vm0, $0xFF800000, v32;
	v33 =	vsel vm1, $0xFF800000, v33  }
0x25a: {  	v58 =	vld [tilespmem:$0x1FFC0];
	v37 =	vsel vm2, $0xFF800000, v37;
	vm3 =	veq.s32 v27, v44;
	vm12 =	veq.s32 v18, v44  }
0x25b: {  	vm1 =	vnez.u8 v57;
	v34 =	vsel vm8, $0xFF800000, v34;
	vm8 =	veq.s32 v12, v44  }
0x25c: {  	v42 =	vsel vm3, $0xFF800000, v42;
	v41 =	vsel vm12, $0xFF800000, v41;
	vm14 =	veq.f32 v37, v30  }
0x25d: {  	vm0 =	vgt.f32 v37, v30;
	vm5 =	veq.f32 v36, v31;
	v28 =	vsel vm8, $0xFF800000, v28  }
0x25e: {  	v59 =	vld [tilespmem:$0x1FFA0];
	vm8 =	veq.s32 v24, v44;
	vm11 =	vgt.f32 v34, v29;
	vm14 =	vmand vm1, vm14  }
0x25f: {  	vm1 =	vnez.u8 v58;
	vm2 =	vgt.f32 v42, v41;
	vm4 =	veq.f32 v42, v41  }
0x260: {  	vm5 =	vmand vm7, vm5;
	v39 =	vsel vm8, $0xFF800000, v39;
	vm8 =	veq.s32 v26, v44  }
0x261: {  	vm15 =	veq.f32 v33, v28;
	v40 =	vsel vm8, $0xFF800000, v40;
	vm8 =	veq.s32 v25, v44  }
0x262: {  	vm12 =	vgt.f32 v33, v28;
	vm15 =	vmand vm1, vm15;
	v35 =	vsel vm8, $0xFF800000, v35  }
0x263: {  	v60 =	vld [tilespmem:$0x1FFD0];
	vm1 =	vnez.u8 v59;
	vm3 =	vgt.f32 v39, v38;
	vm13 =	veq.f32 v35, v32  }
0x264: {  	v61 =	vld [tilespmem:$0x1FFE0];
	vm8 =	vgt.f32 v36, v31;
	vm10 =	vmand vm6, vm13;
	vm13 =	veq.f32 v34, v29  }
0x265: {  	[tilespmem:v45+s13+$0x0] =	vst.idx.msk $0x1, v43;
	vm12 =	vmor vm12, vm15;
	vm15 =	veq.f32 v40, v11;
	vm13 =	vmand vm1, vm13  }
0x266: {  	v49 =	vld [tilespmem:$0x1FFF0];
	[tilespmem:v45+s14+$0x0] =	vst.idx.msk $0x1, v44;
	vm9 =	vgt.f32 v35, v32;
	v45 =	vsel vm12, v20, v12;
	vm11 =	vmor vm11, vm13  }
0x267: {  	v52 =	vsel vm12, v33, v28;
	vm13 =	veq.f32 v39, v38;
	v43 =	vsel vm11, v34, v29  }
0x268: {  	v44 =	vsel vm11, v21, v13;
	vm11 =	vmor vm0, vm14;
	vm14 =	vnez.u8 v60  }
0x269: {  	vm1 =	vgt.f32 v40, v11;
	vm0 =	vmand vm14, vm13;
	vm13 =	vnez.u8 v61  }
0x26a: {  	v46 =	vsel vm11, v22, v14;
	v58 =	vsel vm11, v37, v30;
	vm13 =	vmand vm13, vm15  }
0x26b: {  	vm0 =	vmor vm3, vm0;
	vm15 =	vnez.u8 v49;
	vm1 =	vmor vm1, vm13  }
0x26c: {  	v62 =	vsel vm0, v39, v38;
	vm3 =	vmand vm15, vm4;
	v63 =	vsel vm0, v24, v16  }
0x26d: {  	vm13 =	vmor vm9, vm10;
	vm4 =	vmor vm8, vm5;
	v48 =	vsel vm1, v40, v11  }
0x26e: {  	v50 =	vsel vm1, v26, v17;
	vm0 =	vmor vm2, vm3;
	vm14 =	vlt.s32 v63, v45  }
0x26f: {  	v53 =	vsel vm13, v35, v32;
	vm5 =	vgt.f32 v62, v52;
	vm8 =	veq.f32 v62, v52  }
0x270: {  	v54 =	vsel vm4, v23, v15;
	v56 =	vsel vm4, v36, v31;
	v57 =	vsel vm13, v25, v19  }
0x271: {  	v51 =	vsel vm0, v27, v18;
	vm15 =	vlt.s32 v50, v44;
	v55 =	vsel vm0, v42, v41  }
0x272: {  	vm12 =	veq.f32 v48, v43;
	vm2 =	vmand vm8, vm14;
	vm13 =	vgt.f32 v48, v43  }
0x273: {  	vm14 =	veq.f32 v53, v56;
	vm0 =	vmand vm12, vm15;
	vm2 =	vmor vm5, vm2  }
0x274: {  	vm4 =	vlt.s32 v51, v46;
	vm5 =	vgt.f32 v53, v56;
	vm15 =	vlt.s32 v57, v54  }
0x275: {  	vm8 =	vgt.f32 v55, v58;
	vm11 =	veq.f32 v55, v58;
	vm0 =	vmor vm13, vm0  }
0x276: {  	vm1 =	vmand vm14, vm15;
	v45 =	vsel vm2, v63, v45;
	vm3 =	vmand vm11, vm4  }
0x277: {  	v47 =	vsel vm2, v62, v52;
	v43 =	vsel vm0, v48, v43;
	vm1 =	vmor vm5, vm1  }
0x278: {  	v44 =	vsel vm0, v50, v44;
	vm3 =	vmor vm8, vm3;
	v59 =	vsel vm1, v53, v56  }
0x279: {  	v60 =	vsel vm1, v57, v54;
	v61 =	vsel vm3, v55, v58;
	v46 =	vsel vm3, v51, v46  }
0x27a: {  	vm12 =	vgt.f32 v59, v43;
	vm13 =	veq.f32 v59, v43;
	vm4 =	vlt.s32 v60, v44  }
0x27b: {  	vm2 =	veq.f32 v61, v47;
	vm3 =	vlt.s32 v46, v45;
	vm1 =	vmand vm13, vm4  }
0x27c: {  	vm4 =	vgt.f32 v61, v47;
	vm2 =	vmand vm2, vm3;
	vm0 =	vmor vm12, vm1  }
0x27d: {  	vm14 =	vmor vm4, vm2;
	v44 =	vsel vm0, v60, v44  }
0x27e: {  	v47 =	vsel vm14, v61, v47;
	v45 =	vsel vm14, v46, v45;
	v43 =	vsel vm0, v59, v43  }
0x27f: {  	vm15 =	veq.f32 v43, v47;
	vm9 =	vlt.s32 v44, v45  }
0x280: {  	vm0 =	vgt.f32 v43, v47;
	vm1 =	vmand vm15, vm9  }
0x281: {  	vm0 =	vmor vm0, vm1  }
0x282: {  	v43 =	vsel vm0, v43, v47;
	v44 =	vsel vm0, v44, v45  }
0x283: {  	v62 =	vperm.xlane v43, v5;
	v63 =	vperm.xlane v44, v5;
	_ =	sdelay $0x1  }
0x284: {  	vm11 =	veq.f32 v62, v43;
	vm12 =	vlt.s32 v63, v44  }
0x285: {  	vm10 =	vgt.f32 v62, v43;
	vm1 =	vmand vm11, vm12  }
0x286: {  	vm0 =	vmor vm10, vm1  }
0x287: {  	v43 =	vsel vm0, v62, v43;
	v44 =	vsel vm0, v63, v44  }
0x288: {  	v45 =	vperm.xlane v43, v6;
	v46 =	vperm.xlane v44, v6  }
0x289: {  	p0 =	seq.s32 s21, $0x3F  }
.Ltmp19:
0x28a: {  	vm14 =	veq.f32 v45, v43;
	vm15 =	vlt.s32 v46, v44;
	(pc) =	sbr.rel @!p0 .LBB2_17-.Ltmp19, $4  }
0x28b: {  	vm13 =	vgt.f32 v45, v43;
	vm1 =	vmand vm14, vm15  }
0x28c: {  	vm0 =	vmor vm13, vm1  }
0x28d: {  	s22 =	smov.u32 s21;
	v43 =	vsel vm0, v45, v43;
	v44 =	vsel vm0, v46, v44  }
0x28e: {  	s21 =	sadd.s32 $0x1, s21;
	s20 =	smov.u32 s22;
	v45 =	vperm.xlane v43, v7;
	v46 =	vperm.xlane v44, v7  }
0x28f: {  	_ = 	snop  }
0x290: {  	vm0 =	veq.f32 v45, v43;
	vm1 =	vlt.s32 v46, v44  }
0x291: {  	v11 =	vmov s20;
	vm2 =	vgt.f32 v45, v43;
	vm0 =	vmand vm0, vm1  }
0x292: {  	v11 =	vand.u32 $0x7F, v11;
	vm0 =	vmor vm2, vm0  }
0x293: {  	v11 =	vbroadcast v11, $0x0;
	v12 =	vsel vm0, v45, v43;
	v13 =	vsel vm0, v46, v44  }
0x294: {  	v14 =	vperm.xlane v12, v8;
	v15 =	vperm.xlane v13, v8  }
0x295: {  	v10 =	vor.u32 v10, v11  }
0x296: {  	vm13 =	veq.f32 v14, v12;
	vm14 =	vlt.s32 v15, v13  }
.Ltmp20:
0x297: {  	vm15 =	vgt.f32 v14, v12;
	vm0 =	vmand vm13, vm14;
	(pc) =	sbr.rel .LBB2_12-.Ltmp20, $4  }
0x298: {  	vm0 =	vmor vm15, vm0  }
0x299: {  	v11 =	vsel vm0, v14, v12  }
0x29a: {  	v63 =	vsel vm0, v15, v13;
	[tilespmem:v10+s13+$0x0] =	vst.idx.msk $0x1, v11  }
0x29b: {  	[tilespmem:v10+s14+$0x0] =	vst.idx.msk $0x1, v63  }
.LBB2_33:
0x29c: {  	p0 =	sgt.u32 s21, $0x100  }
.Ltmp21:
0x29d: {  	_ = 	snop;
	(pc) =	sbr.rel @p0 .LBB2_37-.Ltmp21, $1  }
0x29e: {  	_ =	sdelay $0x3  }
0x29f: {  	v12 =	vld [tilespmem:$0x10100]  }
0x2a0: {  	v13 =	vld [tilespmem:$0x10110]  }
0x2a1: {  	v14 =	vld [tilespmem:$0x10120]  }
0x2a2: {  	v15 =	vld [tilespmem:$0x10130]  }
0x2a3: {  	v16 =	vld [tilespmem:$0x10140]  }
0x2a4: {  	v17 =	vld [tilespmem:$0x10150]  }
0x2a5: {  	v18 =	vld [tilespmem:$0x10160]  }
0x2a6: {  	v19 =	vld [tilespmem:$0x10170]  }
0x2a7: {  	v20 =	vld [tilespmem:$0x10180]  }
0x2a8: {  	v21 =	vld [tilespmem:$0x10190]  }
0x2a9: {  	v22 =	vld [tilespmem:$0x101A0]  }
0x2aa: {  	v23 =	vld [tilespmem:$0x101B0];
	v28 =	vadd.s32 v11, v12  }
0x2ab: {  	v24 =	vld [tilespmem:$0x101C0];
	v29 =	vadd.s32 v11, v13  }
0x2ac: {  	v25 =	vld [tilespmem:$0x101F0];
	v30 =	vadd.s32 v11, v14  }
0x2ad: {  	v26 =	vld [tilespmem:$0x101D0];
	v31 =	vadd.s32 v11, v15  }
0x2ae: {  	v27 =	vld [tilespmem:$0x101E0];
	s20 =	simm.s32 $0x0;
	v32 =	vadd.s32 v11, v19  }
0x2af: {  	v33 =	vadd.s32 v11, v20;
	v28 =	vld.idx.msk [tilespmem:v28+s20+$0x0], $0xffff  }
0x2b0: {  	v34 =	vadd.s32 v11, v21;
	v29 =	vld.idx.msk [tilespmem:v29+s20+$0x0], $0xffff  }
0x2b1: {  	v35 =	vadd.s32 v11, v25;
	v30 =	vld.idx.msk [tilespmem:v30+s20+$0x0], $0xffff  }
0x2b2: {  	v36 =	vadd.s32 v11, v23;
	v31 =	vld.idx.msk [tilespmem:v31+s20+$0x0], $0xffff  }
0x2b3: {  	v37 =	vadd.s32 v11, v22;
	v32 =	vld.idx.msk [tilespmem:v32+s20+$0x0], $0xffff  }
0x2b4: {  	v38 =	vadd.s32 v11, v16;
	v33 =	vld.idx.msk [tilespmem:v33+s20+$0x0], $0xffff  }
0x2b5: {  	v39 =	vadd.s32 v11, v17;
	v34 =	vld.idx.msk [tilespmem:v34+s20+$0x0], $0xffff  }
0x2b6: {  	v40 =	vadd.s32 v11, v24;
	v35 =	vld.idx.msk [tilespmem:v35+s20+$0x0], $0xffff  }
0x2b7: {  	v41 =	vadd.s32 v11, v26;
	v36 =	vld.idx.msk [tilespmem:v36+s20+$0x0], $0xffff  }
0x2b8: {  	v42 =	vadd.s32 v11, v18;
	v37 =	vld.idx.msk [tilespmem:v37+s20+$0x0], $0xffff  }
0x2b9: {  	v43 =	vadd.s32 v11, v27;
	v38 =	vld.idx.msk [tilespmem:v38+s20+$0x0], $0xffff  }
0x2ba: {  	v57 =	vimm.s32 $0x0;
	v11 =	vld.idx.msk [tilespmem:v39+s20+$0x0], $0xffff  }
0x2bb: {  	v58 =	vimm.s32 $0x0;
	v59 =	vimm.s32 $0x0;
	v45 =	vimm.s32 $0x0;
	v39 =	vld.idx.msk [tilespmem:v40+s20+$0x0], $0xffff  }
0x2bc: {  	v61 =	vimm.s32 $0x0;
	v49 =	vimm.s32 $0x0;
	vm1 =	vlt.s32 v21, v13;
	v40 =	vld.idx.msk [tilespmem:v41+s20+$0x0], $0xffff  }
0x2bd: {  	vm0 =	vlt.s32 v24, v16;
	vm4 =	vlt.s32 v22, v14;
	v41 =	vld.idx.msk [tilespmem:v42+s20+$0x0], $0xffff;
	v42 =	vsel vm1, $0xFFFFFFFF, v57  }
0x2be: {  	vm2 =	vlt.s32 v20, v12;
	vm3 =	vlt.s32 v25, v19;
	[tilespmem:$0x1FF40] =	vst v42;
	v42 =	vld.idx.msk [tilespmem:v43+s20+$0x0], $0xffff;
	v43 =	vsel vm4, $0xFFFFFFFF, v58  }
0x2bf: {  	v45 =	vsel vm0, $0xFFFFFFFF, v45;
	[tilespmem:$0x1FF50] =	vst v43;
	v43 =	vsel vm2, $0xFFFFFFFF, v59;
	vm7 =	veq.f32 v35, v32  }
0x2c0: {  	vm10 =	vgt.f32 v35, v32;
	vm5 =	vgt.f32 v34, v29;
	vm8 =	vgt.f32 v36, v31  }
0x2c1: {  	vm6 =	vgt.f32 v33, v28;
	vm9 =	veq.f32 v34, v29;
	vm11 =	veq.f32 v37, v30  }
0x2c2: {  	vm12 =	veq.f32 v33, v28;
	vm13 =	vgt.f32 v37, v30;
	vm14 =	veq.f32 v40, v11  }
0x2c3: {  	vm15 =	vgt.f32 v39, v38;
	vm9 =	vmand vm1, vm9;
	vm11 =	vmand vm4, vm11  }
0x2c4: {  	vm12 =	vmand vm2, vm12;
	vm1 =	veq.f32 v36, v31;
	vm5 =	vmor vm5, vm9  }
0x2c5: {  	vm12 =	vmor vm6, vm12;
	vm6 =	veq.f32 v39, v38;
	vm9 =	vmor vm13, vm11  }
0x2c6: {  	vm13 =	vlt.s32 v26, v17;
	v60 =	vsel vm5, v34, v29;
	v44 =	vsel vm5, v21, v13  }
0x2c7: {  	[tilespmem:$0x1FF70] =	vst v45;
	vm6 =	vmand vm0, vm6;
	vm0 =	vgt.f32 v40, v11;
	v45 =	vsel vm13, $0xFFFFFFFF, v61  }
0x2c8: {  	vm2 =	vmand vm13, vm14;
	vm13 =	veq.f32 v42, v41;
	v63 =	vsel vm12, v20, v12  }
0x2c9: {  	v50 =	vsel vm9, v22, v14;
	v52 =	vsel vm12, v33, v28;
	v58 =	vsel vm9, v37, v30  }
0x2ca: {  	vm6 =	vmor vm15, vm6;
	vm11 =	vmor vm0, vm2;
	vm15 =	vlt.s32 v27, v18  }
0x2cb: {  	vm2 =	vgt.f32 v42, v41;
	vm0 =	vmand vm3, vm7;
	vm7 =	vlt.s32 v23, v15  }
0x2cc: {  	v62 =	vsel vm6, v39, v38;
	v46 =	vsel vm6, v24, v16;
	v47 =	vsel vm11, v40, v11  }
0x2cd: {  	v48 =	vsel vm11, v26, v17;
	v49 =	vsel vm15, $0xFFFFFFFF, v49;
	vm13 =	vmand vm15, vm13  }
0x2ce: {  	vm6 =	vmmov vm3;
	vm10 =	vmor vm10, vm0;
	vm11 =	vmor vm2, vm13  }
0x2cf: {  	vm13 =	vmand vm7, vm1;
	vm2 =	vlt.s32 v46, v63;
	v53 =	vsel vm10, v35, v32  }
0x2d0: {  	vm3 =	vlt.s32 v48, v44;
	vm0 =	veq.f32 v62, v52;
	vm1 =	veq.f32 v47, v60  }
0x2d1: {  	v57 =	vsel vm10, v25, v19;
	v51 =	vsel vm11, v27, v18;
	vm8 =	vmor vm8, vm13  }
0x2d2: {  	v54 =	vsel vm11, v42, v41;
	vm11 =	vmand vm0, vm2;
	vm12 =	vmand vm1, vm3  }
0x2d3: {  	vm2 =	vgt.f32 v47, v60;
	v55 =	vsel vm8, v23, v15;
	v56 =	vsel vm8, v36, v31  }
0x2d4: {  	vm8 =	vgt.f32 v62, v52;
	vm0 =	vmor vm2, vm12;
	vm13 =	vgt.f32 v54, v58  }
0x2d5: {  	vm3 =	veq.f32 v53, v56;
	vm8 =	vmor vm8, vm11;
	vm11 =	vlt.s32 v51, v50  }
0x2d6: {  	[tilespmem:$0x1FF60] =	vst v43;
	vm1 =	vlt.s32 v57, v55;
	vm2 =	vgt.f32 v53, v56;
	v43 =	vsel vm0, v47, v60  }
0x2d7: {  	v44 =	vsel vm0, v48, v44;
	vm10 =	vmand vm3, vm1;
	vm3 =	veq.f32 v54, v58  }
0x2d8: {  	[tilespmem:$0x1FF80] =	vst v45;
	v46 =	vsel vm8, v46, v63;
	v45 =	vsel vm8, v62, v52;
	vm10 =	vmor vm2, vm10  }
0x2d9: {  	vm11 =	vmand vm3, vm11;
	v60 =	vsel vm10, v53, v56;
	v61 =	vsel vm10, v57, v55  }
0x2da: {  	vm10 =	vmor vm13, vm11;
	vm14 =	vgt.f32 v60, v43;
	vm15 =	veq.f32 v60, v43  }
0x2db: {  	vm8 =	vlt.s32 v61, v44;
	v62 =	vsel vm10, v54, v58;
	v63 =	vsel vm10, v51, v50  }
0x2dc: {  	vm0 =	veq.f32 v62, v45;
	vm8 =	vmand vm15, vm8;
	vm1 =	vlt.s32 v63, v46  }
0x2dd: {  	vm2 =	vgt.f32 v62, v45;
	vm10 =	vmand vm0, vm1;
	vm8 =	vmor vm14, vm8  }
0x2de: {  	vm9 =	vmor vm2, vm10;
	v44 =	vsel vm8, v61, v44  }
0x2df: {  	v43 =	vsel vm8, v60, v43;
	v45 =	vsel vm9, v62, v45;
	v46 =	vsel vm9, v63, v46  }
0x2e0: {  	vm8 =	veq.f32 v43, v45;
	vm9 =	vlt.s32 v44, v46  }
0x2e1: {  	vm3 =	vgt.f32 v43, v45;
	vm8 =	vmand vm8, vm9  }
0x2e2: {  	vm8 =	vmor vm3, vm8  }
0x2e3: {  	v43 =	vsel vm8, v43, v45;
	v44 =	vsel vm8, v44, v46  }
0x2e4: {  	v45 =	vperm.xlane v43, v5;
	v46 =	vperm.xlane v44, v5;
	_ =	sdelay $0x1  }
0x2e5: {  	vm8 =	veq.f32 v45, v43;
	vm12 =	vlt.s32 v46, v44  }
0x2e6: {  	vm13 =	vgt.f32 v45, v43;
	vm8 =	vmand vm8, vm12  }
0x2e7: {  	vm8 =	vmor vm13, vm8  }
0x2e8: {  	v43 =	vsel vm8, v45, v43;
	v44 =	vsel vm8, v46, v44  }
0x2e9: {  	v45 =	vperm.xlane v43, v6;
	v46 =	vperm.xlane v44, v6;
	_ =	sdelay $0x1  }
0x2ea: {  	vm8 =	veq.f32 v45, v43;
	vm14 =	vlt.s32 v46, v44  }
0x2eb: {  	vm15 =	vgt.f32 v45, v43;
	vm8 =	vmand vm8, vm14  }
0x2ec: {  	vm8 =	vmor vm15, vm8  }
0x2ed: {  	v43 =	vsel vm8, v45, v43;
	v44 =	vsel vm8, v46, v44  }
0x2ee: {  	v10 =	vshll.u32 v10, $0x7;
	s21 =	simm.s32 $0x1;
	[tilespmem:$0x1FF90] =	vst v49;
	v45 =	vperm.xlane v43, v7;
	v46 =	vperm.xlane v44, v7  }
.LBB2_35:
0x2ef: {  	_ = 	snop  }
0x2f0: {  	vm9 =	veq.f32 v45, v43;
	vm10 =	vlt.s32 v46, v44  }
0x2f1: {  	vm8 =	vgt.f32 v45, v43;
	vm9 =	vmand vm9, vm10  }
0x2f2: {  	vm8 =	vmor vm8, vm9  }
0x2f3: {  	v52 =	vsel vm8, v45, v43;
	v53 =	vsel vm8, v46, v44  }
0x2f4: {  	v55 =	vperm.xlane v52, v8;
	v56 =	vperm.xlane v53, v8  }
0x2f5: {  	v47 =	vmov s20  }
0x2f6: {  	v47 =	vand.u32 $0x7F, v47;
	vm1 =	veq.f32 v55, v52;
	vm2 =	vlt.s32 v56, v53  }
0x2f7: {  	v54 =	vbroadcast v47, $0x0;
	vm8 =	vgt.f32 v55, v52;
	vm9 =	vmand vm1, vm2  }
0x2f8: {  	vm8 =	vmor vm8, vm9  }
0x2f9: {  	v45 =	vor.u32 v10, v54;
	v43 =	vsel vm8, v55, v52;
	v44 =	vsel vm8, v56, v53  }
0x2fa: {  	vm8 =	veq.s32 v13, v44;
	vm3 =	veq.s32 v15, v44;
	vm12 =	veq.s32 v23, v44  }
0x2fb: {  	vm13 =	veq.s32 v14, v44;
	vm14 =	veq.s32 v16, v44;
	vm15 =	veq.s32 v17, v44  }
0x2fc: {  	v57 =	vld [tilespmem:$0x1FF50];
	vm0 =	veq.s32 v19, v44;
	vm1 =	veq.s32 v20, v44;
	vm2 =	veq.s32 v22, v44  }
0x2fd: {  	v29 =	vsel vm8, $0xFF800000, v29;
	vm8 =	veq.s32 v21, v44;
	v31 =	vsel vm3, $0xFF800000, v31  }
0x2fe: {  	v36 =	vsel vm12, $0xFF800000, v36;
	v30 =	vsel vm13, $0xFF800000, v30;
	v38 =	vsel vm14, $0xFF800000, v38  }
0x2ff: {  	v11 =	vsel vm15, $0xFF800000, v11;
	v32 =	vsel vm0, $0xFF800000, v32;
	v33 =	vsel vm1, $0xFF800000, v33  }
0x300: {  	v58 =	vld [tilespmem:$0x1FF60];
	v37 =	vsel vm2, $0xFF800000, v37;
	vm3 =	veq.s32 v27, v44;
	vm12 =	veq.s32 v18, v44  }
0x301: {  	vm1 =	vnez.u8 v57;
	v34 =	vsel vm8, $0xFF800000, v34;
	vm8 =	veq.s32 v12, v44  }
0x302: {  	v42 =	vsel vm3, $0xFF800000, v42;
	v41 =	vsel vm12, $0xFF800000, v41;
	vm14 =	veq.f32 v37, v30  }
0x303: {  	vm0 =	vgt.f32 v37, v30;
	vm5 =	veq.f32 v36, v31;
	v28 =	vsel vm8, $0xFF800000, v28  }
0x304: {  	v59 =	vld [tilespmem:$0x1FF40];
	vm8 =	veq.s32 v24, v44;
	vm11 =	vgt.f32 v34, v29;
	vm14 =	vmand vm1, vm14  }
0x305: {  	vm1 =	vnez.u8 v58;
	vm2 =	vgt.f32 v42, v41;
	vm4 =	veq.f32 v42, v41  }
0x306: {  	vm5 =	vmand vm7, vm5;
	v39 =	vsel vm8, $0xFF800000, v39;
	vm8 =	veq.s32 v26, v44  }
0x307: {  	vm15 =	veq.f32 v33, v28;
	v40 =	vsel vm8, $0xFF800000, v40;
	vm8 =	veq.s32 v25, v44  }
0x308: {  	vm12 =	vgt.f32 v33, v28;
	vm15 =	vmand vm1, vm15;
	v35 =	vsel vm8, $0xFF800000, v35  }
0x309: {  	v60 =	vld [tilespmem:$0x1FF70];
	vm1 =	vnez.u8 v59;
	vm3 =	vgt.f32 v39, v38;
	vm13 =	veq.f32 v35, v32  }
0x30a: {  	v61 =	vld [tilespmem:$0x1FF80];
	vm8 =	vgt.f32 v36, v31;
	vm10 =	vmand vm6, vm13;
	vm13 =	veq.f32 v34, v29  }
0x30b: {  	[tilespmem:v45+s13+$0x0] =	vst.idx.msk $0x1, v43;
	vm12 =	vmor vm12, vm15;
	vm15 =	veq.f32 v40, v11;
	vm13 =	vmand vm1, vm13  }
0x30c: {  	v49 =	vld [tilespmem:$0x1FF90];
	[tilespmem:v45+s14+$0x0] =	vst.idx.msk $0x1, v44;
	vm9 =	vgt.f32 v35, v32;
	v45 =	vsel vm12, v20, v12;
	vm11 =	vmor vm11, vm13  }
0x30d: {  	v52 =	vsel vm12, v33, v28;
	vm13 =	veq.f32 v39, v38;
	v43 =	vsel vm11, v34, v29  }
0x30e: {  	v44 =	vsel vm11, v21, v13;
	vm11 =	vmor vm0, vm14;
	vm14 =	vnez.u8 v60  }
0x30f: {  	vm1 =	vgt.f32 v40, v11;
	vm0 =	vmand vm14, vm13;
	vm13 =	vnez.u8 v61  }
0x310: {  	v46 =	vsel vm11, v22, v14;
	v58 =	vsel vm11, v37, v30;
	vm13 =	vmand vm13, vm15  }
0x311: {  	vm0 =	vmor vm3, vm0;
	vm15 =	vnez.u8 v49;
	vm1 =	vmor vm1, vm13  }
0x312: {  	v62 =	vsel vm0, v39, v38;
	vm3 =	vmand vm15, vm4;
	v63 =	vsel vm0, v24, v16  }
0x313: {  	vm13 =	vmor vm9, vm10;
	vm4 =	vmor vm8, vm5;
	v48 =	vsel vm1, v40, v11  }
0x314: {  	v50 =	vsel vm1, v26, v17;
	vm0 =	vmor vm2, vm3;
	vm14 =	vlt.s32 v63, v45  }
0x315: {  	v53 =	vsel vm13, v35, v32;
	vm5 =	vgt.f32 v62, v52;
	vm8 =	veq.f32 v62, v52  }
0x316: {  	v54 =	vsel vm4, v23, v15;
	v56 =	vsel vm4, v36, v31;
	v57 =	vsel vm13, v25, v19  }
0x317: {  	v51 =	vsel vm0, v27, v18;
	vm15 =	vlt.s32 v50, v44;
	v55 =	vsel vm0, v42, v41  }
0x318: {  	vm12 =	veq.f32 v48, v43;
	vm2 =	vmand vm8, vm14;
	vm13 =	vgt.f32 v48, v43  }
0x319: {  	vm14 =	veq.f32 v53, v56;
	vm0 =	vmand vm12, vm15;
	vm2 =	vmor vm5, vm2  }
0x31a: {  	vm4 =	vlt.s32 v51, v46;
	vm5 =	vgt.f32 v53, v56;
	vm15 =	vlt.s32 v57, v54  }
0x31b: {  	vm8 =	vgt.f32 v55, v58;
	vm11 =	veq.f32 v55, v58;
	vm0 =	vmor vm13, vm0  }
0x31c: {  	vm1 =	vmand vm14, vm15;
	v45 =	vsel vm2, v63, v45;
	vm3 =	vmand vm11, vm4  }
0x31d: {  	v47 =	vsel vm2, v62, v52;
	v43 =	vsel vm0, v48, v43;
	vm1 =	vmor vm5, vm1  }
0x31e: {  	v44 =	vsel vm0, v50, v44;
	vm3 =	vmor vm8, vm3;
	v59 =	vsel vm1, v53, v56  }
0x31f: {  	v60 =	vsel vm1, v57, v54;
	v61 =	vsel vm3, v55, v58;
	v46 =	vsel vm3, v51, v46  }
0x320: {  	vm12 =	vgt.f32 v59, v43;
	vm13 =	veq.f32 v59, v43;
	vm4 =	vlt.s32 v60, v44  }
0x321: {  	vm2 =	veq.f32 v61, v47;
	vm3 =	vlt.s32 v46, v45;
	vm1 =	vmand vm13, vm4  }
0x322: {  	vm4 =	vgt.f32 v61, v47;
	vm2 =	vmand vm2, vm3;
	vm0 =	vmor vm12, vm1  }
0x323: {  	vm14 =	vmor vm4, vm2;
	v44 =	vsel vm0, v60, v44  }
0x324: {  	v47 =	vsel vm14, v61, v47;
	v45 =	vsel vm14, v46, v45;
	v43 =	vsel vm0, v59, v43  }
0x325: {  	vm15 =	veq.f32 v43, v47;
	vm9 =	vlt.s32 v44, v45  }
0x326: {  	vm0 =	vgt.f32 v43, v47;
	vm1 =	vmand vm15, vm9  }
0x327: {  	vm0 =	vmor vm0, vm1  }
0x328: {  	v43 =	vsel vm0, v43, v47;
	v44 =	vsel vm0, v44, v45  }
0x329: {  	v62 =	vperm.xlane v43, v5;
	v63 =	vperm.xlane v44, v5;
	_ =	sdelay $0x1  }
0x32a: {  	vm11 =	veq.f32 v62, v43;
	vm12 =	vlt.s32 v63, v44  }
0x32b: {  	vm10 =	vgt.f32 v62, v43;
	vm1 =	vmand vm11, vm12  }
0x32c: {  	vm0 =	vmor vm10, vm1  }
0x32d: {  	v43 =	vsel vm0, v62, v43;
	v44 =	vsel vm0, v63, v44  }
0x32e: {  	v45 =	vperm.xlane v43, v6;
	v46 =	vperm.xlane v44, v6  }
0x32f: {  	p0 =	seq.s32 s21, $0x3F  }
.Ltmp22:
0x330: {  	vm14 =	veq.f32 v45, v43;
	vm15 =	vlt.s32 v46, v44;
	(pc) =	sbr.rel @!p0 .LBB2_35-.Ltmp22, $4  }
0x331: {  	vm13 =	vgt.f32 v45, v43;
	vm1 =	vmand vm14, vm15  }
0x332: {  	vm0 =	vmor vm13, vm1  }
0x333: {  	s22 =	smov.u32 s21;
	v43 =	vsel vm0, v45, v43;
	v44 =	vsel vm0, v46, v44  }
0x334: {  	s21 =	sadd.s32 $0x1, s21;
	s20 =	smov.u32 s22;
	v45 =	vperm.xlane v43, v7;
	v46 =	vperm.xlane v44, v7  }
0x335: {  	_ = 	snop  }
0x336: {  	vm0 =	veq.f32 v45, v43;
	vm1 =	vlt.s32 v46, v44  }
0x337: {  	v11 =	vmov s20;
	vm2 =	vgt.f32 v45, v43;
	vm0 =	vmand vm0, vm1  }
0x338: {  	v11 =	vand.u32 $0x7F, v11;
	vm0 =	vmor vm2, vm0  }
0x339: {  	v11 =	vbroadcast v11, $0x0;
	v12 =	vsel vm0, v45, v43;
	v13 =	vsel vm0, v46, v44  }
0x33a: {  	v14 =	vperm.xlane v12, v8;
	v15 =	vperm.xlane v13, v8  }
0x33b: {  	v10 =	vor.u32 v10, v11  }
0x33c: {  	vm13 =	veq.f32 v14, v12;
	vm14 =	vlt.s32 v15, v13  }
.Ltmp23:
0x33d: {  	vm15 =	vgt.f32 v14, v12;
	vm0 =	vmand vm13, vm14;
	(pc) =	sbr.rel .LBB2_12-.Ltmp23, $4  }
0x33e: {  	vm0 =	vmor vm15, vm0  }
0x33f: {  	v11 =	vsel vm0, v14, v12  }
0x340: {  	v63 =	vsel vm0, v15, v13;
	[tilespmem:v10+s13+$0x0] =	vst.idx.msk $0x1, v11  }
0x341: {  	[tilespmem:v10+s14+$0x0] =	vst.idx.msk $0x1, v63  }
.LBB2_37:
0x342: {  	s20 =	sadd.s32 $0xF, s21  }
0x343: {  	s22 =	sand.u32 $0xF, s20  }
0x344: {  	s23 =	sshra.s32 s20, $0x1F;
	p0 =	slt.s32 s20, $0x0;
	p1 =	sne.s32 s22, $0x0  }
0x345: {  	s31 =	sshrl.u32 s23, $0x1C;
	p0 =	por !p0, !p1  }
0x346: {  	s22 =	simm.s32 $0x1;
	s20 =	sadd.s32 s31, s20;
	p0 =	por !p0, !p0  }
0x347: {  	s20 =	sshra.s32 s20, $0x4;
	s22 =	simm.s32 @!p0 $0x0  }
0x348: {  	s22 =	ssub.s32 s20, s22  }
0x349: {  	s20 =	sshrl.u32 s22, $0x1F  }
.Ltmp24:
0x34a: {  	s20 =	sadd.s32 s20, s22;
	(pc) =	sbr.rel .LBB2_38-.Ltmp24, $4  }
0x34b: {  	s20 =	sand.u32 $0xFFFFFFFE, s20  }
0x34c: {  	s22 =	ssub.s32 s22, s20  }
0x34d: {  	s23 =	sshll.u32 s20, $0x6;
	p0 =	slt.s32 s22, $0x1  }
0x34e: {  	[tilespmem:s21+$0x10100] =	vst v2;
	v10 =	vshll.u32 v10, $0x7;
	s21 =	simm.s32 $0x0;
	p1 =	slt.s32 s20, $0x1;
	s22 =	sshra.s32 @!p0 s23, $0x2  }
.LBB2_39:
0x34f: {  	v12 =	vimm.s32 $0x40000000;
	v13 =	vimm.f32 $-Inf  }
.LBB2_40:
0x350: {  	v14 =	vld @!p0 [tilespmem:s22+$0x10100];
	_ =	sdelay $0x4  }
0x351: {  	v15 =	vadd.s32 @!p0 v11, v14;
	_ =	sdelay $0x3  }
0x352: {  	s23 =	simm.s32 @!p0 $0x0  }
0x353: {  	v15 =	vld.idx.msk @!p0 [tilespmem:v15+s23+$0x0], $0xffff;
	_ =	sdelay $0x4  }
0x354: {  	vm0 =	vlt.s32 @!p0 v14, v12;
	vm1 =	veq.f32 @!p0 v15, v13  }
0x355: {  	vm2 =	vgt.f32 @!p0 v15, v13;
	vm0 =	vmand @!p0 vm0, vm1  }
0x356: {  	vm0 =	vmor @!p0 vm2, vm0  }
0x357: {  	v14 =	vsel @!p0 vm0, v14, v12;
	v15 =	vsel @!p0 vm0, v15, v13  }
0x358: {  	v13 =	vpsel p0, v13, v15;
	v12 =	vpsel p0, v12, v14  }
0x359: {  	v62 =	vperm.xlane v13, v5;
	v63 =	vperm.xlane v12, v5;
	_ =	sdelay $0x1  }
0x35a: {  	vm4 =	veq.f32 v62, v13;
	vm5 =	vlt.s32 v63, v12  }
0x35b: {  	vm6 =	vgt.f32 v62, v13;
	vm0 =	vmand vm4, vm5  }
0x35c: {  	vm0 =	vmor vm6, vm0  }
0x35d: {  	v13 =	vsel vm0, v62, v13;
	v12 =	vsel vm0, v63, v12  }
0x35e: {  	v14 =	vperm.xlane v13, v6;
	v15 =	vperm.xlane v12, v6;
	_ =	sdelay $0x1  }
0x35f: {  	vm7 =	veq.f32 v14, v13;
	vm8 =	vlt.s32 v15, v12  }
0x360: {  	vm9 =	vgt.f32 v14, v13;
	vm0 =	vmand vm7, vm8  }
0x361: {  	vm0 =	vmor vm9, vm0  }
0x362: {  	v13 =	vsel vm0, v14, v13;
	v12 =	vsel vm0, v15, v12  }
0x363: {  	v14 =	vperm.xlane v13, v7;
	v15 =	vperm.xlane v12, v7;
	_ =	sdelay $0x1  }
0x364: {  	vm10 =	veq.f32 v14, v13;
	vm11 =	vlt.s32 v15, v12  }
0x365: {  	vm12 =	vgt.f32 v14, v13;
	vm0 =	vmand vm10, vm11  }
0x366: {  	vm0 =	vmor vm12, vm0  }
0x367: {  	v13 =	vsel vm0, v14, v13;
	v12 =	vsel vm0, v15, v12  }
0x368: {  	v16 =	vmov s21;
	v14 =	vperm.xlane v13, v8;
	v15 =	vperm.xlane v12, v8  }
0x369: {  	v16 =	vand.u32 $0x7F, v16  }
0x36a: {  	v16 =	vbroadcast v16, $0x0;
	vm13 =	veq.f32 v14, v13;
	vm14 =	vlt.s32 v15, v12  }
0x36b: {  	vm15 =	vgt.f32 v14, v13;
	vm0 =	vmand vm13, vm14  }
0x36c: {  	v16 =	vor.u32 v10, v16;
	vm0 =	vmor vm15, vm0  }
0x36d: {  	s21 =	sadd.s32 $0x1, s21;
	v12 =	vsel vm0, v15, v12  }
0x36e: {  	p2 =	sne.s32 s21, $0x40;
	v15 =	vadd.s32 v11, v12  }
.Ltmp25:
0x36f: {  	_ = 	snop;
	(pc) =	sbr.rel @!p2 .LBB2_12-.Ltmp25, $4  }
0x370: {  	v13 =	vsel vm0, v14, v13  }
0x371: {  	[tilespmem:v16+s13+$0x0] =	vst.idx.msk $0x1, v13  }
0x372: {  	[tilespmem:v16+s14+$0x0] =	vst.idx.msk $0x1, v12  }
0x373: {  	[tilespmem:v15+s1+$0x0] =	vst.idx.msk $0x1, v0  }
.LBB2_38:
.Ltmp26:
0x374: {  	(pc) =	sbr.rel @p1 .LBB2_39-.Ltmp26, $1  }
0x375: {  	_ =	sdelay $0x3  }
0x376: {  	s23 =	simm.s32 $0x10110  }
0x377: {  	p3 =	sgt.s32 s20, $0x2;
	v14 =	vld [tilespmem:s23+$0xFFFFFFF0]  }
.Ltmp27:
0x378: {  	_ = 	snop;
	(pc) =	sbr.rel @!p3 .LBB2_42-.Ltmp27, $2  }
0x379: {  	_ =	sdelay $0x2  }
0x37a: {  	v13 =	vimm.f32 $-Inf;
	v12 =	vimm.s32 $0x40000000;
	p2 =	por $0x0, $0x0;
	v16 =	vld [tilespmem:s23+$0x0];
	s23 =	simm.s32 $0x10130;
	v17 =	vadd.s32 v11, v14  }
0x37b: {  	_ =	sdelay $0x1  }
0x37c: {  	v20 =	vld [tilespmem:s23+$0xFFFFFFF0];
	_ =	sdelay $0x1  }
0x37d: {  	p3 =	sgt.s32 s20, $0x4;
	v18 =	vadd.s32 v11, v16  }
.Ltmp28:
0x37e: {  	v19 =	vld.idx.msk [tilespmem:v17+s1+$0x0], $0xffff;
	(pc) =	sbr.rel @!p3 .LBB2_44-.Ltmp28, $3  }
0x37f: {  	v15 =	vld [tilespmem:s23+$0x0]  }
0x380: {  	v17 =	vadd.s32 v11, v20;
	_ =	sdelay $0x1  }
0x381: {  	s23 =	simm.s32 $0x4;
	s24 =	simm.s32 $0x10150;
	p2 =	por $0x1, $0x1;
	v21 =	vimm.f32 $-Inf;
	v22 =	vimm.s32 $0x40000000;
	v18 =	vld.idx.msk [tilespmem:v18+s1+$0x0], $0xffff  }
.LBB2_45:
0x382: {  	v23 =	vld [tilespmem:s24+$0xFFFFFFF0];
	s23 =	sadd.s32 $0x2, s23;
	vm0 =	veq.f32 v19, v21;
	vm1 =	vlt.s32 v14, v22;
	v24 =	vmov v19  }
0x383: {  	p3 =	slt.s32 s23, s20;
	v25 =	vadd.s32 v11, v15;
	vm2 =	vgt.f32 v24, v21;
	vm0 =	vmand vm1, vm0;
	v26 =	vmovc v15  }
0x384: {  	v19 =	vld.idx.msk [tilespmem:v17+s1+$0x0], $0xffff;
	vm0 =	vmor vm2, vm0  }
.Ltmp29:
0x385: {  	v21 =	vsel vm0, v24, v21;
	v22 =	vsel vm0, v14, v22;
	v14 =	vmov v20;
	(pc) =	sbr.rel @p3 .LBB2_45-.Ltmp29, $4  }
0x386: {  	v24 =	vmov v18;
	v15 =	vld [tilespmem:s24+$0x0];
	vm0 =	veq.f32 v18, v21;
	vm1 =	vlt.s32 v16, v22  }
0x387: {  	vm2 =	vgt.f32 v24, v21;
	v17 =	vadd.s32 v11, v23;
	vm0 =	vmand vm0, vm1;
	v20 =	vmovc v23  }
0x388: {  	v18 =	vld.idx.msk [tilespmem:v25+s1+$0x0], $0xffff;
	vm0 =	vmor vm2, vm0  }
0x389: {  	s24 =	sadd.s32 $0x20, s24;
	v21 =	vsel vm0, v24, v21;
	v22 =	vsel vm0, v16, v22;
	v16 =	vmov v26  }
0x38a: {  	v23 =	vmov v14;
	v14 =	vmov v20  }
.LBB2_47:
0x38b: {  	vm0 =	veq.f32 @p2 v19, v21;
	vm1 =	vlt.s32 @p2 v23, v22  }
0x38c: {  	vm2 =	vgt.f32 @p2 v19, v21;
	vm0 =	vmand @p2 vm1, vm0  }
0x38d: {  	vm0 =	vmor @p2 vm2, vm0  }
0x38e: {  	v20 =	vadd.s32 v11, v15;
	v19 =	vsel @p2 vm0, v19, v21;
	v21 =	vsel @p2 vm0, v23, v22  }
0x38f: {  	v17 =	vld.idx.msk [tilespmem:v17+s1+$0x0], $0xffff;
	vm0 =	veq.f32 @p2 v18, v19;
	vm1 =	vlt.s32 @p2 v16, v21  }
0x390: {  	vm2 =	vgt.f32 @p2 v18, v19;
	vm0 =	vmand @p2 vm0, vm1  }
0x391: {  	vm0 =	vmor @p2 vm2, vm0  }
0x392: {  	v18 =	vsel @p2 vm0, v18, v19;
	v16 =	vsel @p2 vm0, v16, v21  }
0x393: {  	v63 =	vld.idx.msk [tilespmem:v20+s1+$0x0], $0xffff;
	v13 =	vpsel p2, v18, v13;
	v12 =	vpsel p2, v16, v12  }
0x394: {  	vm10 =	veq.f32 v17, v13;
	vm11 =	vlt.s32 v14, v12  }
0x395: {  	vm12 =	vgt.f32 v17, v13;
	vm0 =	vmand vm11, vm10  }
0x396: {  	vm0 =	vmor vm12, vm0  }
.Ltmp30:
0x397: {  	v13 =	vsel vm0, v17, v13;
	v12 =	vsel vm0, v14, v12;
	(pc) =	sbr.rel .LBB2_40-.Ltmp30, $4  }
0x398: {  	vm13 =	veq.f32 v63, v13;
	vm14 =	vlt.s32 v15, v12  }
0x399: {  	vm15 =	vgt.f32 v63, v13;
	vm0 =	vmand vm13, vm14  }
0x39a: {  	vm0 =	vmor vm15, vm0  }
0x39b: {  	v13 =	vsel vm0, v63, v13;
	v12 =	vsel vm0, v15, v12  }
.LBB2_42:
.Ltmp31:
0x39c: {  	_ = 	snop;
	(pc) =	sbr.rel .LBB2_47-.Ltmp31, $2  }
0x39d: {  	_ =	sdelay $0x2  }
0x39e: {  	v21 =	vimm.f32 $-Inf;
	v22 =	vimm.s32 $0x40000000;
	v15 =	vmov v16  }
.LBB2_44:
.Ltmp32:
0x39f: {  	(pc) =	sbr.rel .LBB2_47-.Ltmp32, $2  }
0x3a0: {  	_ =	sdelay $0x2  }
0x3a1: {  	v23 =	vmovc v14;
	v21 =	vimm.f32 $-Inf;
	v22 =	vimm.s32 $0x40000000;
	v14 =	vmov v20  }
.LBB2_14:
0x3a2: {  	_ =	sfence.sel $0x180000  }
0x3a3: {  	[bflag:$0x0] =	sbarrier.arrive $0xFFFF  }
0x3a4: {  	p0 =	sne.s32 s2, $0x0;
	_ =	strace $0x90000047  }
0x3a5: {  	s0 =	sadd.s32 @!p0 $0x100000, s3;
	[bflag:$0x2] =	sbarrier.arrive $0xFFFF  }
0x3a6: {  	[sflag:s0] =	ssyncadd.tile.s32 @!p0 $0x1;
	_ =	shalt  }
.Lfunc_end2:
_tile_overlayer_lowered:
.L_overlay_start_2:
0x3a7: {  	(tag) =	ssettag $0x2  }
0x3a8: {  	s0 =	rddreg [dreg:$0x0];
	s2 =	stileid.u32  }
0x3a9: {  	s1 =	rddreg [dreg:$0x1];
	p0 =	sne.s32 s2, $0x0  }
0x3aa: {  	s3 =	rddreg [dreg:$0x2];
	[bflag:$0x3] =	sbarrier.arrive $0xFFFF;
	s2 =	simm.s32 @!p0 $0x1C05  }
0x3ab: {  	[timem:s3], [sflag:s2] =	dma.local @!p0 [hbm:s0], s1  }
0x3ac: {  	s0 =	simm.s32 @!p0 $0x5  }
0x3ad: {  	_ =	swait.ge @!p0 [sflag:s0], s1  }
0x3ae: {  	s1 =	ssub.s32 @!p0 $0x0, s1;
	[sflag:s0] =	ssyncset.done @!p0 $0x0  }
0x3af: {  	[sflag:s0] =	ssyncadd.s32 @!p0 s1  }
0x3b0: {  	[bflag:$0x3] =	sbarrier.arrive $0xFFFF  }
0x3b1: {  	_ =	shalt  }

</sc_bundles>
